<compile_context>
chip_gen: v7x
topology: tpu7x:2x2x1
jax: 0.10.2.dev20260603
libtpu: 0.0.44.dev20260713+nightly
codegen_flags: <defaults>
</compile_context>

<pallas_src>
import functools

import jax
import jax.numpy as jnp
from jax import lax
from jax.experimental import pallas as pl
from jax.experimental.pallas import tpu as pltpu
from jax.experimental.pallas import tpu_sc as plsc

_NEG_POS_RATIO = 3.0

_B = 64
_P = 8732
_C = 21
_RB = 32
_PB = 3072
_NPB = (_P + _PB - 1) // _PB
_P2 = _NPB * _PB


def _phase1(conf_ref, lab_ref, diff_ref,
            bits_ref, ce_ref, np_ref, cep_ref, sl1_ref):
    pblk = pl.program_id(1)
    lab = lab_ref[...]
    pid = jax.lax.broadcasted_iota(jnp.int32, lab.shape, 1) + pblk * _PB
    valid = pid < _P

    conf0 = conf_ref[0]
    s = jnp.exp(conf0)
    conf_lab = jnp.where(lab == 0, conf0, 0.0)
    for c in range(1, _C):
        x_c = conf_ref[c]
        s += jnp.exp(x_c)
        conf_lab += jnp.where(lab == c, x_c, 0.0)
    lse = jnp.log(s)
    ce = lse - conf_lab
    loss = jnp.maximum(lse - conf0, 0.0)

    pos = (lab > 0) & valid
    neg_cand = (lab == 0) & valid
    bits = jnp.where(neg_cand,
                     jax.lax.bitcast_convert_type(loss, jnp.int32),
                     jnp.int32(-1))
    bits_ref[...] = bits
    ce_ref[...] = jnp.where(valid, ce, 0.0)

    np_blk = jnp.sum(pos.astype(jnp.float32), axis=1)
    cep_blk = jnp.sum(jnp.where(pos, ce, 0.0), axis=1)
    sl1 = jnp.zeros(lab.shape, jnp.float32)
    for c in range(4):
        d = diff_ref[c]
        ad = jnp.abs(d)
        sl1 += jnp.where(ad < 1.0, 0.5 * d * d, ad - 0.5)
    sl1_blk = jnp.sum(jnp.where(pos, sl1, 0.0), axis=1)

    @pl.when(pblk == 0)
    def _init():
        np_ref[...] = jnp.zeros_like(np_ref)
        cep_ref[...] = jnp.zeros_like(cep_ref)
        sl1_ref[...] = jnp.zeros_like(sl1_ref)

    np_ref[...] += jnp.broadcast_to(np_blk[:, None], np_ref.shape)
    cep_ref[...] += jnp.broadcast_to(cep_blk[:, None], cep_ref.shape)
    sl1_ref[...] += jnp.broadcast_to(sl1_blk[:, None], sl1_ref.shape)


_NCH = _P2 // 16


def _make_sc_select():
    mesh = plsc.VectorSubcoreMesh(core_axis_name="c", subcore_axis_name="s")
    return functools.partial(
        pl.kernel, mesh=mesh,
        out_type=jax.ShapeDtypeStruct((_B, 16), jnp.float32),
        scratch_types=[
            pltpu.VMEM((2, _P2), jnp.int32),
            pltpu.VMEM((2, _P2), jnp.float32),
            pltpu.VMEM((2, 128), jnp.float32),
            pltpu.VMEM((16,), jnp.float32),
            pltpu.SemaphoreType.DMA,
            pltpu.SemaphoreType.DMA,
        ],
    )(_sc_select)


def _sc_select(bits_hbm, ce_hbm, np_hbm, out_hbm,
               bits2_v, ce2_v, np2_v, out_v, sem0, sem1):
    wid = lax.axis_index("s") * 2 + lax.axis_index("c")
    zero16i = jnp.zeros((16,), jnp.int32)
    zero16f = jnp.zeros((16,), jnp.float32)
    one16i = jnp.ones((16,), jnp.int32)

    sems = (sem0, sem1)
    handles = []
    for ri in range(2):
        r = wid * 2 + ri
        handles.append((
            pltpu.async_copy(bits_hbm.at[r], bits2_v.at[ri], sems[ri]),
            pltpu.async_copy(ce_hbm.at[r], ce2_v.at[ri], sems[ri]),
            pltpu.async_copy(np_hbm.at[r], np2_v.at[ri], sems[ri]),
        ))
    for ri in range(2):
        r = wid * 2 + ri
        for h in handles[ri]:
            h.wait()
        bits_v = bits2_v.at[ri]
        ce_v = ce2_v.at[ri]
        np_v = np2_v.at[ri]
        npos = np_v[pl.ds(0, 16)][0]
        k = _NEG_POS_RATIO * npos

        def _lanesum(v16):
            s = v16[0]
            for l in range(1, 16):
                s = s + v16[l]
            return s

        def p1(j, carry):
            cnt16, ce16 = carry
            for u in range(8):
                v = bits_v[pl.ds(j * 128 + u * 16, 16)]
                m = v >= 0
                cnt16 = cnt16 + jnp.where(m, one16i, zero16i)
                ce16 = ce16 + jnp.where(
                    m, ce_v[pl.ds(j * 128 + u * 16, 16)], zero16f)
            return cnt16, ce16
        cnt16, ce16 = lax.fori_loop(0, _NCH // 8, p1, (zero16i, zero16f))
        c_neg = _lanesum(cnt16)
        ce_all = _lanesum(ce16)

        def general(_):
            ki = k.astype(jnp.int32)

            def bs(i, t):
                cand_t = t | lax.shift_left(jnp.int32(1), 30 - i)
                def cntf(j, acc):
                    v = bits_v[pl.ds(j * 16, 16)]
                    return acc + jnp.where(v >= cand_t, one16i, zero16i)
                acc = lax.fori_loop(0, _NCH, cntf, zero16i)
                return jnp.where(_lanesum(acc) >= ki, cand_t, t)
            tstar = lax.fori_loop(0, 31, bs, jnp.int32(0))

            def tally(j, carry):
                cgt, sgt, ceq, seq = carry
                v = bits_v[pl.ds(j * 16, 16)]
                w = ce_v[pl.ds(j * 16, 16)]
                gtm = v > tstar
                eqm = v == tstar
                cgt = cgt + jnp.where(gtm, one16i, zero16i)
                sgt = sgt + jnp.where(gtm, w, zero16f)
                ceq = ceq + jnp.where(eqm, one16i, zero16i)
                seq = seq + jnp.where(eqm, w, zero16f)
                return cgt, sgt, ceq, seq
            cgt, sgt, ceq, seq = lax.fori_loop(
                0, _NCH, tally, (zero16i, zero16f, zero16i, zero16f))
            c_gt = _lanesum(cgt).astype(jnp.float32)
            s_gt = _lanesum(sgt)
            c_eq = _lanesum(ceq).astype(jnp.float32)
            s_eq = _lanesum(seq)
            return s_gt, k - c_gt, s_eq, c_eq

        a, b, c, d = lax.cond(
            k >= c_neg.astype(jnp.float32),
            lambda _: (ce_all, jnp.float32(0.0), jnp.float32(0.0),
                       jnp.float32(1.0)),
            general, 0)
        out_v[...] = ((zero16f + a)
                      + (zero16f + b) * (zero16f + c)
                      / jnp.maximum(zero16f + d, 1.0))
        pltpu.sync_copy(out_v, out_hbm.at[r])


def _phase3(negce_ref, np_ref, cep_ref, sl1_ref, out_ref):
    total_np = jnp.sum(np_ref[:, 0:1])
    cls = (jnp.sum(cep_ref[:, 0:1]) + jnp.sum(negce_ref[:, 0:1])) / total_np
    sl1 = jnp.sum(sl1_ref[:, 0:1]) / total_np
    out_ref[...] = jnp.broadcast_to(
        jnp.stack([cls, sl1]).reshape(2, 1), out_ref.shape)


def kernel(confidence, predicted_locations, labels, gt_locations):
    conf_t = jnp.transpose(confidence, (2, 0, 1))
    diff_t = jnp.transpose(predicted_locations - gt_locations, (2, 0, 1))
    bits, ce, npos, cep, sl1 = pl.pallas_call(
        _phase1,
        grid=(_B // _RB, _NPB),
        in_specs=[
            pl.BlockSpec((_C, _RB, _PB), lambda b, p: (0, b, p)),
            pl.BlockSpec((_RB, _PB), lambda b, p: (b, p)),
            pl.BlockSpec((4, _RB, _PB), lambda b, p: (0, b, p)),
        ],
        out_specs=[
            pl.BlockSpec((_RB, _PB), lambda b, p: (b, p)),
            pl.BlockSpec((_RB, _PB), lambda b, p: (b, p)),
            pl.BlockSpec((_RB, 128), lambda b, p: (b, 0)),
            pl.BlockSpec((_RB, 128), lambda b, p: (b, 0)),
            pl.BlockSpec((_RB, 128), lambda b, p: (b, 0)),
        ],
        out_shape=[
            jax.ShapeDtypeStruct((_B, _P2), jnp.int32),
            jax.ShapeDtypeStruct((_B, _P2), jnp.float32),
            jax.ShapeDtypeStruct((_B, 128), jnp.float32),
            jax.ShapeDtypeStruct((_B, 128), jnp.float32),
            jax.ShapeDtypeStruct((_B, 128), jnp.float32),
        ],
    )(conf_t, labels.astype(jnp.int32), diff_t)

    negce = _make_sc_select()(bits, ce, npos)
    out = pl.pallas_call(
        _phase3,
        out_shape=jax.ShapeDtypeStruct((2, 128), jnp.float32),
    )(negce, npos, cep, sl1)
    return (out[0, 0], out[1, 0])

# --- scband reference (transcript-rebuilt; emitter-appended) ---
"""Pipeline reference for scband-multibox-loss-53180285059486 (READ-ONLY COPY).

The authoritative reference and input builder live on the scoring server;
editing this copy changes nothing except your own understanding.
"""

import jax, jax.numpy as jnp
import numpy as np

NEG_POS_RATIO = 3.0

def setup_inputs(seed: int = 0) -> dict:
    key = jax.random.key(seed)
    k1, k2, k3, k4 = jax.random.split(key, 4)
    B, P, C = 64, 8732, 21
    confidence = jax.random.normal(k1, (B, P, C), dtype=jnp.float32)
    predicted_locations = jax.random.normal(k2, (B, P, 4), dtype=jnp.float32)
    labels = jax.random.randint(k3, (B, P), 0, 21)
    gt_locations = jax.random.normal(k4, (B, P, 4), dtype=jnp.float32)
    return {"confidence": confidence, "predicted_locations": predicted_locations, "labels": labels, "gt_locations": gt_locations}

def hard_negative_mining(loss, labels, neg_pos_ratio):
    pos_mask = labels > 0
    num_pos = jnp.sum(pos_mask.astype(jnp.int32), axis=1, keepdims=True)
    num_neg = num_pos.astype(jnp.float32) * neg_pos_ratio
    loss = jnp.where(pos_mask, -jnp.inf, loss)
    # descending sort indices, then rank of each element (double argsort)
    indexes = jnp.argsort(-loss, axis=1)
    orders = jnp.argsort(indexes, axis=1)
    neg_mask = orders.astype(jnp.float32) < num_neg
    return pos_mask | neg_mask

def reference(confidence, predicted_locations, labels, gt_locations):
    num_classes = confidence.shape[2]
    logp = jax.nn.log_softmax(confidence, axis=2)
    # hard negative mining is done under no_grad in the original
    loss = jax.lax.stop_gradient(-logp[:, :, 0])
    mask = hard_negative_mining(loss, labels, NEG_POS_RATIO)
    # cross entropy with sum reduction over masked (pos + selected neg) positions
    ce = -jnp.take_along_axis(logp, labels[:, :, None].astype(jnp.int32), axis=2)[:, :, 0]
    classification_loss = jnp.sum(jnp.where(mask, ce, 0.0))
    # smooth L1 (beta=1) over positive positions, sum reduction
    pos_mask = labels > 0
    diff = predicted_locations - gt_locations
    absd = jnp.abs(diff)
    sl1 = jnp.where(absd < 1.0, 0.5 * diff * diff, absd - 0.5)
    smooth_l1_loss = jnp.sum(jnp.where(pos_mask[:, :, None], sl1, 0.0))
    num_pos = jnp.sum(pos_mask).astype(jnp.float32)
    return (classification_loss / num_pos, smooth_l1_loss / num_pos)

if __name__ == "__main__":
    import jax
    _d = setup_inputs()
    print(jax.jit(kernel)(*tuple(_d.values())))

</pallas_src>

<mosaic_0001>
#map = affine_map<(d0, d1) -> (0, 0)>
module attributes {stable_mosaic.version = 14 : i64} {
  func.func @_sc_select(%arg0: i32, %arg1: i32, %arg2: memref<64x9216xi32, #tpu.memory_space<hbm>>, %arg3: memref<64x9216xf32, #tpu.memory_space<hbm>>, %arg4: memref<64x128xf32, #tpu.memory_space<hbm>>, %arg5: memref<64x16xf32, #tpu.memory_space<hbm>>, %arg6: memref<2x9216xi32, #tpu.memory_space<vmem>>, %arg7: memref<2x9216xf32, #tpu.memory_space<vmem>>, %arg8: memref<2x128xf32, #tpu.memory_space<vmem>>, %arg9: memref<16xf32, #tpu.memory_space<vmem>>, %arg10: memref<!tpu.dma_semaphore, #tpu.memory_space<semaphore_mem>>, %arg11: memref<!tpu.dma_semaphore, #tpu.memory_space<semaphore_mem>>) attributes {dimension_semantics = [#tpu.dimension_semantics<core_parallel>, #tpu.dimension_semantics<subcore_parallel>], iteration_bounds = array<i64: 2, 16>, scalar_prefetch = 0 : i64, scratch_operands = 6 : i64, tpu.core_type = #tpu.core_type<sc_vector_subcore>, window_params = [{transform_indices = #map}, {transform_indices = #map}, {transform_indices = #map}, {transform_indices = #map}]} {
    %mul3A = arith.constant 2 : i32
    %mul3A_0 = arith.muli %arg1, %mul3A : i32
    %add3A = arith.addi %mul3A_0, %arg0 : i32
    %broadcast_in_dim3A = arith.constant 0 : i32
    %broadcast_in_dim3A_1 = vector.broadcast %broadcast_in_dim3A : i32 to vector<16xi32>
    %broadcast_in_dim3A_2 = arith.constant 0.000000e+00 : f32
    %broadcast_in_dim3A_3 = vector.broadcast %broadcast_in_dim3A_2 : f32 to vector<16xf32>
    %broadcast_in_dim3A_4 = arith.constant 1 : i32
    %broadcast_in_dim3A_5 = vector.broadcast %broadcast_in_dim3A_4 : i32 to vector<16xi32>
    %mul3A_6 = arith.constant 2 : i32
    %mul3A_7 = arith.muli %add3A, %mul3A_6 : i32
    %add3A_8 = arith.constant 0 : i32
    %add3A_9 = arith.addi %mul3A_7, %add3A_8 : i32
    %dma_start3A = arith.constant 0 : i32
    %dma_start3A_10 = arith.constant 0 : i32
    %dma_start3A_11 = tpu.memref_slice %arg6[%dma_start3A, %dma_start3A_10] : memref<2x9216xi32, #tpu.memory_space<vmem>> -> memref<1x9216xi32, #tpu.memory_space<vmem>>
    %dma_start3A_12 = tpu.memref_squeeze %dma_start3A_11 : memref<1x9216xi32, #tpu.memory_space<vmem>> -> memref<9216xi32, #tpu.memory_space<vmem>>
    %dma_start3A_13 = arith.constant 0 : i32
    %dma_start3A_14 = tpu.memref_slice %arg2[%add3A_9, %dma_start3A_13] : memref<64x9216xi32, #tpu.memory_space<hbm>> -> memref<1x9216xi32, #tpu.memory_space<hbm>>
    %dma_start3A_15 = tpu.memref_squeeze %dma_start3A_14 : memref<1x9216xi32, #tpu.memory_space<hbm>> -> memref<9216xi32, #tpu.memory_space<hbm>>
    %dma_start3A_16 = arith.constant 0 : i32
    %dma_start3A_17 = tpu.memref_slice %arg6[%dma_start3A, %dma_start3A_16] : memref<2x9216xi32, #tpu.memory_space<vmem>> -> memref<1x9216xi32, #tpu.memory_space<vmem>>
    %dma_start3A_18 = tpu.memref_squeeze %dma_start3A_17 : memref<1x9216xi32, #tpu.memory_space<vmem>> -> memref<9216xi32, #tpu.memory_space<vmem>>
    %dma_start3A_19 = arith.constant 0 : i32
    %dma_start3A_20 = tpu.memref_slice %arg2[%add3A_9, %dma_start3A_19] : memref<64x9216xi32, #tpu.memory_space<hbm>> -> memref<1x9216xi32, #tpu.memory_space<hbm>>
    %dma_start3A_21 = tpu.memref_squeeze %dma_start3A_20 : memref<1x9216xi32, #tpu.memory_space<hbm>> -> memref<9216xi32, #tpu.memory_space<hbm>>
    tpu.enqueue_dma source(%dma_start3A_21 : memref<9216xi32, #tpu.memory_space<hbm>>) target(%dma_start3A_18 : memref<9216xi32, #tpu.memory_space<vmem>>) target_semaphore(%arg10 : memref<!tpu.dma_semaphore, #tpu.memory_space<semaphore_mem>>)
    %dma_start3A_22 = arith.constant 0 : i32
    %dma_start3A_23 = arith.constant 0 : i32
    %dma_start3A_24 = tpu.memref_slice %arg7[%dma_start3A_22, %dma_start3A_23] : memref<2x9216xf32, #tpu.memory_space<vmem>> -> memref<1x9216xf32, #tpu.memory_space<vmem>>
    %dma_start3A_25 = tpu.memref_squeeze %dma_start3A_24 : memref<1x9216xf32, #tpu.memory_space<vmem>> -> memref<9216xf32, #tpu.memory_space<vmem>>
    %dma_start3A_26 = arith.constant 0 : i32
    %dma_start3A_27 = tpu.memref_slice %arg3[%add3A_9, %dma_start3A_26] : memref<64x9216xf32, #tpu.memory_space<hbm>> -> memref<1x9216xf32, #tpu.memory_space<hbm>>
    %dma_start3A_28 = tpu.memref_squeeze %dma_start3A_27 : memref<1x9216xf32, #tpu.memory_space<hbm>> -> memref<9216xf32, #tpu.memory_space<hbm>>
    %dma_start3A_29 = arith.constant 0 : i32
    %dma_start3A_30 = tpu.memref_slice %arg7[%dma_start3A_22, %dma_start3A_29] : memref<2x9216xf32, #tpu.memory_space<vmem>> -> memref<1x9216xf32, #tpu.memory_space<vmem>>
    %dma_start3A_31 = tpu.memref_squeeze %dma_start3A_30 : memref<1x9216xf32, #tpu.memory_space<vmem>> -> memref<9216xf32, #tpu.memory_space<vmem>>
    %dma_start3A_32 = arith.constant 0 : i32
    %dma_start3A_33 = tpu.memref_slice %arg3[%add3A_9, %dma_start3A_32] : memref<64x9216xf32, #tpu.memory_space<hbm>> -> memref<1x9216xf32, #tpu.memory_space<hbm>>
    %dma_start3A_34 = tpu.memref_squeeze %dma_start3A_33 : memref<1x9216xf32, #tpu.memory_space<hbm>> -> memref<9216xf32, #tpu.memory_space<hbm>>
    tpu.enqueue_dma source(%dma_start3A_34 : memref<9216xf32, #tpu.memory_space<hbm>>) target(%dma_start3A_31 : memref<9216xf32, #tpu.memory_space<vmem>>) target_semaphore(%arg10 : memref<!tpu.dma_semaphore, #tpu.memory_space<semaphore_mem>>)
    %dma_start3A_35 = arith.constant 0 : i32
    %dma_start3A_36 = arith.constant 0 : i32
    %dma_start3A_37 = tpu.memref_slice %arg8[%dma_start3A_35, %dma_start3A_36] : memref<2x128xf32, #tpu.memory_space<vmem>> -> memref<1x128xf32, #tpu.memory_space<vmem>>
    %dma_start3A_38 = tpu.memref_squeeze %dma_start3A_37 : memref<1x128xf32, #tpu.memory_space<vmem>> -> memref<128xf32, #tpu.memory_space<vmem>>
    %dma_start3A_39 = arith.constant 0 : i32
    %dma_start3A_40 = tpu.memref_slice %arg4[%add3A_9, %dma_start3A_39] : memref<64x128xf32, #tpu.memory_space<hbm>> -> memref<1x128xf32, #tpu.memory_space<hbm>>
    %dma_start3A_41 = tpu.memref_squeeze %dma_start3A_40 : memref<1x128xf32, #tpu.memory_space<hbm>> -> memref<128xf32, #tpu.memory_space<hbm>>
    %dma_start3A_42 = arith.constant 0 : i32
    %dma_start3A_43 = tpu.memref_slice %arg8[%dma_start3A_35, %dma_start3A_42] : memref<2x128xf32, #tpu.memory_space<vmem>> -> memref<1x128xf32, #tpu.memory_space<vmem>>
    %dma_start3A_44 = tpu.memref_squeeze %dma_start3A_43 : memref<1x128xf32, #tpu.memory_space<vmem>> -> memref<128xf32, #tpu.memory_space<vmem>>
    %dma_start3A_45 = arith.constant 0 : i32
    %dma_start3A_46 = tpu.memref_slice %arg4[%add3A_9, %dma_start3A_45] : memref<64x128xf32, #tpu.memory_space<hbm>> -> memref<1x128xf32, #tpu.memory_space<hbm>>
    %dma_start3A_47 = tpu.memref_squeeze %dma_start3A_46 : memref<1x128xf32, #tpu.memory_space<hbm>> -> memref<128xf32, #tpu.memory_space<hbm>>
    tpu.enqueue_dma source(%dma_start3A_47 : memref<128xf32, #tpu.memory_space<hbm>>) target(%dma_start3A_44 : memref<128xf32, #tpu.memory_space<vmem>>) target_semaphore(%arg10 : memref<!tpu.dma_semaphore, #tpu.memory_space<semaphore_mem>>)
    %mul3A_48 = arith.constant 2 : i32
    %mul3A_49 = arith.muli %add3A, %mul3A_48 : i32
    %add3A_50 = arith.constant 1 : i32
    %add3A_51 = arith.addi %mul3A_49, %add3A_50 : i32
    %dma_start3A_52 = arith.constant 1 : i32
    %dma_start3A_53 = arith.constant 0 : i32
    %dma_start3A_54 = tpu.memref_slice %arg6[%dma_start3A_52, %dma_start3A_53] : memref<2x9216xi32, #tpu.memory_space<vmem>> -> memref<1x9216xi32, #tpu.memory_space<vmem>>
    %dma_start3A_55 = tpu.memref_squeeze %dma_start3A_54 : memref<1x9216xi32, #tpu.memory_space<vmem>> -> memref<9216xi32, #tpu.memory_space<vmem>>
    %dma_start3A_56 = arith.constant 0 : i32
    %dma_start3A_57 = tpu.memref_slice %arg2[%add3A_51, %dma_start3A_56] : memref<64x9216xi32, #tpu.memory_space<hbm>> -> memref<1x9216xi32, #tpu.memory_space<hbm>>
    %dma_start3A_58 = tpu.memref_squeeze %dma_start3A_57 : memref<1x9216xi32, #tpu.memory_space<hbm>> -> memref<9216xi32, #tpu.memory_space<hbm>>
    %dma_start3A_59 = arith.constant 0 : i32
    %dma_start3A_60 = tpu.memref_slice %arg6[%dma_start3A_52, %dma_start3A_59] : memref<2x9216xi32, #tpu.memory_space<vmem>> -> memref<1x9216xi32, #tpu.memory_space<vmem>>
    %dma_start3A_61 = tpu.memref_squeeze %dma_start3A_60 : memref<1x9216xi32, #tpu.memory_space<vmem>> -> memref<9216xi32, #tpu.memory_space<vmem>>
    %dma_start3A_62 = arith.constant 0 : i32
    %dma_start3A_63 = tpu.memref_slice %arg2[%add3A_51, %dma_start3A_62] : memref<64x9216xi32, #tpu.memory_space<hbm>> -> memref<1x9216xi32, #tpu.memory_space<hbm>>
    %dma_start3A_64 = tpu.memref_squeeze %dma_start3A_63 : memref<1x9216xi32, #tpu.memory_space<hbm>> -> memref<9216xi32, #tpu.memory_space<hbm>>
    tpu.enqueue_dma source(%dma_start3A_64 : memref<9216xi32, #tpu.memory_space<hbm>>) target(%dma_start3A_61 : memref<9216xi32, #tpu.memory_space<vmem>>) target_semaphore(%arg11 : memref<!tpu.dma_semaphore, #tpu.memory_space<semaphore_mem>>)
    %dma_start3A_65 = arith.constant 1 : i32
    %dma_start3A_66 = arith.constant 0 : i32
    %dma_start3A_67 = tpu.memref_slice %arg7[%dma_start3A_65, %dma_start3A_66] : memref<2x9216xf32, #tpu.memory_space<vmem>> -> memref<1x9216xf32, #tpu.memory_space<vmem>>
    %dma_start3A_68 = tpu.memref_squeeze %dma_start3A_67 : memref<1x9216xf32, #tpu.memory_space<vmem>> -> memref<9216xf32, #tpu.memory_space<vmem>>
    %dma_start3A_69 = arith.constant 0 : i32
    %dma_start3A_70 = tpu.memref_slice %arg3[%add3A_51, %dma_start3A_69] : memref<64x9216xf32, #tpu.memory_space<hbm>> -> memref<1x9216xf32, #tpu.memory_space<hbm>>
    %dma_start3A_71 = tpu.memref_squeeze %dma_start3A_70 : memref<1x9216xf32, #tpu.memory_space<hbm>> -> memref<9216xf32, #tpu.memory_space<hbm>>
    %dma_start3A_72 = arith.constant 0 : i32
    %dma_start3A_73 = tpu.memref_slice %arg7[%dma_start3A_65, %dma_start3A_72] : memref<2x9216xf32, #tpu.memory_space<vmem>> -> memref<1x9216xf32, #tpu.memory_space<vmem>>
    %dma_start3A_74 = tpu.memref_squeeze %dma_start3A_73 : memref<1x9216xf32, #tpu.memory_space<vmem>> -> memref<9216xf32, #tpu.memory_space<vmem>>
    %dma_start3A_75 = arith.constant 0 : i32
    %dma_start3A_76 = tpu.memref_slice %arg3[%add3A_51, %dma_start3A_75] : memref<64x9216xf32, #tpu.memory_space<hbm>> -> memref<1x9216xf32, #tpu.memory_space<hbm>>
    %dma_start3A_77 = tpu.memref_squeeze %dma_start3A_76 : memref<1x9216xf32, #tpu.memory_space<hbm>> -> memref<9216xf32, #tpu.memory_space<hbm>>
    tpu.enqueue_dma source(%dma_start3A_77 : memref<9216xf32, #tpu.memory_space<hbm>>) target(%dma_start3A_74 : memref<9216xf32, #tpu.memory_space<vmem>>) target_semaphore(%arg11 : memref<!tpu.dma_semaphore, #tpu.memory_space<semaphore_mem>>)
    %dma_start3A_78 = arith.constant 1 : i32
    %dma_start3A_79 = arith.constant 0 : i32
    %dma_start3A_80 = tpu.memref_slice %arg8[%dma_start3A_78, %dma_start3A_79] : memref<2x128xf32, #tpu.memory_space<vmem>> -> memref<1x128xf32, #tpu.memory_space<vmem>>
    %dma_start3A_81 = tpu.memref_squeeze %dma_start3A_80 : memref<1x128xf32, #tpu.memory_space<vmem>> -> memref<128xf32, #tpu.memory_space<vmem>>
    %dma_start3A_82 = arith.constant 0 : i32
    %dma_start3A_83 = tpu.memref_slice %arg4[%add3A_51, %dma_start3A_82] : memref<64x128xf32, #tpu.memory_space<hbm>> -> memref<1x128xf32, #tpu.memory_space<hbm>>
    %dma_start3A_84 = tpu.memref_squeeze %dma_start3A_83 : memref<1x128xf32, #tpu.memory_space<hbm>> -> memref<128xf32, #tpu.memory_space<hbm>>
    %dma_start3A_85 = arith.constant 0 : i32
    %dma_start3A_86 = tpu.memref_slice %arg8[%dma_start3A_78, %dma_start3A_85] : memref<2x128xf32, #tpu.memory_space<vmem>> -> memref<1x128xf32, #tpu.memory_space<vmem>>
    %dma_start3A_87 = tpu.memref_squeeze %dma_start3A_86 : memref<1x128xf32, #tpu.memory_space<vmem>> -> memref<128xf32, #tpu.memory_space<vmem>>
    %dma_start3A_88 = arith.constant 0 : i32
    %dma_start3A_89 = tpu.memref_slice %arg4[%add3A_51, %dma_start3A_88] : memref<64x128xf32, #tpu.memory_space<hbm>> -> memref<1x128xf32, #tpu.memory_space<hbm>>
    %dma_start3A_90 = tpu.memref_squeeze %dma_start3A_89 : memref<1x128xf32, #tpu.memory_space<hbm>> -> memref<128xf32, #tpu.memory_space<hbm>>
    tpu.enqueue_dma source(%dma_start3A_90 : memref<128xf32, #tpu.memory_space<hbm>>) target(%dma_start3A_87 : memref<128xf32, #tpu.memory_space<vmem>>) target_semaphore(%arg11 : memref<!tpu.dma_semaphore, #tpu.memory_space<semaphore_mem>>)
    %mul3A_91 = arith.constant 2 : i32
    %mul3A_92 = arith.muli %add3A, %mul3A_91 : i32
    %add3A_93 = arith.constant 0 : i32
    %add3A_94 = arith.addi %mul3A_92, %add3A_93 : i32
    %dma_wait3A = arith.constant 0 : i32
    %dma_wait3A_95 = arith.constant 0 : i32
    %dma_wait3A_96 = tpu.memref_slice %arg6[%dma_wait3A, %dma_wait3A_95] : memref<2x9216xi32, #tpu.memory_space<vmem>> -> memref<1x9216xi32, #tpu.memory_space<vmem>>
    %dma_wait3A_97 = tpu.memref_squeeze %dma_wait3A_96 : memref<1x9216xi32, #tpu.memory_space<vmem>> -> memref<9216xi32, #tpu.memory_space<vmem>>
    %dma_wait3A_98 = arith.constant 0 : i32
    %dma_wait3A_99 = tpu.memref_slice %arg2[%add3A_9, %dma_wait3A_98] : memref<64x9216xi32, #tpu.memory_space<hbm>> -> memref<1x9216xi32, #tpu.memory_space<hbm>>
    %dma_wait3A_100 = tpu.memref_squeeze %dma_wait3A_99 : memref<1x9216xi32, #tpu.memory_space<hbm>> -> memref<9216xi32, #tpu.memory_space<hbm>>
    %dma_wait3A_101 = arith.constant 0 : i32
    %dma_wait3A_102 = tpu.memref_slice %arg6[%dma_wait3A, %dma_wait3A_101] : memref<2x9216xi32, #tpu.memory_space<vmem>> -> memref<1x9216xi32, #tpu.memory_space<vmem>>
    %dma_wait3A_103 = tpu.memref_squeeze %dma_wait3A_102 : memref<1x9216xi32, #tpu.memory_space<vmem>> -> memref<9216xi32, #tpu.memory_space<vmem>>
    %dma_wait3A_104 = arith.constant 0 : i32
    %dma_wait3A_105 = tpu.memref_slice %arg2[%add3A_9, %dma_wait3A_104] : memref<64x9216xi32, #tpu.memory_space<hbm>> -> memref<1x9216xi32, #tpu.memory_space<hbm>>
    %dma_wait3A_106 = tpu.memref_squeeze %dma_wait3A_105 : memref<1x9216xi32, #tpu.memory_space<hbm>> -> memref<9216xi32, #tpu.memory_space<hbm>>
    tpu.wait_dma2 semaphore(%arg10 : memref<!tpu.dma_semaphore, #tpu.memory_space<semaphore_mem>>) src(%dma_wait3A_106 : memref<9216xi32, #tpu.memory_space<hbm>>) dst(%dma_wait3A_103 : memref<9216xi32, #tpu.memory_space<vmem>>)
    %dma_wait3A_107 = arith.constant 0 : i32
    %dma_wait3A_108 = arith.constant 0 : i32
    %dma_wait3A_109 = tpu.memref_slice %arg7[%dma_wait3A_107, %dma_wait3A_108] : memref<2x9216xf32, #tpu.memory_space<vmem>> -> memref<1x9216xf32, #tpu.memory_space<vmem>>
    %dma_wait3A_110 = tpu.memref_squeeze %dma_wait3A_109 : memref<1x9216xf32, #tpu.memory_space<vmem>> -> memref<9216xf32, #tpu.memory_space<vmem>>
    %dma_wait3A_111 = arith.constant 0 : i32
    %dma_wait3A_112 = tpu.memref_slice %arg3[%add3A_9, %dma_wait3A_111] : memref<64x9216xf32, #tpu.memory_space<hbm>> -> memref<1x9216xf32, #tpu.memory_space<hbm>>
    %dma_wait3A_113 = tpu.memref_squeeze %dma_wait3A_112 : memref<1x9216xf32, #tpu.memory_space<hbm>> -> memref<9216xf32, #tpu.memory_space<hbm>>
    %dma_wait3A_114 = arith.constant 0 : i32
    %dma_wait3A_115 = tpu.memref_slice %arg7[%dma_wait3A_107, %dma_wait3A_114] : memref<2x9216xf32, #tpu.memory_space<vmem>> -> memref<1x9216xf32, #tpu.memory_space<vmem>>
    %dma_wait3A_116 = tpu.memref_squeeze %dma_wait3A_115 : memref<1x9216xf32, #tpu.memory_space<vmem>> -> memref<9216xf32, #tpu.memory_space<vmem>>
    %dma_wait3A_117 = arith.constant 0 : i32
    %dma_wait3A_118 = tpu.memref_slice %arg3[%add3A_9, %dma_wait3A_117] : memref<64x9216xf32, #tpu.memory_space<hbm>> -> memref<1x9216xf32, #tpu.memory_space<hbm>>
    %dma_wait3A_119 = tpu.memref_squeeze %dma_wait3A_118 : memref<1x9216xf32, #tpu.memory_space<hbm>> -> memref<9216xf32, #tpu.memory_space<hbm>>
    tpu.wait_dma2 semaphore(%arg10 : memref<!tpu.dma_semaphore, #tpu.memory_space<semaphore_mem>>) src(%dma_wait3A_119 : memref<9216xf32, #tpu.memory_space<hbm>>) dst(%dma_wait3A_116 : memref<9216xf32, #tpu.memory_space<vmem>>)
    %dma_wait3A_120 = arith.constant 0 : i32
    %dma_wait3A_121 = arith.constant 0 : i32
    %dma_wait3A_122 = tpu.memref_slice %arg8[%dma_wait3A_120, %dma_wait3A_121] : memref<2x128xf32, #tpu.memory_space<vmem>> -> memref<1x128xf32, #tpu.memory_space<vmem>>
    %dma_wait3A_123 = tpu.memref_squeeze %dma_wait3A_122 : memref<1x128xf32, #tpu.memory_space<vmem>> -> memref<128xf32, #tpu.memory_space<vmem>>
    %dma_wait3A_124 = arith.constant 0 : i32
    %dma_wait3A_125 = tpu.memref_slice %arg4[%add3A_9, %dma_wait3A_124] : memref<64x128xf32, #tpu.memory_space<hbm>> -> memref<1x128xf32, #tpu.memory_space<hbm>>
    %dma_wait3A_126 = tpu.memref_squeeze %dma_wait3A_125 : memref<1x128xf32, #tpu.memory_space<hbm>> -> memref<128xf32, #tpu.memory_space<hbm>>
    %dma_wait3A_127 = arith.constant 0 : i32
    %dma_wait3A_128 = tpu.memref_slice %arg8[%dma_wait3A_120, %dma_wait3A_127] : memref<2x128xf32, #tpu.memory_space<vmem>> -> memref<1x128xf32, #tpu.memory_space<vmem>>
    %dma_wait3A_129 = tpu.memref_squeeze %dma_wait3A_128 : memref<1x128xf32, #tpu.memory_space<vmem>> -> memref<128xf32, #tpu.memory_space<vmem>>
    %dma_wait3A_130 = arith.constant 0 : i32
    %dma_wait3A_131 = tpu.memref_slice %arg4[%add3A_9, %dma_wait3A_130] : memref<64x128xf32, #tpu.memory_space<hbm>> -> memref<1x128xf32, #tpu.memory_space<hbm>>
    %dma_wait3A_132 = tpu.memref_squeeze %dma_wait3A_131 : memref<1x128xf32, #tpu.memory_space<hbm>> -> memref<128xf32, #tpu.memory_space<hbm>>
    tpu.wait_dma2 semaphore(%arg10 : memref<!tpu.dma_semaphore, #tpu.memory_space<semaphore_mem>>) src(%dma_wait3A_132 : memref<128xf32, #tpu.memory_space<hbm>>) dst(%dma_wait3A_129 : memref<128xf32, #tpu.memory_space<vmem>>)
    %get3A = arith.constant 0 : i32
    %get3A_133 = arith.constant 0 : i32
    %get3A_134 = tpu.memref_slice %arg8[%get3A, %get3A_133] : memref<2x128xf32, #tpu.memory_space<vmem>> -> memref<1x128xf32, #tpu.memory_space<vmem>>
    %get3A_135 = tpu.memref_squeeze %get3A_134 : memref<1x128xf32, #tpu.memory_space<vmem>> -> memref<128xf32, #tpu.memory_space<vmem>>
    %get3A_136 = arith.constant 0 : index
    %get3A_137 = tpu.vector_load %get3A_135[%get3A_136] {strides = array<i32>} : memref<128xf32, #tpu.memory_space<vmem>>, vector<16xf32>,
    %get3A_138 = vector.shape_cast %get3A_137 : vector<16xf32> to vector<16xf32>
    %slice3A = vector.extract_strided_slice %get3A_138 {offsets = [0], sizes = [1], strides = [1]} : vector<16xf32> to vector<1xf32>
    %squeeze3A = vector.extract %slice3A[0] : f32 from vector<1xf32>
    %mul3A_139 = arith.constant 3.000000e+00 : f32
    %mul3A_140 = arith.mulf %mul3A_139, %squeeze3A : f32
    %scan3A = arith.constant 0 : i32
    %scan3A_141 = arith.constant 0 : i32
    %scan3A_142 = arith.constant 0 : i32
    %scan3A_143 = arith.constant 72 : i32
    %scan3A_144 = arith.addi %scan3A_142, %scan3A_143 : i32
    %scan3A_145 = arith.constant 1 : i32
    %scan3A_146:2 = scf.for %scan3A_446 = %scan3A_142 to %scan3A_144 step %scan3A_145 iter_args(%scan3A_447 = %broadcast_in_dim3A_1, %scan3A_448 = %broadcast_in_dim3A_3) -> (vector<16xi32>, vector<16xf32>)  : i32 {
      %mul3A_449 = arith.constant 128 : i32
      %mul3A_450 = arith.muli %scan3A_446, %mul3A_449 : i32
      %add3A_451 = arith.constant 0 : i32
      %add3A_452 = arith.addi %mul3A_450, %add3A_451 : i32
      %get3A_453 = arith.constant 0 : i32
      %get3A_454 = tpu.memref_slice %arg6[%scan3A, %get3A_453] : memref<2x9216xi32, #tpu.memory_space<vmem>> -> memref<1x9216xi32, #tpu.memory_space<vmem>>
      %get3A_455 = tpu.memref_squeeze %get3A_454 : memref<1x9216xi32, #tpu.memory_space<vmem>> -> memref<9216xi32, #tpu.memory_space<vmem>>
      %get3A_456 = arith.index_cast %add3A_452 : i32 to index
      %get3A_457 = tpu.vector_load %get3A_455[%get3A_456] {strides = array<i32>} : memref<9216xi32, #tpu.memory_space<vmem>>, vector<16xi32>,
      %get3A_458 = vector.shape_cast %get3A_457 : vector<16xi32> to vector<16xi32>
      %ge3A_459 = arith.constant 0 : i32
      %ge3A_460 = vector.broadcast %ge3A_459 : i32 to vector<16xi32>
      %ge3A_461 = arith.cmpi sge, %get3A_458, %ge3A_460 : vector<16xi32>
      %select_n3A = arith.select %ge3A_461, %broadcast_in_dim3A_5, %broadcast_in_dim3A_1 : vector<16xi1>, vector<16xi32>
      %add3A_462 = arith.addi %scan3A_447, %select_n3A : vector<16xi32>
      %mul3A_463 = arith.constant 128 : i32
      %mul3A_464 = arith.muli %scan3A_446, %mul3A_463 : i32
      %add3A_465 = arith.constant 0 : i32
      %add3A_466 = arith.addi %mul3A_464, %add3A_465 : i32
      %get3A_467 = arith.constant 0 : i32
      %get3A_468 = tpu.memref_slice %arg7[%scan3A_141, %get3A_467] : memref<2x9216xf32, #tpu.memory_space<vmem>> -> memref<1x9216xf32, #tpu.memory_space<vmem>>
      %get3A_469 = tpu.memref_squeeze %get3A_468 : memref<1x9216xf32, #tpu.memory_space<vmem>> -> memref<9216xf32, #tpu.memory_space<vmem>>
      %get3A_470 = arith.index_cast %add3A_466 : i32 to index
      %get3A_471 = tpu.vector_load %get3A_469[%get3A_470] {strides = array<i32>} : memref<9216xf32, #tpu.memory_space<vmem>>, vector<16xf32>,
      %get3A_472 = vector.shape_cast %get3A_471 : vector<16xf32> to vector<16xf32>
      %select_n3A_473 = arith.select %ge3A_461, %get3A_472, %broadcast_in_dim3A_3 : vector<16xi1>, vector<16xf32>
      %add3A_474 = arith.addf %scan3A_448, %select_n3A_473 : vector<16xf32>
      %mul3A_475 = arith.constant 128 : i32
      %mul3A_476 = arith.muli %scan3A_446, %mul3A_475 : i32
      %add3A_477 = arith.constant 16 : i32
      %add3A_478 = arith.addi %mul3A_476, %add3A_477 : i32
      %get3A_479 = arith.constant 0 : i32
      %get3A_480 = tpu.memref_slice %arg6[%scan3A, %get3A_479] : memref<2x9216xi32, #tpu.memory_space<vmem>> -> memref<1x9216xi32, #tpu.memory_space<vmem>>
      %get3A_481 = tpu.memref_squeeze %get3A_480 : memref<1x9216xi32, #tpu.memory_space<vmem>> -> memref<9216xi32, #tpu.memory_space<vmem>>
      %get3A_482 = arith.index_cast %add3A_478 : i32 to index
      %get3A_483 = tpu.vector_load %get3A_481[%get3A_482] {strides = array<i32>} : memref<9216xi32, #tpu.memory_space<vmem>>, vector<16xi32>,
      %get3A_484 = vector.shape_cast %get3A_483 : vector<16xi32> to vector<16xi32>
      %ge3A_485 = arith.constant 0 : i32
      %ge3A_486 = vector.broadcast %ge3A_485 : i32 to vector<16xi32>
      %ge3A_487 = arith.cmpi sge, %get3A_484, %ge3A_486 : vector<16xi32>
      %select_n3A_488 = arith.select %ge3A_487, %broadcast_in_dim3A_5, %broadcast_in_dim3A_1 : vector<16xi1>, vector<16xi32>
      %add3A_489 = arith.addi %add3A_462, %select_n3A_488 : vector<16xi32>
      %mul3A_490 = arith.constant 128 : i32
      %mul3A_491 = arith.muli %scan3A_446, %mul3A_490 : i32
      %add3A_492 = arith.constant 16 : i32
      %add3A_493 = arith.addi %mul3A_491, %add3A_492 : i32
      %get3A_494 = arith.constant 0 : i32
      %get3A_495 = tpu.memref_slice %arg7[%scan3A_141, %get3A_494] : memref<2x9216xf32, #tpu.memory_space<vmem>> -> memref<1x9216xf32, #tpu.memory_space<vmem>>
      %get3A_496 = tpu.memref_squeeze %get3A_495 : memref<1x9216xf32, #tpu.memory_space<vmem>> -> memref<9216xf32, #tpu.memory_space<vmem>>
      %get3A_497 = arith.index_cast %add3A_493 : i32 to index
      %get3A_498 = tpu.vector_load %get3A_496[%get3A_497] {strides = array<i32>} : memref<9216xf32, #tpu.memory_space<vmem>>, vector<16xf32>,
      %get3A_499 = vector.shape_cast %get3A_498 : vector<16xf32> to vector<16xf32>
      %select_n3A_500 = arith.select %ge3A_487, %get3A_499, %broadcast_in_dim3A_3 : vector<16xi1>, vector<16xf32>
      %add3A_501 = arith.addf %add3A_474, %select_n3A_500 : vector<16xf32>
      %mul3A_502 = arith.constant 128 : i32
      %mul3A_503 = arith.muli %scan3A_446, %mul3A_502 : i32
      %add3A_504 = arith.constant 32 : i32
      %add3A_505 = arith.addi %mul3A_503, %add3A_504 : i32
      %get3A_506 = arith.constant 0 : i32
      %get3A_507 = tpu.memref_slice %arg6[%scan3A, %get3A_506] : memref<2x9216xi32, #tpu.memory_space<vmem>> -> memref<1x9216xi32, #tpu.memory_space<vmem>>
      %get3A_508 = tpu.memref_squeeze %get3A_507 : memref<1x9216xi32, #tpu.memory_space<vmem>> -> memref<9216xi32, #tpu.memory_space<vmem>>
      %get3A_509 = arith.index_cast %add3A_505 : i32 to index
      %get3A_510 = tpu.vector_load %get3A_508[%get3A_509] {strides = array<i32>} : memref<9216xi32, #tpu.memory_space<vmem>>, vector<16xi32>,
      %get3A_511 = vector.shape_cast %get3A_510 : vector<16xi32> to vector<16xi32>
      %ge3A_512 = arith.constant 0 : i32
      %ge3A_513 = vector.broadcast %ge3A_512 : i32 to vector<16xi32>
      %ge3A_514 = arith.cmpi sge, %get3A_511, %ge3A_513 : vector<16xi32>
      %select_n3A_515 = arith.select %ge3A_514, %broadcast_in_dim3A_5, %broadcast_in_dim3A_1 : vector<16xi1>, vector<16xi32>
      %add3A_516 = arith.addi %add3A_489, %select_n3A_515 : vector<16xi32>
      %mul3A_517 = arith.constant 128 : i32
      %mul3A_518 = arith.muli %scan3A_446, %mul3A_517 : i32
      %add3A_519 = arith.constant 32 : i32
      %add3A_520 = arith.addi %mul3A_518, %add3A_519 : i32
      %get3A_521 = arith.constant 0 : i32
      %get3A_522 = tpu.memref_slice %arg7[%scan3A_141, %get3A_521] : memref<2x9216xf32, #tpu.memory_space<vmem>> -> memref<1x9216xf32, #tpu.memory_space<vmem>>
      %get3A_523 = tpu.memref_squeeze %get3A_522 : memref<1x9216xf32, #tpu.memory_space<vmem>> -> memref<9216xf32, #tpu.memory_space<vmem>>
      %get3A_524 = arith.index_cast %add3A_520 : i32 to index
      %get3A_525 = tpu.vector_load %get3A_523[%get3A_524] {strides = array<i32>} : memref<9216xf32, #tpu.memory_space<vmem>>, vector<16xf32>,
      %get3A_526 = vector.shape_cast %get3A_525 : vector<16xf32> to vector<16xf32>
      %select_n3A_527 = arith.select %ge3A_514, %get3A_526, %broadcast_in_dim3A_3 : vector<16xi1>, vector<16xf32>
      %add3A_528 = arith.addf %add3A_501, %select_n3A_527 : vector<16xf32>
      %mul3A_529 = arith.constant 128 : i32
      %mul3A_530 = arith.muli %scan3A_446, %mul3A_529 : i32
      %add3A_531 = arith.constant 48 : i32
      %add3A_532 = arith.addi %mul3A_530, %add3A_531 : i32
      %get3A_533 = arith.constant 0 : i32
      %get3A_534 = tpu.memref_slice %arg6[%scan3A, %get3A_533] : memref<2x9216xi32, #tpu.memory_space<vmem>> -> memref<1x9216xi32, #tpu.memory_space<vmem>>
      %get3A_535 = tpu.memref_squeeze %get3A_534 : memref<1x9216xi32, #tpu.memory_space<vmem>> -> memref<9216xi32, #tpu.memory_space<vmem>>
      %get3A_536 = arith.index_cast %add3A_532 : i32 to index
      %get3A_537 = tpu.vector_load %get3A_535[%get3A_536] {strides = array<i32>} : memref<9216xi32, #tpu.memory_space<vmem>>, vector<16xi32>,
      %get3A_538 = vector.shape_cast %get3A_537 : vector<16xi32> to vector<16xi32>
      %ge3A_539 = arith.constant 0 : i32
      %ge3A_540 = vector.broadcast %ge3A_539 : i32 to vector<16xi32>
      %ge3A_541 = arith.cmpi sge, %get3A_538, %ge3A_540 : vector<16xi32>
      %select_n3A_542 = arith.select %ge3A_541, %broadcast_in_dim3A_5, %broadcast_in_dim3A_1 : vector<16xi1>, vector<16xi32>
      %add3A_543 = arith.addi %add3A_516, %select_n3A_542 : vector<16xi32>
      %mul3A_544 = arith.constant 128 : i32
      %mul3A_545 = arith.muli %scan3A_446, %mul3A_544 : i32
      %add3A_546 = arith.constant 48 : i32
      %add3A_547 = arith.addi %mul3A_545, %add3A_546 : i32
      %get3A_548 = arith.constant 0 : i32
      %get3A_549 = tpu.memref_slice %arg7[%scan3A_141, %get3A_548] : memref<2x9216xf32, #tpu.memory_space<vmem>> -> memref<1x9216xf32, #tpu.memory_space<vmem>>
      %get3A_550 = tpu.memref_squeeze %get3A_549 : memref<1x9216xf32, #tpu.memory_space<vmem>> -> memref<9216xf32, #tpu.memory_space<vmem>>
      %get3A_551 = arith.index_cast %add3A_547 : i32 to index
      %get3A_552 = tpu.vector_load %get3A_550[%get3A_551] {strides = array<i32>} : memref<9216xf32, #tpu.memory_space<vmem>>, vector<16xf32>,
      %get3A_553 = vector.shape_cast %get3A_552 : vector<16xf32> to vector<16xf32>
      %select_n3A_554 = arith.select %ge3A_541, %get3A_553, %broadcast_in_dim3A_3 : vector<16xi1>, vector<16xf32>
      %add3A_555 = arith.addf %add3A_528, %select_n3A_554 : vector<16xf32>
      %mul3A_556 = arith.constant 128 : i32
      %mul3A_557 = arith.muli %scan3A_446, %mul3A_556 : i32
      %add3A_558 = arith.constant 64 : i32
      %add3A_559 = arith.addi %mul3A_557, %add3A_558 : i32
      %get3A_560 = arith.constant 0 : i32
      %get3A_561 = tpu.memref_slice %arg6[%scan3A, %get3A_560] : memref<2x9216xi32, #tpu.memory_space<vmem>> -> memref<1x9216xi32, #tpu.memory_space<vmem>>
      %get3A_562 = tpu.memref_squeeze %get3A_561 : memref<1x9216xi32, #tpu.memory_space<vmem>> -> memref<9216xi32, #tpu.memory_space<vmem>>
      %get3A_563 = arith.index_cast %add3A_559 : i32 to index
      %get3A_564 = tpu.vector_load %get3A_562[%get3A_563] {strides = array<i32>} : memref<9216xi32, #tpu.memory_space<vmem>>, vector<16xi32>,
      %get3A_565 = vector.shape_cast %get3A_564 : vector<16xi32> to vector<16xi32>
      %ge3A_566 = arith.constant 0 : i32
      %ge3A_567 = vector.broadcast %ge3A_566 : i32 to vector<16xi32>
      %ge3A_568 = arith.cmpi sge, %get3A_565, %ge3A_567 : vector<16xi32>
      %select_n3A_569 = arith.select %ge3A_568, %broadcast_in_dim3A_5, %broadcast_in_dim3A_1 : vector<16xi1>, vector<16xi32>
      %add3A_570 = arith.addi %add3A_543, %select_n3A_569 : vector<16xi32>
      %mul3A_571 = arith.constant 128 : i32
      %mul3A_572 = arith.muli %scan3A_446, %mul3A_571 : i32
      %add3A_573 = arith.constant 64 : i32
      %add3A_574 = arith.addi %mul3A_572, %add3A_573 : i32
      %get3A_575 = arith.constant 0 : i32
      %get3A_576 = tpu.memref_slice %arg7[%scan3A_141, %get3A_575] : memref<2x9216xf32, #tpu.memory_space<vmem>> -> memref<1x9216xf32, #tpu.memory_space<vmem>>
      %get3A_577 = tpu.memref_squeeze %get3A_576 : memref<1x9216xf32, #tpu.memory_space<vmem>> -> memref<9216xf32, #tpu.memory_space<vmem>>
      %get3A_578 = arith.index_cast %add3A_574 : i32 to index
      %get3A_579 = tpu.vector_load %get3A_577[%get3A_578] {strides = array<i32>} : memref<9216xf32, #tpu.memory_space<vmem>>, vector<16xf32>,
      %get3A_580 = vector.shape_cast %get3A_579 : vector<16xf32> to vector<16xf32>
      %select_n3A_581 = arith.select %ge3A_568, %get3A_580, %broadcast_in_dim3A_3 : vector<16xi1>, vector<16xf32>
      %add3A_582 = arith.addf %add3A_555, %select_n3A_581 : vector<16xf32>
      %mul3A_583 = arith.constant 128 : i32
      %mul3A_584 = arith.muli %scan3A_446, %mul3A_583 : i32
      %add3A_585 = arith.constant 80 : i32
      %add3A_586 = arith.addi %mul3A_584, %add3A_585 : i32
      %get3A_587 = arith.constant 0 : i32
      %get3A_588 = tpu.memref_slice %arg6[%scan3A, %get3A_587] : memref<2x9216xi32, #tpu.memory_space<vmem>> -> memref<1x9216xi32, #tpu.memory_space<vmem>>
      %get3A_589 = tpu.memref_squeeze %get3A_588 : memref<1x9216xi32, #tpu.memory_space<vmem>> -> memref<9216xi32, #tpu.memory_space<vmem>>
      %get3A_590 = arith.index_cast %add3A_586 : i32 to index
      %get3A_591 = tpu.vector_load %get3A_589[%get3A_590] {strides = array<i32>} : memref<9216xi32, #tpu.memory_space<vmem>>, vector<16xi32>,
      %get3A_592 = vector.shape_cast %get3A_591 : vector<16xi32> to vector<16xi32>
      %ge3A_593 = arith.constant 0 : i32
      %ge3A_594 = vector.broadcast %ge3A_593 : i32 to vector<16xi32>
      %ge3A_595 = arith.cmpi sge, %get3A_592, %ge3A_594 : vector<16xi32>
      %select_n3A_596 = arith.select %ge3A_595, %broadcast_in_dim3A_5, %broadcast_in_dim3A_1 : vector<16xi1>, vector<16xi32>
      %add3A_597 = arith.addi %add3A_570, %select_n3A_596 : vector<16xi32>
      %mul3A_598 = arith.constant 128 : i32
      %mul3A_599 = arith.muli %scan3A_446, %mul3A_598 : i32
      %add3A_600 = arith.constant 80 : i32
      %add3A_601 = arith.addi %mul3A_599, %add3A_600 : i32
      %get3A_602 = arith.constant 0 : i32
      %get3A_603 = tpu.memref_slice %arg7[%scan3A_141, %get3A_602] : memref<2x9216xf32, #tpu.memory_space<vmem>> -> memref<1x9216xf32, #tpu.memory_space<vmem>>
      %get3A_604 = tpu.memref_squeeze %get3A_603 : memref<1x9216xf32, #tpu.memory_space<vmem>> -> memref<9216xf32, #tpu.memory_space<vmem>>
      %get3A_605 = arith.index_cast %add3A_601 : i32 to index
      %get3A_606 = tpu.vector_load %get3A_604[%get3A_605] {strides = array<i32>} : memref<9216xf32, #tpu.memory_space<vmem>>, vector<16xf32>,
      %get3A_607 = vector.shape_cast %get3A_606 : vector<16xf32> to vector<16xf32>
      %select_n3A_608 = arith.select %ge3A_595, %get3A_607, %broadcast_in_dim3A_3 : vector<16xi1>, vector<16xf32>
      %add3A_609 = arith.addf %add3A_582, %select_n3A_608 : vector<16xf32>
      %mul3A_610 = arith.constant 128 : i32
      %mul3A_611 = arith.muli %scan3A_446, %mul3A_610 : i32
      %add3A_612 = arith.constant 96 : i32
      %add3A_613 = arith.addi %mul3A_611, %add3A_612 : i32
      %get3A_614 = arith.constant 0 : i32
      %get3A_615 = tpu.memref_slice %arg6[%scan3A, %get3A_614] : memref<2x9216xi32, #tpu.memory_space<vmem>> -> memref<1x9216xi32, #tpu.memory_space<vmem>>
      %get3A_616 = tpu.memref_squeeze %get3A_615 : memref<1x9216xi32, #tpu.memory_space<vmem>> -> memref<9216xi32, #tpu.memory_space<vmem>>
      %get3A_617 = arith.index_cast %add3A_613 : i32 to index
      %get3A_618 = tpu.vector_load %get3A_616[%get3A_617] {strides = array<i32>} : memref<9216xi32, #tpu.memory_space<vmem>>, vector<16xi32>,
      %get3A_619 = vector.shape_cast %get3A_618 : vector<16xi32> to vector<16xi32>
      %ge3A_620 = arith.constant 0 : i32
      %ge3A_621 = vector.broadcast %ge3A_620 : i32 to vector<16xi32>
      %ge3A_622 = arith.cmpi sge, %get3A_619, %ge3A_621 : vector<16xi32>
      %select_n3A_623 = arith.select %ge3A_622, %broadcast_in_dim3A_5, %broadcast_in_dim3A_1 : vector<16xi1>, vector<16xi32>
      %add3A_624 = arith.addi %add3A_597, %select_n3A_623 : vector<16xi32>
      %mul3A_625 = arith.constant 128 : i32
      %mul3A_626 = arith.muli %scan3A_446, %mul3A_625 : i32
      %add3A_627 = arith.constant 96 : i32
      %add3A_628 = arith.addi %mul3A_626, %add3A_627 : i32
      %get3A_629 = arith.constant 0 : i32
      %get3A_630 = tpu.memref_slice %arg7[%scan3A_141, %get3A_629] : memref<2x9216xf32, #tpu.memory_space<vmem>> -> memref<1x9216xf32, #tpu.memory_space<vmem>>
      %get3A_631 = tpu.memref_squeeze %get3A_630 : memref<1x9216xf32, #tpu.memory_space<vmem>> -> memref<9216xf32, #tpu.memory_space<vmem>>
      %get3A_632 = arith.index_cast %add3A_628 : i32 to index
      %get3A_633 = tpu.vector_load %get3A_631[%get3A_632] {strides = array<i32>} : memref<9216xf32, #tpu.memory_space<vmem>>, vector<16xf32>,
      %get3A_634 = vector.shape_cast %get3A_633 : vector<16xf32> to vector<16xf32>
      %select_n3A_635 = arith.select %ge3A_622, %get3A_634, %broadcast_in_dim3A_3 : vector<16xi1>, vector<16xf32>
      %add3A_636 = arith.addf %add3A_609, %select_n3A_635 : vector<16xf32>
      %mul3A_637 = arith.constant 128 : i32
      %mul3A_638 = arith.muli %scan3A_446, %mul3A_637 : i32
      %add3A_639 = arith.constant 112 : i32
      %add3A_640 = arith.addi %mul3A_638, %add3A_639 : i32
      %get3A_641 = arith.constant 0 : i32
      %get3A_642 = tpu.memref_slice %arg6[%scan3A, %get3A_641] : memref<2x9216xi32, #tpu.memory_space<vmem>> -> memref<1x9216xi32, #tpu.memory_space<vmem>>
      %get3A_643 = tpu.memref_squeeze %get3A_642 : memref<1x9216xi32, #tpu.memory_space<vmem>> -> memref<9216xi32, #tpu.memory_space<vmem>>
      %get3A_644 = arith.index_cast %add3A_640 : i32 to index
      %get3A_645 = tpu.vector_load %get3A_643[%get3A_644] {strides = array<i32>} : memref<9216xi32, #tpu.memory_space<vmem>>, vector<16xi32>,
      %get3A_646 = vector.shape_cast %get3A_645 : vector<16xi32> to vector<16xi32>
      %ge3A_647 = arith.constant 0 : i32
      %ge3A_648 = vector.broadcast %ge3A_647 : i32 to vector<16xi32>
      %ge3A_649 = arith.cmpi sge, %get3A_646, %ge3A_648 : vector<16xi32>
      %select_n3A_650 = arith.select %ge3A_649, %broadcast_in_dim3A_5, %broadcast_in_dim3A_1 : vector<16xi1>, vector<16xi32>
      %add3A_651 = arith.addi %add3A_624, %select_n3A_650 : vector<16xi32>
      %mul3A_652 = arith.constant 128 : i32
      %mul3A_653 = arith.muli %scan3A_446, %mul3A_652 : i32
      %add3A_654 = arith.constant 112 : i32
      %add3A_655 = arith.addi %mul3A_653, %add3A_654 : i32
      %get3A_656 = arith.constant 0 : i32
      %get3A_657 = tpu.memref_slice %arg7[%scan3A_141, %get3A_656] : memref<2x9216xf32, #tpu.memory_space<vmem>> -> memref<1x9216xf32, #tpu.memory_space<vmem>>
      %get3A_658 = tpu.memref_squeeze %get3A_657 : memref<1x9216xf32, #tpu.memory_space<vmem>> -> memref<9216xf32, #tpu.memory_space<vmem>>
      %get3A_659 = arith.index_cast %add3A_655 : i32 to index
      %get3A_660 = tpu.vector_load %get3A_658[%get3A_659] {strides = array<i32>} : memref<9216xf32, #tpu.memory_space<vmem>>, vector<16xf32>,
      %get3A_661 = vector.shape_cast %get3A_660 : vector<16xf32> to vector<16xf32>
      %select_n3A_662 = arith.select %ge3A_649, %get3A_661, %broadcast_in_dim3A_3 : vector<16xi1>, vector<16xf32>
      %add3A_663 = arith.addf %add3A_636, %select_n3A_662 : vector<16xf32>
      scf.yield %add3A_651, %add3A_663 : vector<16xi32>, vector<16xf32>
    }
    %scan3A_147 = arith.constant 72 : i32
    %slice3A_148 = vector.extract_strided_slice %scan3A_146#0 {offsets = [0], sizes = [1], strides = [1]} : vector<16xi32> to vector<1xi32>
    %squeeze3A_149 = vector.extract %slice3A_148[0] : i32 from vector<1xi32>
    %slice3A_150 = vector.extract_strided_slice %scan3A_146#0 {offsets = [1], sizes = [1], strides = [1]} : vector<16xi32> to vector<1xi32>
    %squeeze3A_151 = vector.extract %slice3A_150[0] : i32 from vector<1xi32>
    %add3A_152 = arith.addi %squeeze3A_149, %squeeze3A_151 : i32
    %slice3A_153 = vector.extract_strided_slice %scan3A_146#0 {offsets = [2], sizes = [1], strides = [1]} : vector<16xi32> to vector<1xi32>
    %squeeze3A_154 = vector.extract %slice3A_153[0] : i32 from vector<1xi32>
    %add3A_155 = arith.addi %add3A_152, %squeeze3A_154 : i32
    %slice3A_156 = vector.extract_strided_slice %scan3A_146#0 {offsets = [3], sizes = [1], strides = [1]} : vector<16xi32> to vector<1xi32>
    %squeeze3A_157 = vector.extract %slice3A_156[0] : i32 from vector<1xi32>
    %add3A_158 = arith.addi %add3A_155, %squeeze3A_157 : i32
    %slice3A_159 = vector.extract_strided_slice %scan3A_146#0 {offsets = [4], sizes = [1], strides = [1]} : vector<16xi32> to vector<1xi32>
    %squeeze3A_160 = vector.extract %slice3A_159[0] : i32 from vector<1xi32>
    %add3A_161 = arith.addi %add3A_158, %squeeze3A_160 : i32
    %slice3A_162 = vector.extract_strided_slice %scan3A_146#0 {offsets = [5], sizes = [1], strides = [1]} : vector<16xi32> to vector<1xi32>
    %squeeze3A_163 = vector.extract %slice3A_162[0] : i32 from vector<1xi32>
    %add3A_164 = arith.addi %add3A_161, %squeeze3A_163 : i32
    %slice3A_165 = vector.extract_strided_slice %scan3A_146#0 {offsets = [6], sizes = [1], strides = [1]} : vector<16xi32> to vector<1xi32>
    %squeeze3A_166 = vector.extract %slice3A_165[0] : i32 from vector<1xi32>
    %add3A_167 = arith.addi %add3A_164, %squeeze3A_166 : i32
    %slice3A_168 = vector.extract_strided_slice %scan3A_146#0 {offsets = [7], sizes = [1], strides = [1]} : vector<16xi32> to vector<1xi32>
    %squeeze3A_169 = vector.extract %slice3A_168[0] : i32 from vector<1xi32>
    %add3A_170 = arith.addi %add3A_167, %squeeze3A_169 : i32
    %slice3A_171 = vector.extract_strided_slice %scan3A_146#0 {offsets = [8], sizes = [1], strides = [1]} : vector<16xi32> to vector<1xi32>
    %squeeze3A_172 = vector.extract %slice3A_171[0] : i32 from vector<1xi32>
    %add3A_173 = arith.addi %add3A_170, %squeeze3A_172 : i32
    %slice3A_174 = vector.extract_strided_slice %scan3A_146#0 {offsets = [9], sizes = [1], strides = [1]} : vector<16xi32> to vector<1xi32>
    %squeeze3A_175 = vector.extract %slice3A_174[0] : i32 from vector<1xi32>
    %add3A_176 = arith.addi %add3A_173, %squeeze3A_175 : i32
    %slice3A_177 = vector.extract_strided_slice %scan3A_146#0 {offsets = [10], sizes = [1], strides = [1]} : vector<16xi32> to vector<1xi32>
    %squeeze3A_178 = vector.extract %slice3A_177[0] : i32 from vector<1xi32>
    %add3A_179 = arith.addi %add3A_176, %squeeze3A_178 : i32
    %slice3A_180 = vector.extract_strided_slice %scan3A_146#0 {offsets = [11], sizes = [1], strides = [1]} : vector<16xi32> to vector<1xi32>
    %squeeze3A_181 = vector.extract %slice3A_180[0] : i32 from vector<1xi32>
    %add3A_182 = arith.addi %add3A_179, %squeeze3A_181 : i32
    %slice3A_183 = vector.extract_strided_slice %scan3A_146#0 {offsets = [12], sizes = [1], strides = [1]} : vector<16xi32> to vector<1xi32>
    %squeeze3A_184 = vector.extract %slice3A_183[0] : i32 from vector<1xi32>
    %add3A_185 = arith.addi %add3A_182, %squeeze3A_184 : i32
    %slice3A_186 = vector.extract_strided_slice %scan3A_146#0 {offsets = [13], sizes = [1], strides = [1]} : vector<16xi32> to vector<1xi32>
    %squeeze3A_187 = vector.extract %slice3A_186[0] : i32 from vector<1xi32>
    %add3A_188 = arith.addi %add3A_185, %squeeze3A_187 : i32
    %slice3A_189 = vector.extract_strided_slice %scan3A_146#0 {offsets = [14], sizes = [1], strides = [1]} : vector<16xi32> to vector<1xi32>
    %squeeze3A_190 = vector.extract %slice3A_189[0] : i32 from vector<1xi32>
    %add3A_191 = arith.addi %add3A_188, %squeeze3A_190 : i32
    %slice3A_192 = vector.extract_strided_slice %scan3A_146#0 {offsets = [15], sizes = [1], strides = [1]} : vector<16xi32> to vector<1xi32>
    %squeeze3A_193 = vector.extract %slice3A_192[0] : i32 from vector<1xi32>
    %add3A_194 = arith.addi %add3A_191, %squeeze3A_193 : i32
    %slice3A_195 = vector.extract_strided_slice %scan3A_146#1 {offsets = [0], sizes = [1], strides = [1]} : vector<16xf32> to vector<1xf32>
    %squeeze3A_196 = vector.extract %slice3A_195[0] : f32 from vector<1xf32>
    %slice3A_197 = vector.extract_strided_slice %scan3A_146#1 {offsets = [1], sizes = [1], strides = [1]} : vector<16xf32> to vector<1xf32>
    %squeeze3A_198 = vector.extract %slice3A_197[0] : f32 from vector<1xf32>
    %add3A_199 = arith.addf %squeeze3A_196, %squeeze3A_198 : f32
    %slice3A_200 = vector.extract_strided_slice %scan3A_146#1 {offsets = [2], sizes = [1], strides = [1]} : vector<16xf32> to vector<1xf32>
    %squeeze3A_201 = vector.extract %slice3A_200[0] : f32 from vector<1xf32>
    %add3A_202 = arith.addf %add3A_199, %squeeze3A_201 : f32
    %slice3A_203 = vector.extract_strided_slice %scan3A_146#1 {offsets = [3], sizes = [1], strides = [1]} : vector<16xf32> to vector<1xf32>
    %squeeze3A_204 = vector.extract %slice3A_203[0] : f32 from vector<1xf32>
    %add3A_205 = arith.addf %add3A_202, %squeeze3A_204 : f32
    %slice3A_206 = vector.extract_strided_slice %scan3A_146#1 {offsets = [4], sizes = [1], strides = [1]} : vector<16xf32> to vector<1xf32>
    %squeeze3A_207 = vector.extract %slice3A_206[0] : f32 from vector<1xf32>
    %add3A_208 = arith.addf %add3A_205, %squeeze3A_207 : f32
    %slice3A_209 = vector.extract_strided_slice %scan3A_146#1 {offsets = [5], sizes = [1], strides = [1]} : vector<16xf32> to vector<1xf32>
    %squeeze3A_210 = vector.extract %slice3A_209[0] : f32 from vector<1xf32>
    %add3A_211 = arith.addf %add3A_208, %squeeze3A_210 : f32
    %slice3A_212 = vector.extract_strided_slice %scan3A_146#1 {offsets = [6], sizes = [1], strides = [1]} : vector<16xf32> to vector<1xf32>
    %squeeze3A_213 = vector.extract %slice3A_212[0] : f32 from vector<1xf32>
    %add3A_214 = arith.addf %add3A_211, %squeeze3A_213 : f32
    %slice3A_215 = vector.extract_strided_slice %scan3A_146#1 {offsets = [7], sizes = [1], strides = [1]} : vector<16xf32> to vector<1xf32>
    %squeeze3A_216 = vector.extract %slice3A_215[0] : f32 from vector<1xf32>
    %add3A_217 = arith.addf %add3A_214, %squeeze3A_216 : f32
    %slice3A_218 = vector.extract_strided_slice %scan3A_146#1 {offsets = [8], sizes = [1], strides = [1]} : vector<16xf32> to vector<1xf32>
    %squeeze3A_219 = vector.extract %slice3A_218[0] : f32 from vector<1xf32>
    %add3A_220 = arith.addf %add3A_217, %squeeze3A_219 : f32
    %slice3A_221 = vector.extract_strided_slice %scan3A_146#1 {offsets = [9], sizes = [1], strides = [1]} : vector<16xf32> to vector<1xf32>
    %squeeze3A_222 = vector.extract %slice3A_221[0] : f32 from vector<1xf32>
    %add3A_223 = arith.addf %add3A_220, %squeeze3A_222 : f32
    %slice3A_224 = vector.extract_strided_slice %scan3A_146#1 {offsets = [10], sizes = [1], strides = [1]} : vector<16xf32> to vector<1xf32>
    %squeeze3A_225 = vector.extract %slice3A_224[0] : f32 from vector<1xf32>
    %add3A_226 = arith.addf %add3A_223, %squeeze3A_225 : f32
    %slice3A_227 = vector.extract_strided_slice %scan3A_146#1 {offsets = [11], sizes = [1], strides = [1]} : vector<16xf32> to vector<1xf32>
    %squeeze3A_228 = vector.extract %slice3A_227[0] : f32 from vector<1xf32>
    %add3A_229 = arith.addf %add3A_226, %squeeze3A_228 : f32
    %slice3A_230 = vector.extract_strided_slice %scan3A_146#1 {offsets = [12], sizes = [1], strides = [1]} : vector<16xf32> to vector<1xf32>
    %squeeze3A_231 = vector.extract %slice3A_230[0] : f32 from vector<1xf32>
    %add3A_232 = arith.addf %add3A_229, %squeeze3A_231 : f32
    %slice3A_233 = vector.extract_strided_slice %scan3A_146#1 {offsets = [13], sizes = [1], strides = [1]} : vector<16xf32> to vector<1xf32>
    %squeeze3A_234 = vector.extract %slice3A_233[0] : f32 from vector<1xf32>
    %add3A_235 = arith.addf %add3A_232, %squeeze3A_234 : f32
    %slice3A_236 = vector.extract_strided_slice %scan3A_146#1 {offsets = [14], sizes = [1], strides = [1]} : vector<16xf32> to vector<1xf32>
    %squeeze3A_237 = vector.extract %slice3A_236[0] : f32 from vector<1xf32>
    %add3A_238 = arith.addf %add3A_235, %squeeze3A_237 : f32
    %slice3A_239 = vector.extract_strided_slice %scan3A_146#1 {offsets = [15], sizes = [1], strides = [1]} : vector<16xf32> to vector<1xf32>
    %squeeze3A_240 = vector.extract %slice3A_239[0] : f32 from vector<1xf32>
    %add3A_241 = arith.addf %add3A_238, %squeeze3A_240 : f32
    %convert_element_type3A = arith.sitofp %add3A_194 : i32 to f32
    %ge3A = arith.cmpf oge, %mul3A_140, %convert_element_type3A : f32
    %convert_element_type3A_242 = arith.extui %ge3A : i1 to i32
    %cond3A = arith.constant 0 : i32
    %cond3A_243 = arith.constant 0 : i32
    %cond3A_244 = arith.constant 0 : i32
    %cond3A_245 = arith.constant 0 : i32
    %cond3A_246 = arith.cmpi ne, %convert_element_type3A_242, %cond3A_245 : i32
    %cond3A_247:4 = scf.if %cond3A_246 -> (f32, f32, f32, f32) {
      %cond3A_446 = arith.constant 0.000000e+00 : f32
      %cond3A_447 = arith.constant 0.000000e+00 : f32
      %cond3A_448 = arith.constant 1.000000e+00 : f32
      scf.yield %add3A_241, %cond3A_446, %cond3A_447, %cond3A_448 : f32, f32, f32, f32
    } else {
      %convert_element_type3A_446 = arith.fptosi %mul3A_140 : f32 to i32
      %scan3A_447 = arith.constant 0 : i32
      %scan3A_448 = arith.constant 0 : i32
      %scan3A_449 = arith.constant 31 : i32
      %scan3A_450 = arith.addi %scan3A_448, %scan3A_449 : i32
      %scan3A_451 = arith.constant 1 : i32
      %scan3A_452 = scf.for %scan3A_650 = %scan3A_448 to %scan3A_450 step %scan3A_451 iter_args(%scan3A_651 = %scan3A_447) -> (i32)  : i32 {
        %sub3A_652 = arith.constant 30 : i32
        %sub3A_653 = arith.subi %sub3A_652, %scan3A_650 : i32
        %shift_left3A = arith.constant 1 : i32
        %shift_left3A_654 = arith.shli %shift_left3A, %sub3A_653 : i32
        %or3A = arith.ori %scan3A_651, %shift_left3A_654 : i32
        %scan3A_655 = arith.constant 0 : i32
        %scan3A_656 = arith.constant 576 : i32
        %scan3A_657 = arith.addi %scan3A_655, %scan3A_656 : i32
        %scan3A_658 = arith.constant 1 : i32
        %scan3A_659 = scf.for %scan3A_709 = %scan3A_655 to %scan3A_657 step %scan3A_658 iter_args(%scan3A_710 = %broadcast_in_dim3A_1) -> (vector<16xi32>)  : i32 {
          %mul3A_711 = arith.constant 16 : i32
          %mul3A_712 = arith.muli %scan3A_709, %mul3A_711 : i32
          %get3A_713 = arith.constant 0 : i32
          %get3A_714 = tpu.memref_slice %arg6[%cond3A, %get3A_713] : memref<2x9216xi32, #tpu.memory_space<vmem>> -> memref<1x9216xi32, #tpu.memory_space<vmem>>
          %get3A_715 = tpu.memref_squeeze %get3A_714 : memref<1x9216xi32, #tpu.memory_space<vmem>> -> memref<9216xi32, #tpu.memory_space<vmem>>
          %get3A_716 = arith.index_cast %mul3A_712 : i32 to index
          %get3A_717 = tpu.vector_load %get3A_715[%get3A_716] {strides = array<i32>} : memref<9216xi32, #tpu.memory_space<vmem>>, vector<16xi32>,
          %get3A_718 = vector.shape_cast %get3A_717 : vector<16xi32> to vector<16xi32>
          %ge3A_719 = vector.broadcast %or3A : i32 to vector<16xi32>
          %ge3A_720 = arith.cmpi sge, %get3A_718, %ge3A_719 : vector<16xi32>
          %select_n3A_721 = arith.select %ge3A_720, %broadcast_in_dim3A_5, %broadcast_in_dim3A_1 : vector<16xi1>, vector<16xi32>
          %add3A_722 = arith.addi %scan3A_710, %select_n3A_721 : vector<16xi32>
          scf.yield %add3A_722 : vector<16xi32>
        }
        %scan3A_660 = arith.constant 576 : i32
        %slice3A_661 = vector.extract_strided_slice %scan3A_659 {offsets = [0], sizes = [1], strides = [1]} : vector<16xi32> to vector<1xi32>
        %squeeze3A_662 = vector.extract %slice3A_661[0] : i32 from vector<1xi32>
        %slice3A_663 = vector.extract_strided_slice %scan3A_659 {offsets = [1], sizes = [1], strides = [1]} : vector<16xi32> to vector<1xi32>
        %squeeze3A_664 = vector.extract %slice3A_663[0] : i32 from vector<1xi32>
        %add3A_665 = arith.addi %squeeze3A_662, %squeeze3A_664 : i32
        %slice3A_666 = vector.extract_strided_slice %scan3A_659 {offsets = [2], sizes = [1], strides = [1]} : vector<16xi32> to vector<1xi32>
        %squeeze3A_667 = vector.extract %slice3A_666[0] : i32 from vector<1xi32>
        %add3A_668 = arith.addi %add3A_665, %squeeze3A_667 : i32
        %slice3A_669 = vector.extract_strided_slice %scan3A_659 {offsets = [3], sizes = [1], strides = [1]} : vector<16xi32> to vector<1xi32>
        %squeeze3A_670 = vector.extract %slice3A_669[0] : i32 from vector<1xi32>
        %add3A_671 = arith.addi %add3A_668, %squeeze3A_670 : i32
        %slice3A_672 = vector.extract_strided_slice %scan3A_659 {offsets = [4], sizes = [1], strides = [1]} : vector<16xi32> to vector<1xi32>
        %squeeze3A_673 = vector.extract %slice3A_672[0] : i32 from vector<1xi32>
        %add3A_674 = arith.addi %add3A_671, %squeeze3A_673 : i32
        %slice3A_675 = vector.extract_strided_slice %scan3A_659 {offsets = [5], sizes = [1], strides = [1]} : vector<16xi32> to vector<1xi32>
        %squeeze3A_676 = vector.extract %slice3A_675[0] : i32 from vector<1xi32>
        %add3A_677 = arith.addi %add3A_674, %squeeze3A_676 : i32
        %slice3A_678 = vector.extract_strided_slice %scan3A_659 {offsets = [6], sizes = [1], strides = [1]} : vector<16xi32> to vector<1xi32>
        %squeeze3A_679 = vector.extract %slice3A_678[0] : i32 from vector<1xi32>
        %add3A_680 = arith.addi %add3A_677, %squeeze3A_679 : i32
        %slice3A_681 = vector.extract_strided_slice %scan3A_659 {offsets = [7], sizes = [1], strides = [1]} : vector<16xi32> to vector<1xi32>
        %squeeze3A_682 = vector.extract %slice3A_681[0] : i32 from vector<1xi32>
        %add3A_683 = arith.addi %add3A_680, %squeeze3A_682 : i32
        %slice3A_684 = vector.extract_strided_slice %scan3A_659 {offsets = [8], sizes = [1], strides = [1]} : vector<16xi32> to vector<1xi32>
        %squeeze3A_685 = vector.extract %slice3A_684[0] : i32 from vector<1xi32>
        %add3A_686 = arith.addi %add3A_683, %squeeze3A_685 : i32
        %slice3A_687 = vector.extract_strided_slice %scan3A_659 {offsets = [9], sizes = [1], strides = [1]} : vector<16xi32> to vector<1xi32>
        %squeeze3A_688 = vector.extract %slice3A_687[0] : i32 from vector<1xi32>
        %add3A_689 = arith.addi %add3A_686, %squeeze3A_688 : i32
        %slice3A_690 = vector.extract_strided_slice %scan3A_659 {offsets = [10], sizes = [1], strides = [1]} : vector<16xi32> to vector<1xi32>
        %squeeze3A_691 = vector.extract %slice3A_690[0] : i32 from vector<1xi32>
        %add3A_692 = arith.addi %add3A_689, %squeeze3A_691 : i32
        %slice3A_693 = vector.extract_strided_slice %scan3A_659 {offsets = [11], sizes = [1], strides = [1]} : vector<16xi32> to vector<1xi32>
        %squeeze3A_694 = vector.extract %slice3A_693[0] : i32 from vector<1xi32>
        %add3A_695 = arith.addi %add3A_692, %squeeze3A_694 : i32
        %slice3A_696 = vector.extract_strided_slice %scan3A_659 {offsets = [12], sizes = [1], strides = [1]} : vector<16xi32> to vector<1xi32>
        %squeeze3A_697 = vector.extract %slice3A_696[0] : i32 from vector<1xi32>
        %add3A_698 = arith.addi %add3A_695, %squeeze3A_697 : i32
        %slice3A_699 = vector.extract_strided_slice %scan3A_659 {offsets = [13], sizes = [1], strides = [1]} : vector<16xi32> to vector<1xi32>
        %squeeze3A_700 = vector.extract %slice3A_699[0] : i32 from vector<1xi32>
        %add3A_701 = arith.addi %add3A_698, %squeeze3A_700 : i32
        %slice3A_702 = vector.extract_strided_slice %scan3A_659 {offsets = [14], sizes = [1], strides = [1]} : vector<16xi32> to vector<1xi32>
        %squeeze3A_703 = vector.extract %slice3A_702[0] : i32 from vector<1xi32>
        %add3A_704 = arith.addi %add3A_701, %squeeze3A_703 : i32
        %slice3A_705 = vector.extract_strided_slice %scan3A_659 {offsets = [15], sizes = [1], strides = [1]} : vector<16xi32> to vector<1xi32>
        %squeeze3A_706 = vector.extract %slice3A_705[0] : i32 from vector<1xi32>
        %add3A_707 = arith.addi %add3A_704, %squeeze3A_706 : i32
        %ge3A_708 = arith.cmpi sge, %add3A_707, %convert_element_type3A_446 : i32
        %select_n3A = arith.select %ge3A_708, %or3A, %scan3A_651 : i32
        scf.yield %select_n3A : i32
      }
      %scan3A_453 = arith.constant 31 : i32
      %scan3A_454 = arith.constant 0 : i32
      %scan3A_455 = arith.constant 576 : i32
      %scan3A_456 = arith.addi %scan3A_454, %scan3A_455 : i32
      %scan3A_457 = arith.constant 1 : i32
      %scan3A_458:4 = scf.for %scan3A_650 = %scan3A_454 to %scan3A_456 step %scan3A_457 iter_args(%scan3A_651 = %broadcast_in_dim3A_1, %scan3A_652 = %broadcast_in_dim3A_3, %scan3A_653 = %broadcast_in_dim3A_1, %scan3A_654 = %broadcast_in_dim3A_3) -> (vector<16xi32>, vector<16xf32>, vector<16xi32>, vector<16xf32>)  : i32 {
        %mul3A_655 = arith.constant 16 : i32
        %mul3A_656 = arith.muli %scan3A_650, %mul3A_655 : i32
        %get3A_657 = arith.constant 0 : i32
        %get3A_658 = tpu.memref_slice %arg6[%cond3A, %get3A_657] : memref<2x9216xi32, #tpu.memory_space<vmem>> -> memref<1x9216xi32, #tpu.memory_space<vmem>>
        %get3A_659 = tpu.memref_squeeze %get3A_658 : memref<1x9216xi32, #tpu.memory_space<vmem>> -> memref<9216xi32, #tpu.memory_space<vmem>>
        %get3A_660 = arith.index_cast %mul3A_656 : i32 to index
        %get3A_661 = tpu.vector_load %get3A_659[%get3A_660] {strides = array<i32>} : memref<9216xi32, #tpu.memory_space<vmem>>, vector<16xi32>,
        %get3A_662 = vector.shape_cast %get3A_661 : vector<16xi32> to vector<16xi32>
        %mul3A_663 = arith.constant 16 : i32
        %mul3A_664 = arith.muli %scan3A_650, %mul3A_663 : i32
        %get3A_665 = arith.constant 0 : i32
        %get3A_666 = tpu.memref_slice %arg7[%cond3A_243, %get3A_665] : memref<2x9216xf32, #tpu.memory_space<vmem>> -> memref<1x9216xf32, #tpu.memory_space<vmem>>
        %get3A_667 = tpu.memref_squeeze %get3A_666 : memref<1x9216xf32, #tpu.memory_space<vmem>> -> memref<9216xf32, #tpu.memory_space<vmem>>
        %get3A_668 = arith.index_cast %mul3A_664 : i32 to index
        %get3A_669 = tpu.vector_load %get3A_667[%get3A_668] {strides = array<i32>} : memref<9216xf32, #tpu.memory_space<vmem>>, vector<16xf32>,
        %get3A_670 = vector.shape_cast %get3A_669 : vector<16xf32> to vector<16xf32>
        %gt3A = vector.broadcast %scan3A_452 : i32 to vector<16xi32>
        %gt3A_671 = arith.cmpi sgt, %get3A_662, %gt3A : vector<16xi32>
        %eq3A = vector.broadcast %scan3A_452 : i32 to vector<16xi32>
        %eq3A_672 = arith.cmpi eq, %get3A_662, %eq3A : vector<16xi32>
        %select_n3A = arith.select %gt3A_671, %broadcast_in_dim3A_5, %broadcast_in_dim3A_1 : vector<16xi1>, vector<16xi32>
        %add3A_673 = arith.addi %scan3A_651, %select_n3A : vector<16xi32>
        %select_n3A_674 = arith.select %gt3A_671, %get3A_670, %broadcast_in_dim3A_3 : vector<16xi1>, vector<16xf32>
        %add3A_675 = arith.addf %scan3A_652, %select_n3A_674 : vector<16xf32>
        %select_n3A_676 = arith.select %eq3A_672, %broadcast_in_dim3A_5, %broadcast_in_dim3A_1 : vector<16xi1>, vector<16xi32>
        %add3A_677 = arith.addi %scan3A_653, %select_n3A_676 : vector<16xi32>
        %select_n3A_678 = arith.select %eq3A_672, %get3A_670, %broadcast_in_dim3A_3 : vector<16xi1>, vector<16xf32>
        %add3A_679 = arith.addf %scan3A_654, %select_n3A_678 : vector<16xf32>
        scf.yield %add3A_673, %add3A_675, %add3A_677, %add3A_679 : vector<16xi32>, vector<16xf32>, vector<16xi32>, vector<16xf32>
      }
      %scan3A_459 = arith.constant 576 : i32
      %slice3A_460 = vector.extract_strided_slice %scan3A_458#0 {offsets = [0], sizes = [1], strides = [1]} : vector<16xi32> to vector<1xi32>
      %squeeze3A_461 = vector.extract %slice3A_460[0] : i32 from vector<1xi32>
      %slice3A_462 = vector.extract_strided_slice %scan3A_458#0 {offsets = [1], sizes = [1], strides = [1]} : vector<16xi32> to vector<1xi32>
      %squeeze3A_463 = vector.extract %slice3A_462[0] : i32 from vector<1xi32>
      %add3A_464 = arith.addi %squeeze3A_461, %squeeze3A_463 : i32
      %slice3A_465 = vector.extract_strided_slice %scan3A_458#0 {offsets = [2], sizes = [1], strides = [1]} : vector<16xi32> to vector<1xi32>
      %squeeze3A_466 = vector.extract %slice3A_465[0] : i32 from vector<1xi32>
      %add3A_467 = arith.addi %add3A_464, %squeeze3A_466 : i32
      %slice3A_468 = vector.extract_strided_slice %scan3A_458#0 {offsets = [3], sizes = [1], strides = [1]} : vector<16xi32> to vector<1xi32>
      %squeeze3A_469 = vector.extract %slice3A_468[0] : i32 from vector<1xi32>
      %add3A_470 = arith.addi %add3A_467, %squeeze3A_469 : i32
      %slice3A_471 = vector.extract_strided_slice %scan3A_458#0 {offsets = [4], sizes = [1], strides = [1]} : vector<16xi32> to vector<1xi32>
      %squeeze3A_472 = vector.extract %slice3A_471[0] : i32 from vector<1xi32>
      %add3A_473 = arith.addi %add3A_470, %squeeze3A_472 : i32
      %slice3A_474 = vector.extract_strided_slice %scan3A_458#0 {offsets = [5], sizes = [1], strides = [1]} : vector<16xi32> to vector<1xi32>
      %squeeze3A_475 = vector.extract %slice3A_474[0] : i32 from vector<1xi32>
      %add3A_476 = arith.addi %add3A_473, %squeeze3A_475 : i32
      %slice3A_477 = vector.extract_strided_slice %scan3A_458#0 {offsets = [6], sizes = [1], strides = [1]} : vector<16xi32> to vector<1xi32>
      %squeeze3A_478 = vector.extract %slice3A_477[0] : i32 from vector<1xi32>
      %add3A_479 = arith.addi %add3A_476, %squeeze3A_478 : i32
      %slice3A_480 = vector.extract_strided_slice %scan3A_458#0 {offsets = [7], sizes = [1], strides = [1]} : vector<16xi32> to vector<1xi32>
      %squeeze3A_481 = vector.extract %slice3A_480[0] : i32 from vector<1xi32>
      %add3A_482 = arith.addi %add3A_479, %squeeze3A_481 : i32
      %slice3A_483 = vector.extract_strided_slice %scan3A_458#0 {offsets = [8], sizes = [1], strides = [1]} : vector<16xi32> to vector<1xi32>
      %squeeze3A_484 = vector.extract %slice3A_483[0] : i32 from vector<1xi32>
      %add3A_485 = arith.addi %add3A_482, %squeeze3A_484 : i32
      %slice3A_486 = vector.extract_strided_slice %scan3A_458#0 {offsets = [9], sizes = [1], strides = [1]} : vector<16xi32> to vector<1xi32>
      %squeeze3A_487 = vector.extract %slice3A_486[0] : i32 from vector<1xi32>
      %add3A_488 = arith.addi %add3A_485, %squeeze3A_487 : i32
      %slice3A_489 = vector.extract_strided_slice %scan3A_458#0 {offsets = [10], sizes = [1], strides = [1]} : vector<16xi32> to vector<1xi32>
      %squeeze3A_490 = vector.extract %slice3A_489[0] : i32 from vector<1xi32>
      %add3A_491 = arith.addi %add3A_488, %squeeze3A_490 : i32
      %slice3A_492 = vector.extract_strided_slice %scan3A_458#0 {offsets = [11], sizes = [1], strides = [1]} : vector<16xi32> to vector<1xi32>
      %squeeze3A_493 = vector.extract %slice3A_492[0] : i32 from vector<1xi32>
      %add3A_494 = arith.addi %add3A_491, %squeeze3A_493 : i32
      %slice3A_495 = vector.extract_strided_slice %scan3A_458#0 {offsets = [12], sizes = [1], strides = [1]} : vector<16xi32> to vector<1xi32>
      %squeeze3A_496 = vector.extract %slice3A_495[0] : i32 from vector<1xi32>
      %add3A_497 = arith.addi %add3A_494, %squeeze3A_496 : i32
      %slice3A_498 = vector.extract_strided_slice %scan3A_458#0 {offsets = [13], sizes = [1], strides = [1]} : vector<16xi32> to vector<1xi32>
      %squeeze3A_499 = vector.extract %slice3A_498[0] : i32 from vector<1xi32>
      %add3A_500 = arith.addi %add3A_497, %squeeze3A_499 : i32
      %slice3A_501 = vector.extract_strided_slice %scan3A_458#0 {offsets = [14], sizes = [1], strides = [1]} : vector<16xi32> to vector<1xi32>
      %squeeze3A_502 = vector.extract %slice3A_501[0] : i32 from vector<1xi32>
      %add3A_503 = arith.addi %add3A_500, %squeeze3A_502 : i32
      %slice3A_504 = vector.extract_strided_slice %scan3A_458#0 {offsets = [15], sizes = [1], strides = [1]} : vector<16xi32> to vector<1xi32>
      %squeeze3A_505 = vector.extract %slice3A_504[0] : i32 from vector<1xi32>
      %add3A_506 = arith.addi %add3A_503, %squeeze3A_505 : i32
      %convert_element_type3A_507 = arith.sitofp %add3A_506 : i32 to f32
      %slice3A_508 = vector.extract_strided_slice %scan3A_458#1 {offsets = [0], sizes = [1], strides = [1]} : vector<16xf32> to vector<1xf32>
      %squeeze3A_509 = vector.extract %slice3A_508[0] : f32 from vector<1xf32>
      %slice3A_510 = vector.extract_strided_slice %scan3A_458#1 {offsets = [1], sizes = [1], strides = [1]} : vector<16xf32> to vector<1xf32>
      %squeeze3A_511 = vector.extract %slice3A_510[0] : f32 from vector<1xf32>
      %add3A_512 = arith.addf %squeeze3A_509, %squeeze3A_511 : f32
      %slice3A_513 = vector.extract_strided_slice %scan3A_458#1 {offsets = [2], sizes = [1], strides = [1]} : vector<16xf32> to vector<1xf32>
      %squeeze3A_514 = vector.extract %slice3A_513[0] : f32 from vector<1xf32>
      %add3A_515 = arith.addf %add3A_512, %squeeze3A_514 : f32
      %slice3A_516 = vector.extract_strided_slice %scan3A_458#1 {offsets = [3], sizes = [1], strides = [1]} : vector<16xf32> to vector<1xf32>
      %squeeze3A_517 = vector.extract %slice3A_516[0] : f32 from vector<1xf32>
      %add3A_518 = arith.addf %add3A_515, %squeeze3A_517 : f32
      %slice3A_519 = vector.extract_strided_slice %scan3A_458#1 {offsets = [4], sizes = [1], strides = [1]} : vector<16xf32> to vector<1xf32>
      %squeeze3A_520 = vector.extract %slice3A_519[0] : f32 from vector<1xf32>
      %add3A_521 = arith.addf %add3A_518, %squeeze3A_520 : f32
      %slice3A_522 = vector.extract_strided_slice %scan3A_458#1 {offsets = [5], sizes = [1], strides = [1]} : vector<16xf32> to vector<1xf32>
      %squeeze3A_523 = vector.extract %slice3A_522[0] : f32 from vector<1xf32>
      %add3A_524 = arith.addf %add3A_521, %squeeze3A_523 : f32
      %slice3A_525 = vector.extract_strided_slice %scan3A_458#1 {offsets = [6], sizes = [1], strides = [1]} : vector<16xf32> to vector<1xf32>
      %squeeze3A_526 = vector.extract %slice3A_525[0] : f32 from vector<1xf32>
      %add3A_527 = arith.addf %add3A_524, %squeeze3A_526 : f32
      %slice3A_528 = vector.extract_strided_slice %scan3A_458#1 {offsets = [7], sizes = [1], strides = [1]} : vector<16xf32> to vector<1xf32>
      %squeeze3A_529 = vector.extract %slice3A_528[0] : f32 from vector<1xf32>
      %add3A_530 = arith.addf %add3A_527, %squeeze3A_529 : f32
      %slice3A_531 = vector.extract_strided_slice %scan3A_458#1 {offsets = [8], sizes = [1], strides = [1]} : vector<16xf32> to vector<1xf32>
      %squeeze3A_532 = vector.extract %slice3A_531[0] : f32 from vector<1xf32>
      %add3A_533 = arith.addf %add3A_530, %squeeze3A_532 : f32
      %slice3A_534 = vector.extract_strided_slice %scan3A_458#1 {offsets = [9], sizes = [1], strides = [1]} : vector<16xf32> to vector<1xf32>
      %squeeze3A_535 = vector.extract %slice3A_534[0] : f32 from vector<1xf32>
      %add3A_536 = arith.addf %add3A_533, %squeeze3A_535 : f32
      %slice3A_537 = vector.extract_strided_slice %scan3A_458#1 {offsets = [10], sizes = [1], strides = [1]} : vector<16xf32> to vector<1xf32>
      %squeeze3A_538 = vector.extract %slice3A_537[0] : f32 from vector<1xf32>
      %add3A_539 = arith.addf %add3A_536, %squeeze3A_538 : f32
      %slice3A_540 = vector.extract_strided_slice %scan3A_458#1 {offsets = [11], sizes = [1], strides = [1]} : vector<16xf32> to vector<1xf32>
      %squeeze3A_541 = vector.extract %slice3A_540[0] : f32 from vector<1xf32>
      %add3A_542 = arith.addf %add3A_539, %squeeze3A_541 : f32
      %slice3A_543 = vector.extract_strided_slice %scan3A_458#1 {offsets = [12], sizes = [1], strides = [1]} : vector<16xf32> to vector<1xf32>
      %squeeze3A_544 = vector.extract %slice3A_543[0] : f32 from vector<1xf32>
      %add3A_545 = arith.addf %add3A_542, %squeeze3A_544 : f32
      %slice3A_546 = vector.extract_strided_slice %scan3A_458#1 {offsets = [13], sizes = [1], strides = [1]} : vector<16xf32> to vector<1xf32>
      %squeeze3A_547 = vector.extract %slice3A_546[0] : f32 from vector<1xf32>
      %add3A_548 = arith.addf %add3A_545, %squeeze3A_547 : f32
      %slice3A_549 = vector.extract_strided_slice %scan3A_458#1 {offsets = [14], sizes = [1], strides = [1]} : vector<16xf32> to vector<1xf32>
      %squeeze3A_550 = vector.extract %slice3A_549[0] : f32 from vector<1xf32>
      %add3A_551 = arith.addf %add3A_548, %squeeze3A_550 : f32
      %slice3A_552 = vector.extract_strided_slice %scan3A_458#1 {offsets = [15], sizes = [1], strides = [1]} : vector<16xf32> to vector<1xf32>
      %squeeze3A_553 = vector.extract %slice3A_552[0] : f32 from vector<1xf32>
      %add3A_554 = arith.addf %add3A_551, %squeeze3A_553 : f32
      %slice3A_555 = vector.extract_strided_slice %scan3A_458#2 {offsets = [0], sizes = [1], strides = [1]} : vector<16xi32> to vector<1xi32>
      %squeeze3A_556 = vector.extract %slice3A_555[0] : i32 from vector<1xi32>
      %slice3A_557 = vector.extract_strided_slice %scan3A_458#2 {offsets = [1], sizes = [1], strides = [1]} : vector<16xi32> to vector<1xi32>
      %squeeze3A_558 = vector.extract %slice3A_557[0] : i32 from vector<1xi32>
      %add3A_559 = arith.addi %squeeze3A_556, %squeeze3A_558 : i32
      %slice3A_560 = vector.extract_strided_slice %scan3A_458#2 {offsets = [2], sizes = [1], strides = [1]} : vector<16xi32> to vector<1xi32>
      %squeeze3A_561 = vector.extract %slice3A_560[0] : i32 from vector<1xi32>
      %add3A_562 = arith.addi %add3A_559, %squeeze3A_561 : i32
      %slice3A_563 = vector.extract_strided_slice %scan3A_458#2 {offsets = [3], sizes = [1], strides = [1]} : vector<16xi32> to vector<1xi32>
      %squeeze3A_564 = vector.extract %slice3A_563[0] : i32 from vector<1xi32>
      %add3A_565 = arith.addi %add3A_562, %squeeze3A_564 : i32
      %slice3A_566 = vector.extract_strided_slice %scan3A_458#2 {offsets = [4], sizes = [1], strides = [1]} : vector<16xi32> to vector<1xi32>
      %squeeze3A_567 = vector.extract %slice3A_566[0] : i32 from vector<1xi32>
      %add3A_568 = arith.addi %add3A_565, %squeeze3A_567 : i32
      %slice3A_569 = vector.extract_strided_slice %scan3A_458#2 {offsets = [5], sizes = [1], strides = [1]} : vector<16xi32> to vector<1xi32>
      %squeeze3A_570 = vector.extract %slice3A_569[0] : i32 from vector<1xi32>
      %add3A_571 = arith.addi %add3A_568, %squeeze3A_570 : i32
      %slice3A_572 = vector.extract_strided_slice %scan3A_458#2 {offsets = [6], sizes = [1], strides = [1]} : vector<16xi32> to vector<1xi32>
      %squeeze3A_573 = vector.extract %slice3A_572[0] : i32 from vector<1xi32>
      %add3A_574 = arith.addi %add3A_571, %squeeze3A_573 : i32
      %slice3A_575 = vector.extract_strided_slice %scan3A_458#2 {offsets = [7], sizes = [1], strides = [1]} : vector<16xi32> to vector<1xi32>
      %squeeze3A_576 = vector.extract %slice3A_575[0] : i32 from vector<1xi32>
      %add3A_577 = arith.addi %add3A_574, %squeeze3A_576 : i32
      %slice3A_578 = vector.extract_strided_slice %scan3A_458#2 {offsets = [8], sizes = [1], strides = [1]} : vector<16xi32> to vector<1xi32>
      %squeeze3A_579 = vector.extract %slice3A_578[0] : i32 from vector<1xi32>
      %add3A_580 = arith.addi %add3A_577, %squeeze3A_579 : i32
      %slice3A_581 = vector.extract_strided_slice %scan3A_458#2 {offsets = [9], sizes = [1], strides = [1]} : vector<16xi32> to vector<1xi32>
      %squeeze3A_582 = vector.extract %slice3A_581[0] : i32 from vector<1xi32>
      %add3A_583 = arith.addi %add3A_580, %squeeze3A_582 : i32
      %slice3A_584 = vector.extract_strided_slice %scan3A_458#2 {offsets = [10], sizes = [1], strides = [1]} : vector<16xi32> to vector<1xi32>
      %squeeze3A_585 = vector.extract %slice3A_584[0] : i32 from vector<1xi32>
      %add3A_586 = arith.addi %add3A_583, %squeeze3A_585 : i32
      %slice3A_587 = vector.extract_strided_slice %scan3A_458#2 {offsets = [11], sizes = [1], strides = [1]} : vector<16xi32> to vector<1xi32>
      %squeeze3A_588 = vector.extract %slice3A_587[0] : i32 from vector<1xi32>
      %add3A_589 = arith.addi %add3A_586, %squeeze3A_588 : i32
      %slice3A_590 = vector.extract_strided_slice %scan3A_458#2 {offsets = [12], sizes = [1], strides = [1]} : vector<16xi32> to vector<1xi32>
      %squeeze3A_591 = vector.extract %slice3A_590[0] : i32 from vector<1xi32>
      %add3A_592 = arith.addi %add3A_589, %squeeze3A_591 : i32
      %slice3A_593 = vector.extract_strided_slice %scan3A_458#2 {offsets = [13], sizes = [1], strides = [1]} : vector<16xi32> to vector<1xi32>
      %squeeze3A_594 = vector.extract %slice3A_593[0] : i32 from vector<1xi32>
      %add3A_595 = arith.addi %add3A_592, %squeeze3A_594 : i32
      %slice3A_596 = vector.extract_strided_slice %scan3A_458#2 {offsets = [14], sizes = [1], strides = [1]} : vector<16xi32> to vector<1xi32>
      %squeeze3A_597 = vector.extract %slice3A_596[0] : i32 from vector<1xi32>
      %add3A_598 = arith.addi %add3A_595, %squeeze3A_597 : i32
      %slice3A_599 = vector.extract_strided_slice %scan3A_458#2 {offsets = [15], sizes = [1], strides = [1]} : vector<16xi32> to vector<1xi32>
      %squeeze3A_600 = vector.extract %slice3A_599[0] : i32 from vector<1xi32>
      %add3A_601 = arith.addi %add3A_598, %squeeze3A_600 : i32
      %convert_element_type3A_602 = arith.sitofp %add3A_601 : i32 to f32
      %slice3A_603 = vector.extract_strided_slice %scan3A_458#3 {offsets = [0], sizes = [1], strides = [1]} : vector<16xf32> to vector<1xf32>
      %squeeze3A_604 = vector.extract %slice3A_603[0] : f32 from vector<1xf32>
      %slice3A_605 = vector.extract_strided_slice %scan3A_458#3 {offsets = [1], sizes = [1], strides = [1]} : vector<16xf32> to vector<1xf32>
      %squeeze3A_606 = vector.extract %slice3A_605[0] : f32 from vector<1xf32>
      %add3A_607 = arith.addf %squeeze3A_604, %squeeze3A_606 : f32
      %slice3A_608 = vector.extract_strided_slice %scan3A_458#3 {offsets = [2], sizes = [1], strides = [1]} : vector<16xf32> to vector<1xf32>
      %squeeze3A_609 = vector.extract %slice3A_608[0] : f32 from vector<1xf32>
      %add3A_610 = arith.addf %add3A_607, %squeeze3A_609 : f32
      %slice3A_611 = vector.extract_strided_slice %scan3A_458#3 {offsets = [3], sizes = [1], strides = [1]} : vector<16xf32> to vector<1xf32>
      %squeeze3A_612 = vector.extract %slice3A_611[0] : f32 from vector<1xf32>
      %add3A_613 = arith.addf %add3A_610, %squeeze3A_612 : f32
      %slice3A_614 = vector.extract_strided_slice %scan3A_458#3 {offsets = [4], sizes = [1], strides = [1]} : vector<16xf32> to vector<1xf32>
      %squeeze3A_615 = vector.extract %slice3A_614[0] : f32 from vector<1xf32>
      %add3A_616 = arith.addf %add3A_613, %squeeze3A_615 : f32
      %slice3A_617 = vector.extract_strided_slice %scan3A_458#3 {offsets = [5], sizes = [1], strides = [1]} : vector<16xf32> to vector<1xf32>
      %squeeze3A_618 = vector.extract %slice3A_617[0] : f32 from vector<1xf32>
      %add3A_619 = arith.addf %add3A_616, %squeeze3A_618 : f32
      %slice3A_620 = vector.extract_strided_slice %scan3A_458#3 {offsets = [6], sizes = [1], strides = [1]} : vector<16xf32> to vector<1xf32>
      %squeeze3A_621 = vector.extract %slice3A_620[0] : f32 from vector<1xf32>
      %add3A_622 = arith.addf %add3A_619, %squeeze3A_621 : f32
      %slice3A_623 = vector.extract_strided_slice %scan3A_458#3 {offsets = [7], sizes = [1], strides = [1]} : vector<16xf32> to vector<1xf32>
      %squeeze3A_624 = vector.extract %slice3A_623[0] : f32 from vector<1xf32>
      %add3A_625 = arith.addf %add3A_622, %squeeze3A_624 : f32
      %slice3A_626 = vector.extract_strided_slice %scan3A_458#3 {offsets = [8], sizes = [1], strides = [1]} : vector<16xf32> to vector<1xf32>
      %squeeze3A_627 = vector.extract %slice3A_626[0] : f32 from vector<1xf32>
      %add3A_628 = arith.addf %add3A_625, %squeeze3A_627 : f32
      %slice3A_629 = vector.extract_strided_slice %scan3A_458#3 {offsets = [9], sizes = [1], strides = [1]} : vector<16xf32> to vector<1xf32>
      %squeeze3A_630 = vector.extract %slice3A_629[0] : f32 from vector<1xf32>
      %add3A_631 = arith.addf %add3A_628, %squeeze3A_630 : f32
      %slice3A_632 = vector.extract_strided_slice %scan3A_458#3 {offsets = [10], sizes = [1], strides = [1]} : vector<16xf32> to vector<1xf32>
      %squeeze3A_633 = vector.extract %slice3A_632[0] : f32 from vector<1xf32>
      %add3A_634 = arith.addf %add3A_631, %squeeze3A_633 : f32
      %slice3A_635 = vector.extract_strided_slice %scan3A_458#3 {offsets = [11], sizes = [1], strides = [1]} : vector<16xf32> to vector<1xf32>
      %squeeze3A_636 = vector.extract %slice3A_635[0] : f32 from vector<1xf32>
      %add3A_637 = arith.addf %add3A_634, %squeeze3A_636 : f32
      %slice3A_638 = vector.extract_strided_slice %scan3A_458#3 {offsets = [12], sizes = [1], strides = [1]} : vector<16xf32> to vector<1xf32>
      %squeeze3A_639 = vector.extract %slice3A_638[0] : f32 from vector<1xf32>
      %add3A_640 = arith.addf %add3A_637, %squeeze3A_639 : f32
      %slice3A_641 = vector.extract_strided_slice %scan3A_458#3 {offsets = [13], sizes = [1], strides = [1]} : vector<16xf32> to vector<1xf32>
      %squeeze3A_642 = vector.extract %slice3A_641[0] : f32 from vector<1xf32>
      %add3A_643 = arith.addf %add3A_640, %squeeze3A_642 : f32
      %slice3A_644 = vector.extract_strided_slice %scan3A_458#3 {offsets = [14], sizes = [1], strides = [1]} : vector<16xf32> to vector<1xf32>
      %squeeze3A_645 = vector.extract %slice3A_644[0] : f32 from vector<1xf32>
      %add3A_646 = arith.addf %add3A_643, %squeeze3A_645 : f32
      %slice3A_647 = vector.extract_strided_slice %scan3A_458#3 {offsets = [15], sizes = [1], strides = [1]} : vector<16xf32> to vector<1xf32>
      %squeeze3A_648 = vector.extract %slice3A_647[0] : f32 from vector<1xf32>
      %add3A_649 = arith.addf %add3A_646, %squeeze3A_648 : f32
      %sub3A = arith.subf %mul3A_140, %convert_element_type3A_507 : f32
      scf.yield %add3A_554, %sub3A, %add3A_649, %convert_element_type3A_602 : f32, f32, f32, f32
    }
    %add3A_248 = vector.broadcast %cond3A_247#0 : f32 to vector<16xf32>
    %add3A_249 = arith.addf %broadcast_in_dim3A_3, %add3A_248 : vector<16xf32>
    %add3A_250 = vector.broadcast %cond3A_247#1 : f32 to vector<16xf32>
    %add3A_251 = arith.addf %broadcast_in_dim3A_3, %add3A_250 : vector<16xf32>
    %add3A_252 = vector.broadcast %cond3A_247#2 : f32 to vector<16xf32>
    %add3A_253 = arith.addf %broadcast_in_dim3A_3, %add3A_252 : vector<16xf32>
    %mul3A_254 = arith.mulf %add3A_251, %add3A_253 : vector<16xf32>
    %add3A_255 = vector.broadcast %cond3A_247#3 : f32 to vector<16xf32>
    %add3A_256 = arith.addf %broadcast_in_dim3A_3, %add3A_255 : vector<16xf32>
    %max3A = arith.constant 1.000000e+00 : f32
    %max3A_257 = vector.broadcast %max3A : f32 to vector<16xf32>
    %max3A_258 = arith.maximumf %add3A_256, %max3A_257 : vector<16xf32>
    %div3A = arith.divf %mul3A_254, %max3A_258 : vector<16xf32>
    %add3A_259 = arith.addf %add3A_249, %div3A : vector<16xf32>
    %swap3A = arith.constant 0 : index
    %swap3A_260 = tpu.vector_load %arg9[%swap3A] {strides = array<i32>} : memref<16xf32, #tpu.memory_space<vmem>>, vector<16xf32>,
    %swap3A_261 = vector.shape_cast %swap3A_260 : vector<16xf32> to vector<16xf32>
    %swap3A_262 = vector.shape_cast %add3A_259 : vector<16xf32> to vector<16xf32>
    tpu.vector_store %arg9[%swap3A], %swap3A_262 {strides = array<i32>} : memref<16xf32, #tpu.memory_space<vmem>>, vector<16xf32>,
    "tpu.region"() ({
      %run_scoped3A = tpu.sem_alloc : memref<!tpu.dma_semaphore, #tpu.memory_space<semaphore_mem>>
      %dma_start3A_446 = arith.constant 0 : i32
      %dma_start3A_447 = tpu.memref_slice %arg5[%add3A_94, %dma_start3A_446] : memref<64x16xf32, #tpu.memory_space<hbm>> -> memref<1x16xf32, #tpu.memory_space<hbm>>
      %dma_start3A_448 = tpu.memref_squeeze %dma_start3A_447 : memref<1x16xf32, #tpu.memory_space<hbm>> -> memref<16xf32, #tpu.memory_space<hbm>>
      %dma_start3A_449 = arith.constant 0 : i32
      %dma_start3A_450 = tpu.memref_slice %arg5[%add3A_94, %dma_start3A_449] : memref<64x16xf32, #tpu.memory_space<hbm>> -> memref<1x16xf32, #tpu.memory_space<hbm>>
      %dma_start3A_451 = tpu.memref_squeeze %dma_start3A_450 : memref<1x16xf32, #tpu.memory_space<hbm>> -> memref<16xf32, #tpu.memory_space<hbm>>
      tpu.enqueue_dma source(%arg9 : memref<16xf32, #tpu.memory_space<vmem>>) target(%dma_start3A_451 : memref<16xf32, #tpu.memory_space<hbm>>) target_semaphore(%run_scoped3A : memref<!tpu.dma_semaphore, #tpu.memory_space<semaphore_mem>>)
      %dma_wait3A_452 = arith.constant 0 : i32
      %dma_wait3A_453 = tpu.memref_slice %arg5[%add3A_94, %dma_wait3A_452] : memref<64x16xf32, #tpu.memory_space<hbm>> -> memref<1x16xf32, #tpu.memory_space<hbm>>
      %dma_wait3A_454 = tpu.memref_squeeze %dma_wait3A_453 : memref<1x16xf32, #tpu.memory_space<hbm>> -> memref<16xf32, #tpu.memory_space<hbm>>
      %dma_wait3A_455 = arith.constant 0 : i32
      %dma_wait3A_456 = tpu.memref_slice %arg5[%add3A_94, %dma_wait3A_455] : memref<64x16xf32, #tpu.memory_space<hbm>> -> memref<1x16xf32, #tpu.memory_space<hbm>>
      %dma_wait3A_457 = tpu.memref_squeeze %dma_wait3A_456 : memref<1x16xf32, #tpu.memory_space<hbm>> -> memref<16xf32, #tpu.memory_space<hbm>>
      tpu.wait_dma2 semaphore(%run_scoped3A : memref<!tpu.dma_semaphore, #tpu.memory_space<semaphore_mem>>) src(%arg9 : memref<16xf32, #tpu.memory_space<vmem>>) dst(%dma_wait3A_457 : memref<16xf32, #tpu.memory_space<hbm>>)
      tpu.yield
    }) : () -> ()
    %mul3A_263 = arith.constant 2 : i32
    %mul3A_264 = arith.muli %add3A, %mul3A_263 : i32
    %add3A_265 = arith.constant 1 : i32
    %add3A_266 = arith.addi %mul3A_264, %add3A_265 : i32
    %dma_wait3A_267 = arith.constant 1 : i32
    %dma_wait3A_268 = arith.constant 0 : i32
    %dma_wait3A_269 = tpu.memref_slice %arg6[%dma_wait3A_267, %dma_wait3A_268] : memref<2x9216xi32, #tpu.memory_space<vmem>> -> memref<1x9216xi32, #tpu.memory_space<vmem>>
    %dma_wait3A_270 = tpu.memref_squeeze %dma_wait3A_269 : memref<1x9216xi32, #tpu.memory_space<vmem>> -> memref<9216xi32, #tpu.memory_space<vmem>>
    %dma_wait3A_271 = arith.constant 0 : i32
    %dma_wait3A_272 = tpu.memref_slice %arg2[%add3A_51, %dma_wait3A_271] : memref<64x9216xi32, #tpu.memory_space<hbm>> -> memref<1x9216xi32, #tpu.memory_space<hbm>>
    %dma_wait3A_273 = tpu.memref_squeeze %dma_wait3A_272 : memref<1x9216xi32, #tpu.memory_space<hbm>> -> memref<9216xi32, #tpu.memory_space<hbm>>
    %dma_wait3A_274 = arith.constant 0 : i32
    %dma_wait3A_275 = tpu.memref_slice %arg6[%dma_wait3A_267, %dma_wait3A_274] : memref<2x9216xi32, #tpu.memory_space<vmem>> -> memref<1x9216xi32, #tpu.memory_space<vmem>>
    %dma_wait3A_276 = tpu.memref_squeeze %dma_wait3A_275 : memref<1x9216xi32, #tpu.memory_space<vmem>> -> memref<9216xi32, #tpu.memory_space<vmem>>
    %dma_wait3A_277 = arith.constant 0 : i32
    %dma_wait3A_278 = tpu.memref_slice %arg2[%add3A_51, %dma_wait3A_277] : memref<64x9216xi32, #tpu.memory_space<hbm>> -> memref<1x9216xi32, #tpu.memory_space<hbm>>
    %dma_wait3A_279 = tpu.memref_squeeze %dma_wait3A_278 : memref<1x9216xi32, #tpu.memory_space<hbm>> -> memref<9216xi32, #tpu.memory_space<hbm>>
    tpu.wait_dma2 semaphore(%arg11 : memref<!tpu.dma_semaphore, #tpu.memory_space<semaphore_mem>>) src(%dma_wait3A_279 : memref<9216xi32, #tpu.memory_space<hbm>>) dst(%dma_wait3A_276 : memref<9216xi32, #tpu.memory_space<vmem>>)
    %dma_wait3A_280 = arith.constant 1 : i32
    %dma_wait3A_281 = arith.constant 0 : i32
    %dma_wait3A_282 = tpu.memref_slice %arg7[%dma_wait3A_280, %dma_wait3A_281] : memref<2x9216xf32, #tpu.memory_space<vmem>> -> memref<1x9216xf32, #tpu.memory_space<vmem>>
    %dma_wait3A_283 = tpu.memref_squeeze %dma_wait3A_282 : memref<1x9216xf32, #tpu.memory_space<vmem>> -> memref<9216xf32, #tpu.memory_space<vmem>>
    %dma_wait3A_284 = arith.constant 0 : i32
    %dma_wait3A_285 = tpu.memref_slice %arg3[%add3A_51, %dma_wait3A_284] : memref<64x9216xf32, #tpu.memory_space<hbm>> -> memref<1x9216xf32, #tpu.memory_space<hbm>>
    %dma_wait3A_286 = tpu.memref_squeeze %dma_wait3A_285 : memref<1x9216xf32, #tpu.memory_space<hbm>> -> memref<9216xf32, #tpu.memory_space<hbm>>
    %dma_wait3A_287 = arith.constant 0 : i32
    %dma_wait3A_288 = tpu.memref_slice %arg7[%dma_wait3A_280, %dma_wait3A_287] : memref<2x9216xf32, #tpu.memory_space<vmem>> -> memref<1x9216xf32, #tpu.memory_space<vmem>>
    %dma_wait3A_289 = tpu.memref_squeeze %dma_wait3A_288 : memref<1x9216xf32, #tpu.memory_space<vmem>> -> memref<9216xf32, #tpu.memory_space<vmem>>
    %dma_wait3A_290 = arith.constant 0 : i32
    %dma_wait3A_291 = tpu.memref_slice %arg3[%add3A_51, %dma_wait3A_290] : memref<64x9216xf32, #tpu.memory_space<hbm>> -> memref<1x9216xf32, #tpu.memory_space<hbm>>
    %dma_wait3A_292 = tpu.memref_squeeze %dma_wait3A_291 : memref<1x9216xf32, #tpu.memory_space<hbm>> -> memref<9216xf32, #tpu.memory_space<hbm>>
    tpu.wait_dma2 semaphore(%arg11 : memref<!tpu.dma_semaphore, #tpu.memory_space<semaphore_mem>>) src(%dma_wait3A_292 : memref<9216xf32, #tpu.memory_space<hbm>>) dst(%dma_wait3A_289 : memref<9216xf32, #tpu.memory_space<vmem>>)
    %dma_wait3A_293 = arith.constant 1 : i32
    %dma_wait3A_294 = arith.constant 0 : i32
    %dma_wait3A_295 = tpu.memref_slice %arg8[%dma_wait3A_293, %dma_wait3A_294] : memref<2x128xf32, #tpu.memory_space<vmem>> -> memref<1x128xf32, #tpu.memory_space<vmem>>
    %dma_wait3A_296 = tpu.memref_squeeze %dma_wait3A_295 : memref<1x128xf32, #tpu.memory_space<vmem>> -> memref<128xf32, #tpu.memory_space<vmem>>
    %dma_wait3A_297 = arith.constant 0 : i32
    %dma_wait3A_298 = tpu.memref_slice %arg4[%add3A_51, %dma_wait3A_297] : memref<64x128xf32, #tpu.memory_space<hbm>> -> memref<1x128xf32, #tpu.memory_space<hbm>>
    %dma_wait3A_299 = tpu.memref_squeeze %dma_wait3A_298 : memref<1x128xf32, #tpu.memory_space<hbm>> -> memref<128xf32, #tpu.memory_space<hbm>>
    %dma_wait3A_300 = arith.constant 0 : i32
    %dma_wait3A_301 = tpu.memref_slice %arg8[%dma_wait3A_293, %dma_wait3A_300] : memref<2x128xf32, #tpu.memory_space<vmem>> -> memref<1x128xf32, #tpu.memory_space<vmem>>
    %dma_wait3A_302 = tpu.memref_squeeze %dma_wait3A_301 : memref<1x128xf32, #tpu.memory_space<vmem>> -> memref<128xf32, #tpu.memory_space<vmem>>
    %dma_wait3A_303 = arith.constant 0 : i32
    %dma_wait3A_304 = tpu.memref_slice %arg4[%add3A_51, %dma_wait3A_303] : memref<64x128xf32, #tpu.memory_space<hbm>> -> memref<1x128xf32, #tpu.memory_space<hbm>>
    %dma_wait3A_305 = tpu.memref_squeeze %dma_wait3A_304 : memref<1x128xf32, #tpu.memory_space<hbm>> -> memref<128xf32, #tpu.memory_space<hbm>>
    tpu.wait_dma2 semaphore(%arg11 : memref<!tpu.dma_semaphore, #tpu.memory_space<semaphore_mem>>) src(%dma_wait3A_305 : memref<128xf32, #tpu.memory_space<hbm>>) dst(%dma_wait3A_302 : memref<128xf32, #tpu.memory_space<vmem>>)
    %get3A_306 = arith.constant 1 : i32
    %get3A_307 = arith.constant 0 : i32
    %get3A_308 = tpu.memref_slice %arg8[%get3A_306, %get3A_307] : memref<2x128xf32, #tpu.memory_space<vmem>> -> memref<1x128xf32, #tpu.memory_space<vmem>>
    %get3A_309 = tpu.memref_squeeze %get3A_308 : memref<1x128xf32, #tpu.memory_space<vmem>> -> memref<128xf32, #tpu.memory_space<vmem>>
    %get3A_310 = arith.constant 0 : index
    %get3A_311 = tpu.vector_load %get3A_309[%get3A_310] {strides = array<i32>} : memref<128xf32, #tpu.memory_space<vmem>>, vector<16xf32>,
    %get3A_312 = vector.shape_cast %get3A_311 : vector<16xf32> to vector<16xf32>
    %slice3A_313 = vector.extract_strided_slice %get3A_312 {offsets = [0], sizes = [1], strides = [1]} : vector<16xf32> to vector<1xf32>
    %squeeze3A_314 = vector.extract %slice3A_313[0] : f32 from vector<1xf32>
    %mul3A_315 = arith.constant 3.000000e+00 : f32
    %mul3A_316 = arith.mulf %mul3A_315, %squeeze3A_314 : f32
    %scan3A_317 = arith.constant 1 : i32
    %scan3A_318 = arith.constant 1 : i32
    %scan3A_319 = arith.constant 0 : i32
    %scan3A_320 = arith.constant 72 : i32
    %scan3A_321 = arith.addi %scan3A_319, %scan3A_320 : i32
    %scan3A_322 = arith.constant 1 : i32
    %scan3A_323:2 = scf.for %scan3A_446 = %scan3A_319 to %scan3A_321 step %scan3A_322 iter_args(%scan3A_447 = %broadcast_in_dim3A_1, %scan3A_448 = %broadcast_in_dim3A_3) -> (vector<16xi32>, vector<16xf32>)  : i32 {
      %mul3A_449 = arith.constant 128 : i32
      %mul3A_450 = arith.muli %scan3A_446, %mul3A_449 : i32
      %add3A_451 = arith.constant 0 : i32
      %add3A_452 = arith.addi %mul3A_450, %add3A_451 : i32
      %get3A_453 = arith.constant 0 : i32
      %get3A_454 = tpu.memref_slice %arg6[%scan3A_317, %get3A_453] : memref<2x9216xi32, #tpu.memory_space<vmem>> -> memref<1x9216xi32, #tpu.memory_space<vmem>>
      %get3A_455 = tpu.memref_squeeze %get3A_454 : memref<1x9216xi32, #tpu.memory_space<vmem>> -> memref<9216xi32, #tpu.memory_space<vmem>>
      %get3A_456 = arith.index_cast %add3A_452 : i32 to index
      %get3A_457 = tpu.vector_load %get3A_455[%get3A_456] {strides = array<i32>} : memref<9216xi32, #tpu.memory_space<vmem>>, vector<16xi32>,
      %get3A_458 = vector.shape_cast %get3A_457 : vector<16xi32> to vector<16xi32>
      %ge3A_459 = arith.constant 0 : i32
      %ge3A_460 = vector.broadcast %ge3A_459 : i32 to vector<16xi32>
      %ge3A_461 = arith.cmpi sge, %get3A_458, %ge3A_460 : vector<16xi32>
      %select_n3A = arith.select %ge3A_461, %broadcast_in_dim3A_5, %broadcast_in_dim3A_1 : vector<16xi1>, vector<16xi32>
      %add3A_462 = arith.addi %scan3A_447, %select_n3A : vector<16xi32>
      %mul3A_463 = arith.constant 128 : i32
      %mul3A_464 = arith.muli %scan3A_446, %mul3A_463 : i32
      %add3A_465 = arith.constant 0 : i32
      %add3A_466 = arith.addi %mul3A_464, %add3A_465 : i32
      %get3A_467 = arith.constant 0 : i32
      %get3A_468 = tpu.memref_slice %arg7[%scan3A_318, %get3A_467] : memref<2x9216xf32, #tpu.memory_space<vmem>> -> memref<1x9216xf32, #tpu.memory_space<vmem>>
      %get3A_469 = tpu.memref_squeeze %get3A_468 : memref<1x9216xf32, #tpu.memory_space<vmem>> -> memref<9216xf32, #tpu.memory_space<vmem>>
      %get3A_470 = arith.index_cast %add3A_466 : i32 to index
      %get3A_471 = tpu.vector_load %get3A_469[%get3A_470] {strides = array<i32>} : memref<9216xf32, #tpu.memory_space<vmem>>, vector<16xf32>,
      %get3A_472 = vector.shape_cast %get3A_471 : vector<16xf32> to vector<16xf32>
      %select_n3A_473 = arith.select %ge3A_461, %get3A_472, %broadcast_in_dim3A_3 : vector<16xi1>, vector<16xf32>
      %add3A_474 = arith.addf %scan3A_448, %select_n3A_473 : vector<16xf32>
      %mul3A_475 = arith.constant 128 : i32
      %mul3A_476 = arith.muli %scan3A_446, %mul3A_475 : i32
      %add3A_477 = arith.constant 16 : i32
      %add3A_478 = arith.addi %mul3A_476, %add3A_477 : i32
      %get3A_479 = arith.constant 0 : i32
      %get3A_480 = tpu.memref_slice %arg6[%scan3A_317, %get3A_479] : memref<2x9216xi32, #tpu.memory_space<vmem>> -> memref<1x9216xi32, #tpu.memory_space<vmem>>
      %get3A_481 = tpu.memref_squeeze %get3A_480 : memref<1x9216xi32, #tpu.memory_space<vmem>> -> memref<9216xi32, #tpu.memory_space<vmem>>
      %get3A_482 = arith.index_cast %add3A_478 : i32 to index
      %get3A_483 = tpu.vector_load %get3A_481[%get3A_482] {strides = array<i32>} : memref<9216xi32, #tpu.memory_space<vmem>>, vector<16xi32>,
      %get3A_484 = vector.shape_cast %get3A_483 : vector<16xi32> to vector<16xi32>
      %ge3A_485 = arith.constant 0 : i32
      %ge3A_486 = vector.broadcast %ge3A_485 : i32 to vector<16xi32>
      %ge3A_487 = arith.cmpi sge, %get3A_484, %ge3A_486 : vector<16xi32>
      %select_n3A_488 = arith.select %ge3A_487, %broadcast_in_dim3A_5, %broadcast_in_dim3A_1 : vector<16xi1>, vector<16xi32>
      %add3A_489 = arith.addi %add3A_462, %select_n3A_488 : vector<16xi32>
      %mul3A_490 = arith.constant 128 : i32
      %mul3A_491 = arith.muli %scan3A_446, %mul3A_490 : i32
      %add3A_492 = arith.constant 16 : i32
      %add3A_493 = arith.addi %mul3A_491, %add3A_492 : i32
      %get3A_494 = arith.constant 0 : i32
      %get3A_495 = tpu.memref_slice %arg7[%scan3A_318, %get3A_494] : memref<2x9216xf32, #tpu.memory_space<vmem>> -> memref<1x9216xf32, #tpu.memory_space<vmem>>
      %get3A_496 = tpu.memref_squeeze %get3A_495 : memref<1x9216xf32, #tpu.memory_space<vmem>> -> memref<9216xf32, #tpu.memory_space<vmem>>
      %get3A_497 = arith.index_cast %add3A_493 : i32 to index
      %get3A_498 = tpu.vector_load %get3A_496[%get3A_497] {strides = array<i32>} : memref<9216xf32, #tpu.memory_space<vmem>>, vector<16xf32>,
      %get3A_499 = vector.shape_cast %get3A_498 : vector<16xf32> to vector<16xf32>
      %select_n3A_500 = arith.select %ge3A_487, %get3A_499, %broadcast_in_dim3A_3 : vector<16xi1>, vector<16xf32>
      %add3A_501 = arith.addf %add3A_474, %select_n3A_500 : vector<16xf32>
      %mul3A_502 = arith.constant 128 : i32
      %mul3A_503 = arith.muli %scan3A_446, %mul3A_502 : i32
      %add3A_504 = arith.constant 32 : i32
      %add3A_505 = arith.addi %mul3A_503, %add3A_504 : i32
      %get3A_506 = arith.constant 0 : i32
      %get3A_507 = tpu.memref_slice %arg6[%scan3A_317, %get3A_506] : memref<2x9216xi32, #tpu.memory_space<vmem>> -> memref<1x9216xi32, #tpu.memory_space<vmem>>
      %get3A_508 = tpu.memref_squeeze %get3A_507 : memref<1x9216xi32, #tpu.memory_space<vmem>> -> memref<9216xi32, #tpu.memory_space<vmem>>
      %get3A_509 = arith.index_cast %add3A_505 : i32 to index
      %get3A_510 = tpu.vector_load %get3A_508[%get3A_509] {strides = array<i32>} : memref<9216xi32, #tpu.memory_space<vmem>>, vector<16xi32>,
      %get3A_511 = vector.shape_cast %get3A_510 : vector<16xi32> to vector<16xi32>
      %ge3A_512 = arith.constant 0 : i32
      %ge3A_513 = vector.broadcast %ge3A_512 : i32 to vector<16xi32>
      %ge3A_514 = arith.cmpi sge, %get3A_511, %ge3A_513 : vector<16xi32>
      %select_n3A_515 = arith.select %ge3A_514, %broadcast_in_dim3A_5, %broadcast_in_dim3A_1 : vector<16xi1>, vector<16xi32>
      %add3A_516 = arith.addi %add3A_489, %select_n3A_515 : vector<16xi32>
      %mul3A_517 = arith.constant 128 : i32
      %mul3A_518 = arith.muli %scan3A_446, %mul3A_517 : i32
      %add3A_519 = arith.constant 32 : i32
      %add3A_520 = arith.addi %mul3A_518, %add3A_519 : i32
      %get3A_521 = arith.constant 0 : i32
      %get3A_522 = tpu.memref_slice %arg7[%scan3A_318, %get3A_521] : memref<2x9216xf32, #tpu.memory_space<vmem>> -> memref<1x9216xf32, #tpu.memory_space<vmem>>
      %get3A_523 = tpu.memref_squeeze %get3A_522 : memref<1x9216xf32, #tpu.memory_space<vmem>> -> memref<9216xf32, #tpu.memory_space<vmem>>
      %get3A_524 = arith.index_cast %add3A_520 : i32 to index
      %get3A_525 = tpu.vector_load %get3A_523[%get3A_524] {strides = array<i32>} : memref<9216xf32, #tpu.memory_space<vmem>>, vector<16xf32>,
      %get3A_526 = vector.shape_cast %get3A_525 : vector<16xf32> to vector<16xf32>
      %select_n3A_527 = arith.select %ge3A_514, %get3A_526, %broadcast_in_dim3A_3 : vector<16xi1>, vector<16xf32>
      %add3A_528 = arith.addf %add3A_501, %select_n3A_527 : vector<16xf32>
      %mul3A_529 = arith.constant 128 : i32
      %mul3A_530 = arith.muli %scan3A_446, %mul3A_529 : i32
      %add3A_531 = arith.constant 48 : i32
      %add3A_532 = arith.addi %mul3A_530, %add3A_531 : i32
      %get3A_533 = arith.constant 0 : i32
      %get3A_534 = tpu.memref_slice %arg6[%scan3A_317, %get3A_533] : memref<2x9216xi32, #tpu.memory_space<vmem>> -> memref<1x9216xi32, #tpu.memory_space<vmem>>
      %get3A_535 = tpu.memref_squeeze %get3A_534 : memref<1x9216xi32, #tpu.memory_space<vmem>> -> memref<9216xi32, #tpu.memory_space<vmem>>
      %get3A_536 = arith.index_cast %add3A_532 : i32 to index
      %get3A_537 = tpu.vector_load %get3A_535[%get3A_536] {strides = array<i32>} : memref<9216xi32, #tpu.memory_space<vmem>>, vector<16xi32>,
      %get3A_538 = vector.shape_cast %get3A_537 : vector<16xi32> to vector<16xi32>
      %ge3A_539 = arith.constant 0 : i32
      %ge3A_540 = vector.broadcast %ge3A_539 : i32 to vector<16xi32>
      %ge3A_541 = arith.cmpi sge, %get3A_538, %ge3A_540 : vector<16xi32>
      %select_n3A_542 = arith.select %ge3A_541, %broadcast_in_dim3A_5, %broadcast_in_dim3A_1 : vector<16xi1>, vector<16xi32>
      %add3A_543 = arith.addi %add3A_516, %select_n3A_542 : vector<16xi32>
      %mul3A_544 = arith.constant 128 : i32
      %mul3A_545 = arith.muli %scan3A_446, %mul3A_544 : i32
      %add3A_546 = arith.constant 48 : i32
      %add3A_547 = arith.addi %mul3A_545, %add3A_546 : i32
      %get3A_548 = arith.constant 0 : i32
      %get3A_549 = tpu.memref_slice %arg7[%scan3A_318, %get3A_548] : memref<2x9216xf32, #tpu.memory_space<vmem>> -> memref<1x9216xf32, #tpu.memory_space<vmem>>
      %get3A_550 = tpu.memref_squeeze %get3A_549 : memref<1x9216xf32, #tpu.memory_space<vmem>> -> memref<9216xf32, #tpu.memory_space<vmem>>
      %get3A_551 = arith.index_cast %add3A_547 : i32 to index
      %get3A_552 = tpu.vector_load %get3A_550[%get3A_551] {strides = array<i32>} : memref<9216xf32, #tpu.memory_space<vmem>>, vector<16xf32>,
      %get3A_553 = vector.shape_cast %get3A_552 : vector<16xf32> to vector<16xf32>
      %select_n3A_554 = arith.select %ge3A_541, %get3A_553, %broadcast_in_dim3A_3 : vector<16xi1>, vector<16xf32>
      %add3A_555 = arith.addf %add3A_528, %select_n3A_554 : vector<16xf32>
      %mul3A_556 = arith.constant 128 : i32
      %mul3A_557 = arith.muli %scan3A_446, %mul3A_556 : i32
      %add3A_558 = arith.constant 64 : i32
      %add3A_559 = arith.addi %mul3A_557, %add3A_558 : i32
      %get3A_560 = arith.constant 0 : i32
      %get3A_561 = tpu.memref_slice %arg6[%scan3A_317, %get3A_560] : memref<2x9216xi32, #tpu.memory_space<vmem>> -> memref<1x9216xi32, #tpu.memory_space<vmem>>
      %get3A_562 = tpu.memref_squeeze %get3A_561 : memref<1x9216xi32, #tpu.memory_space<vmem>> -> memref<9216xi32, #tpu.memory_space<vmem>>
      %get3A_563 = arith.index_cast %add3A_559 : i32 to index
      %get3A_564 = tpu.vector_load %get3A_562[%get3A_563] {strides = array<i32>} : memref<9216xi32, #tpu.memory_space<vmem>>, vector<16xi32>,
      %get3A_565 = vector.shape_cast %get3A_564 : vector<16xi32> to vector<16xi32>
      %ge3A_566 = arith.constant 0 : i32
      %ge3A_567 = vector.broadcast %ge3A_566 : i32 to vector<16xi32>
      %ge3A_568 = arith.cmpi sge, %get3A_565, %ge3A_567 : vector<16xi32>
      %select_n3A_569 = arith.select %ge3A_568, %broadcast_in_dim3A_5, %broadcast_in_dim3A_1 : vector<16xi1>, vector<16xi32>
      %add3A_570 = arith.addi %add3A_543, %select_n3A_569 : vector<16xi32>
      %mul3A_571 = arith.constant 128 : i32
      %mul3A_572 = arith.muli %scan3A_446, %mul3A_571 : i32
      %add3A_573 = arith.constant 64 : i32
      %add3A_574 = arith.addi %mul3A_572, %add3A_573 : i32
      %get3A_575 = arith.constant 0 : i32
      %get3A_576 = tpu.memref_slice %arg7[%scan3A_318, %get3A_575] : memref<2x9216xf32, #tpu.memory_space<vmem>> -> memref<1x9216xf32, #tpu.memory_space<vmem>>
      %get3A_577 = tpu.memref_squeeze %get3A_576 : memref<1x9216xf32, #tpu.memory_space<vmem>> -> memref<9216xf32, #tpu.memory_space<vmem>>
      %get3A_578 = arith.index_cast %add3A_574 : i32 to index
      %get3A_579 = tpu.vector_load %get3A_577[%get3A_578] {strides = array<i32>} : memref<9216xf32, #tpu.memory_space<vmem>>, vector<16xf32>,
      %get3A_580 = vector.shape_cast %get3A_579 : vector<16xf32> to vector<16xf32>
      %select_n3A_581 = arith.select %ge3A_568, %get3A_580, %broadcast_in_dim3A_3 : vector<16xi1>, vector<16xf32>
      %add3A_582 = arith.addf %add3A_555, %select_n3A_581 : vector<16xf32>
      %mul3A_583 = arith.constant 128 : i32
      %mul3A_584 = arith.muli %scan3A_446, %mul3A_583 : i32
      %add3A_585 = arith.constant 80 : i32
      %add3A_586 = arith.addi %mul3A_584, %add3A_585 : i32
      %get3A_587 = arith.constant 0 : i32
      %get3A_588 = tpu.memref_slice %arg6[%scan3A_317, %get3A_587] : memref<2x9216xi32, #tpu.memory_space<vmem>> -> memref<1x9216xi32, #tpu.memory_space<vmem>>
      %get3A_589 = tpu.memref_squeeze %get3A_588 : memref<1x9216xi32, #tpu.memory_space<vmem>> -> memref<9216xi32, #tpu.memory_space<vmem>>
      %get3A_590 = arith.index_cast %add3A_586 : i32 to index
      %get3A_591 = tpu.vector_load %get3A_589[%get3A_590] {strides = array<i32>} : memref<9216xi32, #tpu.memory_space<vmem>>, vector<16xi32>,
      %get3A_592 = vector.shape_cast %get3A_591 : vector<16xi32> to vector<16xi32>
      %ge3A_593 = arith.constant 0 : i32
      %ge3A_594 = vector.broadcast %ge3A_593 : i32 to vector<16xi32>
      %ge3A_595 = arith.cmpi sge, %get3A_592, %ge3A_594 : vector<16xi32>
      %select_n3A_596 = arith.select %ge3A_595, %broadcast_in_dim3A_5, %broadcast_in_dim3A_1 : vector<16xi1>, vector<16xi32>
      %add3A_597 = arith.addi %add3A_570, %select_n3A_596 : vector<16xi32>
      %mul3A_598 = arith.constant 128 : i32
      %mul3A_599 = arith.muli %scan3A_446, %mul3A_598 : i32
      %add3A_600 = arith.constant 80 : i32
      %add3A_601 = arith.addi %mul3A_599, %add3A_600 : i32
      %get3A_602 = arith.constant 0 : i32
      %get3A_603 = tpu.memref_slice %arg7[%scan3A_318, %get3A_602] : memref<2x9216xf32, #tpu.memory_space<vmem>> -> memref<1x9216xf32, #tpu.memory_space<vmem>>
      %get3A_604 = tpu.memref_squeeze %get3A_603 : memref<1x9216xf32, #tpu.memory_space<vmem>> -> memref<9216xf32, #tpu.memory_space<vmem>>
      %get3A_605 = arith.index_cast %add3A_601 : i32 to index
      %get3A_606 = tpu.vector_load %get3A_604[%get3A_605] {strides = array<i32>} : memref<9216xf32, #tpu.memory_space<vmem>>, vector<16xf32>,
      %get3A_607 = vector.shape_cast %get3A_606 : vector<16xf32> to vector<16xf32>
      %select_n3A_608 = arith.select %ge3A_595, %get3A_607, %broadcast_in_dim3A_3 : vector<16xi1>, vector<16xf32>
      %add3A_609 = arith.addf %add3A_582, %select_n3A_608 : vector<16xf32>
      %mul3A_610 = arith.constant 128 : i32
      %mul3A_611 = arith.muli %scan3A_446, %mul3A_610 : i32
      %add3A_612 = arith.constant 96 : i32
      %add3A_613 = arith.addi %mul3A_611, %add3A_612 : i32
      %get3A_614 = arith.constant 0 : i32
      %get3A_615 = tpu.memref_slice %arg6[%scan3A_317, %get3A_614] : memref<2x9216xi32, #tpu.memory_space<vmem>> -> memref<1x9216xi32, #tpu.memory_space<vmem>>
      %get3A_616 = tpu.memref_squeeze %get3A_615 : memref<1x9216xi32, #tpu.memory_space<vmem>> -> memref<9216xi32, #tpu.memory_space<vmem>>
      %get3A_617 = arith.index_cast %add3A_613 : i32 to index
      %get3A_618 = tpu.vector_load %get3A_616[%get3A_617] {strides = array<i32>} : memref<9216xi32, #tpu.memory_space<vmem>>, vector<16xi32>,
      %get3A_619 = vector.shape_cast %get3A_618 : vector<16xi32> to vector<16xi32>
      %ge3A_620 = arith.constant 0 : i32
      %ge3A_621 = vector.broadcast %ge3A_620 : i32 to vector<16xi32>
      %ge3A_622 = arith.cmpi sge, %get3A_619, %ge3A_621 : vector<16xi32>
      %select_n3A_623 = arith.select %ge3A_622, %broadcast_in_dim3A_5, %broadcast_in_dim3A_1 : vector<16xi1>, vector<16xi32>
      %add3A_624 = arith.addi %add3A_597, %select_n3A_623 : vector<16xi32>
      %mul3A_625 = arith.constant 128 : i32
      %mul3A_626 = arith.muli %scan3A_446, %mul3A_625 : i32
      %add3A_627 = arith.constant 96 : i32
      %add3A_628 = arith.addi %mul3A_626, %add3A_627 : i32
      %get3A_629 = arith.constant 0 : i32
      %get3A_630 = tpu.memref_slice %arg7[%scan3A_318, %get3A_629] : memref<2x9216xf32, #tpu.memory_space<vmem>> -> memref<1x9216xf32, #tpu.memory_space<vmem>>
      %get3A_631 = tpu.memref_squeeze %get3A_630 : memref<1x9216xf32, #tpu.memory_space<vmem>> -> memref<9216xf32, #tpu.memory_space<vmem>>
      %get3A_632 = arith.index_cast %add3A_628 : i32 to index
      %get3A_633 = tpu.vector_load %get3A_631[%get3A_632] {strides = array<i32>} : memref<9216xf32, #tpu.memory_space<vmem>>, vector<16xf32>,
      %get3A_634 = vector.shape_cast %get3A_633 : vector<16xf32> to vector<16xf32>
      %select_n3A_635 = arith.select %ge3A_622, %get3A_634, %broadcast_in_dim3A_3 : vector<16xi1>, vector<16xf32>
      %add3A_636 = arith.addf %add3A_609, %select_n3A_635 : vector<16xf32>
      %mul3A_637 = arith.constant 128 : i32
      %mul3A_638 = arith.muli %scan3A_446, %mul3A_637 : i32
      %add3A_639 = arith.constant 112 : i32
      %add3A_640 = arith.addi %mul3A_638, %add3A_639 : i32
      %get3A_641 = arith.constant 0 : i32
      %get3A_642 = tpu.memref_slice %arg6[%scan3A_317, %get3A_641] : memref<2x9216xi32, #tpu.memory_space<vmem>> -> memref<1x9216xi32, #tpu.memory_space<vmem>>
      %get3A_643 = tpu.memref_squeeze %get3A_642 : memref<1x9216xi32, #tpu.memory_space<vmem>> -> memref<9216xi32, #tpu.memory_space<vmem>>
      %get3A_644 = arith.index_cast %add3A_640 : i32 to index
      %get3A_645 = tpu.vector_load %get3A_643[%get3A_644] {strides = array<i32>} : memref<9216xi32, #tpu.memory_space<vmem>>, vector<16xi32>,
      %get3A_646 = vector.shape_cast %get3A_645 : vector<16xi32> to vector<16xi32>
      %ge3A_647 = arith.constant 0 : i32
      %ge3A_648 = vector.broadcast %ge3A_647 : i32 to vector<16xi32>
      %ge3A_649 = arith.cmpi sge, %get3A_646, %ge3A_648 : vector<16xi32>
      %select_n3A_650 = arith.select %ge3A_649, %broadcast_in_dim3A_5, %broadcast_in_dim3A_1 : vector<16xi1>, vector<16xi32>
      %add3A_651 = arith.addi %add3A_624, %select_n3A_650 : vector<16xi32>
      %mul3A_652 = arith.constant 128 : i32
      %mul3A_653 = arith.muli %scan3A_446, %mul3A_652 : i32
      %add3A_654 = arith.constant 112 : i32
      %add3A_655 = arith.addi %mul3A_653, %add3A_654 : i32
      %get3A_656 = arith.constant 0 : i32
      %get3A_657 = tpu.memref_slice %arg7[%scan3A_318, %get3A_656] : memref<2x9216xf32, #tpu.memory_space<vmem>> -> memref<1x9216xf32, #tpu.memory_space<vmem>>
      %get3A_658 = tpu.memref_squeeze %get3A_657 : memref<1x9216xf32, #tpu.memory_space<vmem>> -> memref<9216xf32, #tpu.memory_space<vmem>>
      %get3A_659 = arith.index_cast %add3A_655 : i32 to index
      %get3A_660 = tpu.vector_load %get3A_658[%get3A_659] {strides = array<i32>} : memref<9216xf32, #tpu.memory_space<vmem>>, vector<16xf32>,
      %get3A_661 = vector.shape_cast %get3A_660 : vector<16xf32> to vector<16xf32>
      %select_n3A_662 = arith.select %ge3A_649, %get3A_661, %broadcast_in_dim3A_3 : vector<16xi1>, vector<16xf32>
      %add3A_663 = arith.addf %add3A_636, %select_n3A_662 : vector<16xf32>
      scf.yield %add3A_651, %add3A_663 : vector<16xi32>, vector<16xf32>
    }
    %scan3A_324 = arith.constant 72 : i32
    %slice3A_325 = vector.extract_strided_slice %scan3A_323#0 {offsets = [0], sizes = [1], strides = [1]} : vector<16xi32> to vector<1xi32>
    %squeeze3A_326 = vector.extract %slice3A_325[0] : i32 from vector<1xi32>
    %slice3A_327 = vector.extract_strided_slice %scan3A_323#0 {offsets = [1], sizes = [1], strides = [1]} : vector<16xi32> to vector<1xi32>
    %squeeze3A_328 = vector.extract %slice3A_327[0] : i32 from vector<1xi32>
    %add3A_329 = arith.addi %squeeze3A_326, %squeeze3A_328 : i32
    %slice3A_330 = vector.extract_strided_slice %scan3A_323#0 {offsets = [2], sizes = [1], strides = [1]} : vector<16xi32> to vector<1xi32>
    %squeeze3A_331 = vector.extract %slice3A_330[0] : i32 from vector<1xi32>
    %add3A_332 = arith.addi %add3A_329, %squeeze3A_331 : i32
    %slice3A_333 = vector.extract_strided_slice %scan3A_323#0 {offsets = [3], sizes = [1], strides = [1]} : vector<16xi32> to vector<1xi32>
    %squeeze3A_334 = vector.extract %slice3A_333[0] : i32 from vector<1xi32>
    %add3A_335 = arith.addi %add3A_332, %squeeze3A_334 : i32
    %slice3A_336 = vector.extract_strided_slice %scan3A_323#0 {offsets = [4], sizes = [1], strides = [1]} : vector<16xi32> to vector<1xi32>
    %squeeze3A_337 = vector.extract %slice3A_336[0] : i32 from vector<1xi32>
    %add3A_338 = arith.addi %add3A_335, %squeeze3A_337 : i32
    %slice3A_339 = vector.extract_strided_slice %scan3A_323#0 {offsets = [5], sizes = [1], strides = [1]} : vector<16xi32> to vector<1xi32>
    %squeeze3A_340 = vector.extract %slice3A_339[0] : i32 from vector<1xi32>
    %add3A_341 = arith.addi %add3A_338, %squeeze3A_340 : i32
    %slice3A_342 = vector.extract_strided_slice %scan3A_323#0 {offsets = [6], sizes = [1], strides = [1]} : vector<16xi32> to vector<1xi32>
    %squeeze3A_343 = vector.extract %slice3A_342[0] : i32 from vector<1xi32>
    %add3A_344 = arith.addi %add3A_341, %squeeze3A_343 : i32
    %slice3A_345 = vector.extract_strided_slice %scan3A_323#0 {offsets = [7], sizes = [1], strides = [1]} : vector<16xi32> to vector<1xi32>
    %squeeze3A_346 = vector.extract %slice3A_345[0] : i32 from vector<1xi32>
    %add3A_347 = arith.addi %add3A_344, %squeeze3A_346 : i32
    %slice3A_348 = vector.extract_strided_slice %scan3A_323#0 {offsets = [8], sizes = [1], strides = [1]} : vector<16xi32> to vector<1xi32>
    %squeeze3A_349 = vector.extract %slice3A_348[0] : i32 from vector<1xi32>
    %add3A_350 = arith.addi %add3A_347, %squeeze3A_349 : i32
    %slice3A_351 = vector.extract_strided_slice %scan3A_323#0 {offsets = [9], sizes = [1], strides = [1]} : vector<16xi32> to vector<1xi32>
    %squeeze3A_352 = vector.extract %slice3A_351[0] : i32 from vector<1xi32>
    %add3A_353 = arith.addi %add3A_350, %squeeze3A_352 : i32
    %slice3A_354 = vector.extract_strided_slice %scan3A_323#0 {offsets = [10], sizes = [1], strides = [1]} : vector<16xi32> to vector<1xi32>
    %squeeze3A_355 = vector.extract %slice3A_354[0] : i32 from vector<1xi32>
    %add3A_356 = arith.addi %add3A_353, %squeeze3A_355 : i32
    %slice3A_357 = vector.extract_strided_slice %scan3A_323#0 {offsets = [11], sizes = [1], strides = [1]} : vector<16xi32> to vector<1xi32>
    %squeeze3A_358 = vector.extract %slice3A_357[0] : i32 from vector<1xi32>
    %add3A_359 = arith.addi %add3A_356, %squeeze3A_358 : i32
    %slice3A_360 = vector.extract_strided_slice %scan3A_323#0 {offsets = [12], sizes = [1], strides = [1]} : vector<16xi32> to vector<1xi32>
    %squeeze3A_361 = vector.extract %slice3A_360[0] : i32 from vector<1xi32>
    %add3A_362 = arith.addi %add3A_359, %squeeze3A_361 : i32
    %slice3A_363 = vector.extract_strided_slice %scan3A_323#0 {offsets = [13], sizes = [1], strides = [1]} : vector<16xi32> to vector<1xi32>
    %squeeze3A_364 = vector.extract %slice3A_363[0] : i32 from vector<1xi32>
    %add3A_365 = arith.addi %add3A_362, %squeeze3A_364 : i32
    %slice3A_366 = vector.extract_strided_slice %scan3A_323#0 {offsets = [14], sizes = [1], strides = [1]} : vector<16xi32> to vector<1xi32>
    %squeeze3A_367 = vector.extract %slice3A_366[0] : i32 from vector<1xi32>
    %add3A_368 = arith.addi %add3A_365, %squeeze3A_367 : i32
    %slice3A_369 = vector.extract_strided_slice %scan3A_323#0 {offsets = [15], sizes = [1], strides = [1]} : vector<16xi32> to vector<1xi32>
    %squeeze3A_370 = vector.extract %slice3A_369[0] : i32 from vector<1xi32>
    %add3A_371 = arith.addi %add3A_368, %squeeze3A_370 : i32
    %slice3A_372 = vector.extract_strided_slice %scan3A_323#1 {offsets = [0], sizes = [1], strides = [1]} : vector<16xf32> to vector<1xf32>
    %squeeze3A_373 = vector.extract %slice3A_372[0] : f32 from vector<1xf32>
    %slice3A_374 = vector.extract_strided_slice %scan3A_323#1 {offsets = [1], sizes = [1], strides = [1]} : vector<16xf32> to vector<1xf32>
    %squeeze3A_375 = vector.extract %slice3A_374[0] : f32 from vector<1xf32>
    %add3A_376 = arith.addf %squeeze3A_373, %squeeze3A_375 : f32
    %slice3A_377 = vector.extract_strided_slice %scan3A_323#1 {offsets = [2], sizes = [1], strides = [1]} : vector<16xf32> to vector<1xf32>
    %squeeze3A_378 = vector.extract %slice3A_377[0] : f32 from vector<1xf32>
    %add3A_379 = arith.addf %add3A_376, %squeeze3A_378 : f32
    %slice3A_380 = vector.extract_strided_slice %scan3A_323#1 {offsets = [3], sizes = [1], strides = [1]} : vector<16xf32> to vector<1xf32>
    %squeeze3A_381 = vector.extract %slice3A_380[0] : f32 from vector<1xf32>
    %add3A_382 = arith.addf %add3A_379, %squeeze3A_381 : f32
    %slice3A_383 = vector.extract_strided_slice %scan3A_323#1 {offsets = [4], sizes = [1], strides = [1]} : vector<16xf32> to vector<1xf32>
    %squeeze3A_384 = vector.extract %slice3A_383[0] : f32 from vector<1xf32>
    %add3A_385 = arith.addf %add3A_382, %squeeze3A_384 : f32
    %slice3A_386 = vector.extract_strided_slice %scan3A_323#1 {offsets = [5], sizes = [1], strides = [1]} : vector<16xf32> to vector<1xf32>
    %squeeze3A_387 = vector.extract %slice3A_386[0] : f32 from vector<1xf32>
    %add3A_388 = arith.addf %add3A_385, %squeeze3A_387 : f32
    %slice3A_389 = vector.extract_strided_slice %scan3A_323#1 {offsets = [6], sizes = [1], strides = [1]} : vector<16xf32> to vector<1xf32>
    %squeeze3A_390 = vector.extract %slice3A_389[0] : f32 from vector<1xf32>
    %add3A_391 = arith.addf %add3A_388, %squeeze3A_390 : f32
    %slice3A_392 = vector.extract_strided_slice %scan3A_323#1 {offsets = [7], sizes = [1], strides = [1]} : vector<16xf32> to vector<1xf32>
    %squeeze3A_393 = vector.extract %slice3A_392[0] : f32 from vector<1xf32>
    %add3A_394 = arith.addf %add3A_391, %squeeze3A_393 : f32
    %slice3A_395 = vector.extract_strided_slice %scan3A_323#1 {offsets = [8], sizes = [1], strides = [1]} : vector<16xf32> to vector<1xf32>
    %squeeze3A_396 = vector.extract %slice3A_395[0] : f32 from vector<1xf32>
    %add3A_397 = arith.addf %add3A_394, %squeeze3A_396 : f32
    %slice3A_398 = vector.extract_strided_slice %scan3A_323#1 {offsets = [9], sizes = [1], strides = [1]} : vector<16xf32> to vector<1xf32>
    %squeeze3A_399 = vector.extract %slice3A_398[0] : f32 from vector<1xf32>
    %add3A_400 = arith.addf %add3A_397, %squeeze3A_399 : f32
    %slice3A_401 = vector.extract_strided_slice %scan3A_323#1 {offsets = [10], sizes = [1], strides = [1]} : vector<16xf32> to vector<1xf32>
    %squeeze3A_402 = vector.extract %slice3A_401[0] : f32 from vector<1xf32>
    %add3A_403 = arith.addf %add3A_400, %squeeze3A_402 : f32
    %slice3A_404 = vector.extract_strided_slice %scan3A_323#1 {offsets = [11], sizes = [1], strides = [1]} : vector<16xf32> to vector<1xf32>
    %squeeze3A_405 = vector.extract %slice3A_404[0] : f32 from vector<1xf32>
    %add3A_406 = arith.addf %add3A_403, %squeeze3A_405 : f32
    %slice3A_407 = vector.extract_strided_slice %scan3A_323#1 {offsets = [12], sizes = [1], strides = [1]} : vector<16xf32> to vector<1xf32>
    %squeeze3A_408 = vector.extract %slice3A_407[0] : f32 from vector<1xf32>
    %add3A_409 = arith.addf %add3A_406, %squeeze3A_408 : f32
    %slice3A_410 = vector.extract_strided_slice %scan3A_323#1 {offsets = [13], sizes = [1], strides = [1]} : vector<16xf32> to vector<1xf32>
    %squeeze3A_411 = vector.extract %slice3A_410[0] : f32 from vector<1xf32>
    %add3A_412 = arith.addf %add3A_409, %squeeze3A_411 : f32
    %slice3A_413 = vector.extract_strided_slice %scan3A_323#1 {offsets = [14], sizes = [1], strides = [1]} : vector<16xf32> to vector<1xf32>
    %squeeze3A_414 = vector.extract %slice3A_413[0] : f32 from vector<1xf32>
    %add3A_415 = arith.addf %add3A_412, %squeeze3A_414 : f32
    %slice3A_416 = vector.extract_strided_slice %scan3A_323#1 {offsets = [15], sizes = [1], strides = [1]} : vector<16xf32> to vector<1xf32>
    %squeeze3A_417 = vector.extract %slice3A_416[0] : f32 from vector<1xf32>
    %add3A_418 = arith.addf %add3A_415, %squeeze3A_417 : f32
    %convert_element_type3A_419 = arith.sitofp %add3A_371 : i32 to f32
    %ge3A_420 = arith.cmpf oge, %mul3A_316, %convert_element_type3A_419 : f32
    %convert_element_type3A_421 = arith.extui %ge3A_420 : i1 to i32
    %cond3A_422 = arith.constant 1 : i32
    %cond3A_423 = arith.constant 1 : i32
    %cond3A_424 = arith.constant 0 : i32
    %cond3A_425 = arith.constant 0 : i32
    %cond3A_426 = arith.cmpi ne, %convert_element_type3A_421, %cond3A_425 : i32
    %cond3A_427:4 = scf.if %cond3A_426 -> (f32, f32, f32, f32) {
      %cond3A_446 = arith.constant 0.000000e+00 : f32
      %cond3A_447 = arith.constant 0.000000e+00 : f32
      %cond3A_448 = arith.constant 1.000000e+00 : f32
      scf.yield %add3A_418, %cond3A_446, %cond3A_447, %cond3A_448 : f32, f32, f32, f32
    } else {
      %convert_element_type3A_446 = arith.fptosi %mul3A_316 : f32 to i32
      %scan3A_447 = arith.constant 0 : i32
      %scan3A_448 = arith.constant 0 : i32
      %scan3A_449 = arith.constant 31 : i32
      %scan3A_450 = arith.addi %scan3A_448, %scan3A_449 : i32
      %scan3A_451 = arith.constant 1 : i32
      %scan3A_452 = scf.for %scan3A_650 = %scan3A_448 to %scan3A_450 step %scan3A_451 iter_args(%scan3A_651 = %scan3A_447) -> (i32)  : i32 {
        %sub3A_652 = arith.constant 30 : i32
        %sub3A_653 = arith.subi %sub3A_652, %scan3A_650 : i32
        %shift_left3A = arith.constant 1 : i32
        %shift_left3A_654 = arith.shli %shift_left3A, %sub3A_653 : i32
        %or3A = arith.ori %scan3A_651, %shift_left3A_654 : i32
        %scan3A_655 = arith.constant 0 : i32
        %scan3A_656 = arith.constant 576 : i32
        %scan3A_657 = arith.addi %scan3A_655, %scan3A_656 : i32
        %scan3A_658 = arith.constant 1 : i32
        %scan3A_659 = scf.for %scan3A_709 = %scan3A_655 to %scan3A_657 step %scan3A_658 iter_args(%scan3A_710 = %broadcast_in_dim3A_1) -> (vector<16xi32>)  : i32 {
          %mul3A_711 = arith.constant 16 : i32
          %mul3A_712 = arith.muli %scan3A_709, %mul3A_711 : i32
          %get3A_713 = arith.constant 0 : i32
          %get3A_714 = tpu.memref_slice %arg6[%cond3A_422, %get3A_713] : memref<2x9216xi32, #tpu.memory_space<vmem>> -> memref<1x9216xi32, #tpu.memory_space<vmem>>
          %get3A_715 = tpu.memref_squeeze %get3A_714 : memref<1x9216xi32, #tpu.memory_space<vmem>> -> memref<9216xi32, #tpu.memory_space<vmem>>
          %get3A_716 = arith.index_cast %mul3A_712 : i32 to index
          %get3A_717 = tpu.vector_load %get3A_715[%get3A_716] {strides = array<i32>} : memref<9216xi32, #tpu.memory_space<vmem>>, vector<16xi32>,
          %get3A_718 = vector.shape_cast %get3A_717 : vector<16xi32> to vector<16xi32>
          %ge3A_719 = vector.broadcast %or3A : i32 to vector<16xi32>
          %ge3A_720 = arith.cmpi sge, %get3A_718, %ge3A_719 : vector<16xi32>
          %select_n3A_721 = arith.select %ge3A_720, %broadcast_in_dim3A_5, %broadcast_in_dim3A_1 : vector<16xi1>, vector<16xi32>
          %add3A_722 = arith.addi %scan3A_710, %select_n3A_721 : vector<16xi32>
          scf.yield %add3A_722 : vector<16xi32>
        }
        %scan3A_660 = arith.constant 576 : i32
        %slice3A_661 = vector.extract_strided_slice %scan3A_659 {offsets = [0], sizes = [1], strides = [1]} : vector<16xi32> to vector<1xi32>
        %squeeze3A_662 = vector.extract %slice3A_661[0] : i32 from vector<1xi32>
        %slice3A_663 = vector.extract_strided_slice %scan3A_659 {offsets = [1], sizes = [1], strides = [1]} : vector<16xi32> to vector<1xi32>
        %squeeze3A_664 = vector.extract %slice3A_663[0] : i32 from vector<1xi32>
        %add3A_665 = arith.addi %squeeze3A_662, %squeeze3A_664 : i32
        %slice3A_666 = vector.extract_strided_slice %scan3A_659 {offsets = [2], sizes = [1], strides = [1]} : vector<16xi32> to vector<1xi32>
        %squeeze3A_667 = vector.extract %slice3A_666[0] : i32 from vector<1xi32>
        %add3A_668 = arith.addi %add3A_665, %squeeze3A_667 : i32
        %slice3A_669 = vector.extract_strided_slice %scan3A_659 {offsets = [3], sizes = [1], strides = [1]} : vector<16xi32> to vector<1xi32>
        %squeeze3A_670 = vector.extract %slice3A_669[0] : i32 from vector<1xi32>
        %add3A_671 = arith.addi %add3A_668, %squeeze3A_670 : i32
        %slice3A_672 = vector.extract_strided_slice %scan3A_659 {offsets = [4], sizes = [1], strides = [1]} : vector<16xi32> to vector<1xi32>
        %squeeze3A_673 = vector.extract %slice3A_672[0] : i32 from vector<1xi32>
        %add3A_674 = arith.addi %add3A_671, %squeeze3A_673 : i32
        %slice3A_675 = vector.extract_strided_slice %scan3A_659 {offsets = [5], sizes = [1], strides = [1]} : vector<16xi32> to vector<1xi32>
        %squeeze3A_676 = vector.extract %slice3A_675[0] : i32 from vector<1xi32>
        %add3A_677 = arith.addi %add3A_674, %squeeze3A_676 : i32
        %slice3A_678 = vector.extract_strided_slice %scan3A_659 {offsets = [6], sizes = [1], strides = [1]} : vector<16xi32> to vector<1xi32>
        %squeeze3A_679 = vector.extract %slice3A_678[0] : i32 from vector<1xi32>
        %add3A_680 = arith.addi %add3A_677, %squeeze3A_679 : i32
        %slice3A_681 = vector.extract_strided_slice %scan3A_659 {offsets = [7], sizes = [1], strides = [1]} : vector<16xi32> to vector<1xi32>
        %squeeze3A_682 = vector.extract %slice3A_681[0] : i32 from vector<1xi32>
        %add3A_683 = arith.addi %add3A_680, %squeeze3A_682 : i32
        %slice3A_684 = vector.extract_strided_slice %scan3A_659 {offsets = [8], sizes = [1], strides = [1]} : vector<16xi32> to vector<1xi32>
        %squeeze3A_685 = vector.extract %slice3A_684[0] : i32 from vector<1xi32>
        %add3A_686 = arith.addi %add3A_683, %squeeze3A_685 : i32
        %slice3A_687 = vector.extract_strided_slice %scan3A_659 {offsets = [9], sizes = [1], strides = [1]} : vector<16xi32> to vector<1xi32>
        %squeeze3A_688 = vector.extract %slice3A_687[0] : i32 from vector<1xi32>
        %add3A_689 = arith.addi %add3A_686, %squeeze3A_688 : i32
        %slice3A_690 = vector.extract_strided_slice %scan3A_659 {offsets = [10], sizes = [1], strides = [1]} : vector<16xi32> to vector<1xi32>
        %squeeze3A_691 = vector.extract %slice3A_690[0] : i32 from vector<1xi32>
        %add3A_692 = arith.addi %add3A_689, %squeeze3A_691 : i32
        %slice3A_693 = vector.extract_strided_slice %scan3A_659 {offsets = [11], sizes = [1], strides = [1]} : vector<16xi32> to vector<1xi32>
        %squeeze3A_694 = vector.extract %slice3A_693[0] : i32 from vector<1xi32>
        %add3A_695 = arith.addi %add3A_692, %squeeze3A_694 : i32
        %slice3A_696 = vector.extract_strided_slice %scan3A_659 {offsets = [12], sizes = [1], strides = [1]} : vector<16xi32> to vector<1xi32>
        %squeeze3A_697 = vector.extract %slice3A_696[0] : i32 from vector<1xi32>
        %add3A_698 = arith.addi %add3A_695, %squeeze3A_697 : i32
        %slice3A_699 = vector.extract_strided_slice %scan3A_659 {offsets = [13], sizes = [1], strides = [1]} : vector<16xi32> to vector<1xi32>
        %squeeze3A_700 = vector.extract %slice3A_699[0] : i32 from vector<1xi32>
        %add3A_701 = arith.addi %add3A_698, %squeeze3A_700 : i32
        %slice3A_702 = vector.extract_strided_slice %scan3A_659 {offsets = [14], sizes = [1], strides = [1]} : vector<16xi32> to vector<1xi32>
        %squeeze3A_703 = vector.extract %slice3A_702[0] : i32 from vector<1xi32>
        %add3A_704 = arith.addi %add3A_701, %squeeze3A_703 : i32
        %slice3A_705 = vector.extract_strided_slice %scan3A_659 {offsets = [15], sizes = [1], strides = [1]} : vector<16xi32> to vector<1xi32>
        %squeeze3A_706 = vector.extract %slice3A_705[0] : i32 from vector<1xi32>
        %add3A_707 = arith.addi %add3A_704, %squeeze3A_706 : i32
        %ge3A_708 = arith.cmpi sge, %add3A_707, %convert_element_type3A_446 : i32
        %select_n3A = arith.select %ge3A_708, %or3A, %scan3A_651 : i32
        scf.yield %select_n3A : i32
      }
      %scan3A_453 = arith.constant 31 : i32
      %scan3A_454 = arith.constant 0 : i32
      %scan3A_455 = arith.constant 576 : i32
      %scan3A_456 = arith.addi %scan3A_454, %scan3A_455 : i32
      %scan3A_457 = arith.constant 1 : i32
      %scan3A_458:4 = scf.for %scan3A_650 = %scan3A_454 to %scan3A_456 step %scan3A_457 iter_args(%scan3A_651 = %broadcast_in_dim3A_1, %scan3A_652 = %broadcast_in_dim3A_3, %scan3A_653 = %broadcast_in_dim3A_1, %scan3A_654 = %broadcast_in_dim3A_3) -> (vector<16xi32>, vector<16xf32>, vector<16xi32>, vector<16xf32>)  : i32 {
        %mul3A_655 = arith.constant 16 : i32
        %mul3A_656 = arith.muli %scan3A_650, %mul3A_655 : i32
        %get3A_657 = arith.constant 0 : i32
        %get3A_658 = tpu.memref_slice %arg6[%cond3A_422, %get3A_657] : memref<2x9216xi32, #tpu.memory_space<vmem>> -> memref<1x9216xi32, #tpu.memory_space<vmem>>
        %get3A_659 = tpu.memref_squeeze %get3A_658 : memref<1x9216xi32, #tpu.memory_space<vmem>> -> memref<9216xi32, #tpu.memory_space<vmem>>
        %get3A_660 = arith.index_cast %mul3A_656 : i32 to index
        %get3A_661 = tpu.vector_load %get3A_659[%get3A_660] {strides = array<i32>} : memref<9216xi32, #tpu.memory_space<vmem>>, vector<16xi32>,
        %get3A_662 = vector.shape_cast %get3A_661 : vector<16xi32> to vector<16xi32>
        %mul3A_663 = arith.constant 16 : i32
        %mul3A_664 = arith.muli %scan3A_650, %mul3A_663 : i32
        %get3A_665 = arith.constant 0 : i32
        %get3A_666 = tpu.memref_slice %arg7[%cond3A_423, %get3A_665] : memref<2x9216xf32, #tpu.memory_space<vmem>> -> memref<1x9216xf32, #tpu.memory_space<vmem>>
        %get3A_667 = tpu.memref_squeeze %get3A_666 : memref<1x9216xf32, #tpu.memory_space<vmem>> -> memref<9216xf32, #tpu.memory_space<vmem>>
        %get3A_668 = arith.index_cast %mul3A_664 : i32 to index
        %get3A_669 = tpu.vector_load %get3A_667[%get3A_668] {strides = array<i32>} : memref<9216xf32, #tpu.memory_space<vmem>>, vector<16xf32>,
        %get3A_670 = vector.shape_cast %get3A_669 : vector<16xf32> to vector<16xf32>
        %gt3A = vector.broadcast %scan3A_452 : i32 to vector<16xi32>
        %gt3A_671 = arith.cmpi sgt, %get3A_662, %gt3A : vector<16xi32>
        %eq3A = vector.broadcast %scan3A_452 : i32 to vector<16xi32>
        %eq3A_672 = arith.cmpi eq, %get3A_662, %eq3A : vector<16xi32>
        %select_n3A = arith.select %gt3A_671, %broadcast_in_dim3A_5, %broadcast_in_dim3A_1 : vector<16xi1>, vector<16xi32>
        %add3A_673 = arith.addi %scan3A_651, %select_n3A : vector<16xi32>
        %select_n3A_674 = arith.select %gt3A_671, %get3A_670, %broadcast_in_dim3A_3 : vector<16xi1>, vector<16xf32>
        %add3A_675 = arith.addf %scan3A_652, %select_n3A_674 : vector<16xf32>
        %select_n3A_676 = arith.select %eq3A_672, %broadcast_in_dim3A_5, %broadcast_in_dim3A_1 : vector<16xi1>, vector<16xi32>
        %add3A_677 = arith.addi %scan3A_653, %select_n3A_676 : vector<16xi32>
        %select_n3A_678 = arith.select %eq3A_672, %get3A_670, %broadcast_in_dim3A_3 : vector<16xi1>, vector<16xf32>
        %add3A_679 = arith.addf %scan3A_654, %select_n3A_678 : vector<16xf32>
        scf.yield %add3A_673, %add3A_675, %add3A_677, %add3A_679 : vector<16xi32>, vector<16xf32>, vector<16xi32>, vector<16xf32>
      }
      %scan3A_459 = arith.constant 576 : i32
      %slice3A_460 = vector.extract_strided_slice %scan3A_458#0 {offsets = [0], sizes = [1], strides = [1]} : vector<16xi32> to vector<1xi32>
      %squeeze3A_461 = vector.extract %slice3A_460[0] : i32 from vector<1xi32>
      %slice3A_462 = vector.extract_strided_slice %scan3A_458#0 {offsets = [1], sizes = [1], strides = [1]} : vector<16xi32> to vector<1xi32>
      %squeeze3A_463 = vector.extract %slice3A_462[0] : i32 from vector<1xi32>
      %add3A_464 = arith.addi %squeeze3A_461, %squeeze3A_463 : i32
      %slice3A_465 = vector.extract_strided_slice %scan3A_458#0 {offsets = [2], sizes = [1], strides = [1]} : vector<16xi32> to vector<1xi32>
      %squeeze3A_466 = vector.extract %slice3A_465[0] : i32 from vector<1xi32>
      %add3A_467 = arith.addi %add3A_464, %squeeze3A_466 : i32
      %slice3A_468 = vector.extract_strided_slice %scan3A_458#0 {offsets = [3], sizes = [1], strides = [1]} : vector<16xi32> to vector<1xi32>
      %squeeze3A_469 = vector.extract %slice3A_468[0] : i32 from vector<1xi32>
      %add3A_470 = arith.addi %add3A_467, %squeeze3A_469 : i32
      %slice3A_471 = vector.extract_strided_slice %scan3A_458#0 {offsets = [4], sizes = [1], strides = [1]} : vector<16xi32> to vector<1xi32>
      %squeeze3A_472 = vector.extract %slice3A_471[0] : i32 from vector<1xi32>
      %add3A_473 = arith.addi %add3A_470, %squeeze3A_472 : i32
      %slice3A_474 = vector.extract_strided_slice %scan3A_458#0 {offsets = [5], sizes = [1], strides = [1]} : vector<16xi32> to vector<1xi32>
      %squeeze3A_475 = vector.extract %slice3A_474[0] : i32 from vector<1xi32>
      %add3A_476 = arith.addi %add3A_473, %squeeze3A_475 : i32
      %slice3A_477 = vector.extract_strided_slice %scan3A_458#0 {offsets = [6], sizes = [1], strides = [1]} : vector<16xi32> to vector<1xi32>
      %squeeze3A_478 = vector.extract %slice3A_477[0] : i32 from vector<1xi32>
      %add3A_479 = arith.addi %add3A_476, %squeeze3A_478 : i32
      %slice3A_480 = vector.extract_strided_slice %scan3A_458#0 {offsets = [7], sizes = [1], strides = [1]} : vector<16xi32> to vector<1xi32>
      %squeeze3A_481 = vector.extract %slice3A_480[0] : i32 from vector<1xi32>
      %add3A_482 = arith.addi %add3A_479, %squeeze3A_481 : i32
      %slice3A_483 = vector.extract_strided_slice %scan3A_458#0 {offsets = [8], sizes = [1], strides = [1]} : vector<16xi32> to vector<1xi32>
      %squeeze3A_484 = vector.extract %slice3A_483[0] : i32 from vector<1xi32>
      %add3A_485 = arith.addi %add3A_482, %squeeze3A_484 : i32
      %slice3A_486 = vector.extract_strided_slice %scan3A_458#0 {offsets = [9], sizes = [1], strides = [1]} : vector<16xi32> to vector<1xi32>
      %squeeze3A_487 = vector.extract %slice3A_486[0] : i32 from vector<1xi32>
      %add3A_488 = arith.addi %add3A_485, %squeeze3A_487 : i32
      %slice3A_489 = vector.extract_strided_slice %scan3A_458#0 {offsets = [10], sizes = [1], strides = [1]} : vector<16xi32> to vector<1xi32>
      %squeeze3A_490 = vector.extract %slice3A_489[0] : i32 from vector<1xi32>
      %add3A_491 = arith.addi %add3A_488, %squeeze3A_490 : i32
      %slice3A_492 = vector.extract_strided_slice %scan3A_458#0 {offsets = [11], sizes = [1], strides = [1]} : vector<16xi32> to vector<1xi32>
      %squeeze3A_493 = vector.extract %slice3A_492[0] : i32 from vector<1xi32>
      %add3A_494 = arith.addi %add3A_491, %squeeze3A_493 : i32
      %slice3A_495 = vector.extract_strided_slice %scan3A_458#0 {offsets = [12], sizes = [1], strides = [1]} : vector<16xi32> to vector<1xi32>
      %squeeze3A_496 = vector.extract %slice3A_495[0] : i32 from vector<1xi32>
      %add3A_497 = arith.addi %add3A_494, %squeeze3A_496 : i32
      %slice3A_498 = vector.extract_strided_slice %scan3A_458#0 {offsets = [13], sizes = [1], strides = [1]} : vector<16xi32> to vector<1xi32>
      %squeeze3A_499 = vector.extract %slice3A_498[0] : i32 from vector<1xi32>
      %add3A_500 = arith.addi %add3A_497, %squeeze3A_499 : i32
      %slice3A_501 = vector.extract_strided_slice %scan3A_458#0 {offsets = [14], sizes = [1], strides = [1]} : vector<16xi32> to vector<1xi32>
      %squeeze3A_502 = vector.extract %slice3A_501[0] : i32 from vector<1xi32>
      %add3A_503 = arith.addi %add3A_500, %squeeze3A_502 : i32
      %slice3A_504 = vector.extract_strided_slice %scan3A_458#0 {offsets = [15], sizes = [1], strides = [1]} : vector<16xi32> to vector<1xi32>
      %squeeze3A_505 = vector.extract %slice3A_504[0] : i32 from vector<1xi32>
      %add3A_506 = arith.addi %add3A_503, %squeeze3A_505 : i32
      %convert_element_type3A_507 = arith.sitofp %add3A_506 : i32 to f32
      %slice3A_508 = vector.extract_strided_slice %scan3A_458#1 {offsets = [0], sizes = [1], strides = [1]} : vector<16xf32> to vector<1xf32>
      %squeeze3A_509 = vector.extract %slice3A_508[0] : f32 from vector<1xf32>
      %slice3A_510 = vector.extract_strided_slice %scan3A_458#1 {offsets = [1], sizes = [1], strides = [1]} : vector<16xf32> to vector<1xf32>
      %squeeze3A_511 = vector.extract %slice3A_510[0] : f32 from vector<1xf32>
      %add3A_512 = arith.addf %squeeze3A_509, %squeeze3A_511 : f32
      %slice3A_513 = vector.extract_strided_slice %scan3A_458#1 {offsets = [2], sizes = [1], strides = [1]} : vector<16xf32> to vector<1xf32>
      %squeeze3A_514 = vector.extract %slice3A_513[0] : f32 from vector<1xf32>
      %add3A_515 = arith.addf %add3A_512, %squeeze3A_514 : f32
      %slice3A_516 = vector.extract_strided_slice %scan3A_458#1 {offsets = [3], sizes = [1], strides = [1]} : vector<16xf32> to vector<1xf32>
      %squeeze3A_517 = vector.extract %slice3A_516[0] : f32 from vector<1xf32>
      %add3A_518 = arith.addf %add3A_515, %squeeze3A_517 : f32
      %slice3A_519 = vector.extract_strided_slice %scan3A_458#1 {offsets = [4], sizes = [1], strides = [1]} : vector<16xf32> to vector<1xf32>
      %squeeze3A_520 = vector.extract %slice3A_519[0] : f32 from vector<1xf32>
      %add3A_521 = arith.addf %add3A_518, %squeeze3A_520 : f32
      %slice3A_522 = vector.extract_strided_slice %scan3A_458#1 {offsets = [5], sizes = [1], strides = [1]} : vector<16xf32> to vector<1xf32>
      %squeeze3A_523 = vector.extract %slice3A_522[0] : f32 from vector<1xf32>
      %add3A_524 = arith.addf %add3A_521, %squeeze3A_523 : f32
      %slice3A_525 = vector.extract_strided_slice %scan3A_458#1 {offsets = [6], sizes = [1], strides = [1]} : vector<16xf32> to vector<1xf32>
      %squeeze3A_526 = vector.extract %slice3A_525[0] : f32 from vector<1xf32>
      %add3A_527 = arith.addf %add3A_524, %squeeze3A_526 : f32
      %slice3A_528 = vector.extract_strided_slice %scan3A_458#1 {offsets = [7], sizes = [1], strides = [1]} : vector<16xf32> to vector<1xf32>
      %squeeze3A_529 = vector.extract %slice3A_528[0] : f32 from vector<1xf32>
      %add3A_530 = arith.addf %add3A_527, %squeeze3A_529 : f32
      %slice3A_531 = vector.extract_strided_slice %scan3A_458#1 {offsets = [8], sizes = [1], strides = [1]} : vector<16xf32> to vector<1xf32>
      %squeeze3A_532 = vector.extract %slice3A_531[0] : f32 from vector<1xf32>
      %add3A_533 = arith.addf %add3A_530, %squeeze3A_532 : f32
      %slice3A_534 = vector.extract_strided_slice %scan3A_458#1 {offsets = [9], sizes = [1], strides = [1]} : vector<16xf32> to vector<1xf32>
      %squeeze3A_535 = vector.extract %slice3A_534[0] : f32 from vector<1xf32>
      %add3A_536 = arith.addf %add3A_533, %squeeze3A_535 : f32
      %slice3A_537 = vector.extract_strided_slice %scan3A_458#1 {offsets = [10], sizes = [1], strides = [1]} : vector<16xf32> to vector<1xf32>
      %squeeze3A_538 = vector.extract %slice3A_537[0] : f32 from vector<1xf32>
      %add3A_539 = arith.addf %add3A_536, %squeeze3A_538 : f32
      %slice3A_540 = vector.extract_strided_slice %scan3A_458#1 {offsets = [11], sizes = [1], strides = [1]} : vector<16xf32> to vector<1xf32>
      %squeeze3A_541 = vector.extract %slice3A_540[0] : f32 from vector<1xf32>
      %add3A_542 = arith.addf %add3A_539, %squeeze3A_541 : f32
      %slice3A_543 = vector.extract_strided_slice %scan3A_458#1 {offsets = [12], sizes = [1], strides = [1]} : vector<16xf32> to vector<1xf32>
      %squeeze3A_544 = vector.extract %slice3A_543[0] : f32 from vector<1xf32>
      %add3A_545 = arith.addf %add3A_542, %squeeze3A_544 : f32
      %slice3A_546 = vector.extract_strided_slice %scan3A_458#1 {offsets = [13], sizes = [1], strides = [1]} : vector<16xf32> to vector<1xf32>
      %squeeze3A_547 = vector.extract %slice3A_546[0] : f32 from vector<1xf32>
      %add3A_548 = arith.addf %add3A_545, %squeeze3A_547 : f32
      %slice3A_549 = vector.extract_strided_slice %scan3A_458#1 {offsets = [14], sizes = [1], strides = [1]} : vector<16xf32> to vector<1xf32>
      %squeeze3A_550 = vector.extract %slice3A_549[0] : f32 from vector<1xf32>
      %add3A_551 = arith.addf %add3A_548, %squeeze3A_550 : f32
      %slice3A_552 = vector.extract_strided_slice %scan3A_458#1 {offsets = [15], sizes = [1], strides = [1]} : vector<16xf32> to vector<1xf32>
      %squeeze3A_553 = vector.extract %slice3A_552[0] : f32 from vector<1xf32>
      %add3A_554 = arith.addf %add3A_551, %squeeze3A_553 : f32
      %slice3A_555 = vector.extract_strided_slice %scan3A_458#2 {offsets = [0], sizes = [1], strides = [1]} : vector<16xi32> to vector<1xi32>
      %squeeze3A_556 = vector.extract %slice3A_555[0] : i32 from vector<1xi32>
      %slice3A_557 = vector.extract_strided_slice %scan3A_458#2 {offsets = [1], sizes = [1], strides = [1]} : vector<16xi32> to vector<1xi32>
      %squeeze3A_558 = vector.extract %slice3A_557[0] : i32 from vector<1xi32>
      %add3A_559 = arith.addi %squeeze3A_556, %squeeze3A_558 : i32
      %slice3A_560 = vector.extract_strided_slice %scan3A_458#2 {offsets = [2], sizes = [1], strides = [1]} : vector<16xi32> to vector<1xi32>
      %squeeze3A_561 = vector.extract %slice3A_560[0] : i32 from vector<1xi32>
      %add3A_562 = arith.addi %add3A_559, %squeeze3A_561 : i32
      %slice3A_563 = vector.extract_strided_slice %scan3A_458#2 {offsets = [3], sizes = [1], strides = [1]} : vector<16xi32> to vector<1xi32>
      %squeeze3A_564 = vector.extract %slice3A_563[0] : i32 from vector<1xi32>
      %add3A_565 = arith.addi %add3A_562, %squeeze3A_564 : i32
      %slice3A_566 = vector.extract_strided_slice %scan3A_458#2 {offsets = [4], sizes = [1], strides = [1]} : vector<16xi32> to vector<1xi32>
      %squeeze3A_567 = vector.extract %slice3A_566[0] : i32 from vector<1xi32>
      %add3A_568 = arith.addi %add3A_565, %squeeze3A_567 : i32
      %slice3A_569 = vector.extract_strided_slice %scan3A_458#2 {offsets = [5], sizes = [1], strides = [1]} : vector<16xi32> to vector<1xi32>
      %squeeze3A_570 = vector.extract %slice3A_569[0] : i32 from vector<1xi32>
      %add3A_571 = arith.addi %add3A_568, %squeeze3A_570 : i32
      %slice3A_572 = vector.extract_strided_slice %scan3A_458#2 {offsets = [6], sizes = [1], strides = [1]} : vector<16xi32> to vector<1xi32>
      %squeeze3A_573 = vector.extract %slice3A_572[0] : i32 from vector<1xi32>
      %add3A_574 = arith.addi %add3A_571, %squeeze3A_573 : i32
      %slice3A_575 = vector.extract_strided_slice %scan3A_458#2 {offsets = [7], sizes = [1], strides = [1]} : vector<16xi32> to vector<1xi32>
      %squeeze3A_576 = vector.extract %slice3A_575[0] : i32 from vector<1xi32>
      %add3A_577 = arith.addi %add3A_574, %squeeze3A_576 : i32
      %slice3A_578 = vector.extract_strided_slice %scan3A_458#2 {offsets = [8], sizes = [1], strides = [1]} : vector<16xi32> to vector<1xi32>
      %squeeze3A_579 = vector.extract %slice3A_578[0] : i32 from vector<1xi32>
      %add3A_580 = arith.addi %add3A_577, %squeeze3A_579 : i32
      %slice3A_581 = vector.extract_strided_slice %scan3A_458#2 {offsets = [9], sizes = [1], strides = [1]} : vector<16xi32> to vector<1xi32>
      %squeeze3A_582 = vector.extract %slice3A_581[0] : i32 from vector<1xi32>
      %add3A_583 = arith.addi %add3A_580, %squeeze3A_582 : i32
      %slice3A_584 = vector.extract_strided_slice %scan3A_458#2 {offsets = [10], sizes = [1], strides = [1]} : vector<16xi32> to vector<1xi32>
      %squeeze3A_585 = vector.extract %slice3A_584[0] : i32 from vector<1xi32>
      %add3A_586 = arith.addi %add3A_583, %squeeze3A_585 : i32
      %slice3A_587 = vector.extract_strided_slice %scan3A_458#2 {offsets = [11], sizes = [1], strides = [1]} : vector<16xi32> to vector<1xi32>
      %squeeze3A_588 = vector.extract %slice3A_587[0] : i32 from vector<1xi32>
      %add3A_589 = arith.addi %add3A_586, %squeeze3A_588 : i32
      %slice3A_590 = vector.extract_strided_slice %scan3A_458#2 {offsets = [12], sizes = [1], strides = [1]} : vector<16xi32> to vector<1xi32>
      %squeeze3A_591 = vector.extract %slice3A_590[0] : i32 from vector<1xi32>
      %add3A_592 = arith.addi %add3A_589, %squeeze3A_591 : i32
      %slice3A_593 = vector.extract_strided_slice %scan3A_458#2 {offsets = [13], sizes = [1], strides = [1]} : vector<16xi32> to vector<1xi32>
      %squeeze3A_594 = vector.extract %slice3A_593[0] : i32 from vector<1xi32>
      %add3A_595 = arith.addi %add3A_592, %squeeze3A_594 : i32
      %slice3A_596 = vector.extract_strided_slice %scan3A_458#2 {offsets = [14], sizes = [1], strides = [1]} : vector<16xi32> to vector<1xi32>
      %squeeze3A_597 = vector.extract %slice3A_596[0] : i32 from vector<1xi32>
      %add3A_598 = arith.addi %add3A_595, %squeeze3A_597 : i32
      %slice3A_599 = vector.extract_strided_slice %scan3A_458#2 {offsets = [15], sizes = [1], strides = [1]} : vector<16xi32> to vector<1xi32>
      %squeeze3A_600 = vector.extract %slice3A_599[0] : i32 from vector<1xi32>
      %add3A_601 = arith.addi %add3A_598, %squeeze3A_600 : i32
      %convert_element_type3A_602 = arith.sitofp %add3A_601 : i32 to f32
      %slice3A_603 = vector.extract_strided_slice %scan3A_458#3 {offsets = [0], sizes = [1], strides = [1]} : vector<16xf32> to vector<1xf32>
      %squeeze3A_604 = vector.extract %slice3A_603[0] : f32 from vector<1xf32>
      %slice3A_605 = vector.extract_strided_slice %scan3A_458#3 {offsets = [1], sizes = [1], strides = [1]} : vector<16xf32> to vector<1xf32>
      %squeeze3A_606 = vector.extract %slice3A_605[0] : f32 from vector<1xf32>
      %add3A_607 = arith.addf %squeeze3A_604, %squeeze3A_606 : f32
      %slice3A_608 = vector.extract_strided_slice %scan3A_458#3 {offsets = [2], sizes = [1], strides = [1]} : vector<16xf32> to vector<1xf32>
      %squeeze3A_609 = vector.extract %slice3A_608[0] : f32 from vector<1xf32>
      %add3A_610 = arith.addf %add3A_607, %squeeze3A_609 : f32
      %slice3A_611 = vector.extract_strided_slice %scan3A_458#3 {offsets = [3], sizes = [1], strides = [1]} : vector<16xf32> to vector<1xf32>
      %squeeze3A_612 = vector.extract %slice3A_611[0] : f32 from vector<1xf32>
      %add3A_613 = arith.addf %add3A_610, %squeeze3A_612 : f32
      %slice3A_614 = vector.extract_strided_slice %scan3A_458#3 {offsets = [4], sizes = [1], strides = [1]} : vector<16xf32> to vector<1xf32>
      %squeeze3A_615 = vector.extract %slice3A_614[0] : f32 from vector<1xf32>
      %add3A_616 = arith.addf %add3A_613, %squeeze3A_615 : f32
      %slice3A_617 = vector.extract_strided_slice %scan3A_458#3 {offsets = [5], sizes = [1], strides = [1]} : vector<16xf32> to vector<1xf32>
      %squeeze3A_618 = vector.extract %slice3A_617[0] : f32 from vector<1xf32>
      %add3A_619 = arith.addf %add3A_616, %squeeze3A_618 : f32
      %slice3A_620 = vector.extract_strided_slice %scan3A_458#3 {offsets = [6], sizes = [1], strides = [1]} : vector<16xf32> to vector<1xf32>
      %squeeze3A_621 = vector.extract %slice3A_620[0] : f32 from vector<1xf32>
      %add3A_622 = arith.addf %add3A_619, %squeeze3A_621 : f32
      %slice3A_623 = vector.extract_strided_slice %scan3A_458#3 {offsets = [7], sizes = [1], strides = [1]} : vector<16xf32> to vector<1xf32>
      %squeeze3A_624 = vector.extract %slice3A_623[0] : f32 from vector<1xf32>
      %add3A_625 = arith.addf %add3A_622, %squeeze3A_624 : f32
      %slice3A_626 = vector.extract_strided_slice %scan3A_458#3 {offsets = [8], sizes = [1], strides = [1]} : vector<16xf32> to vector<1xf32>
      %squeeze3A_627 = vector.extract %slice3A_626[0] : f32 from vector<1xf32>
      %add3A_628 = arith.addf %add3A_625, %squeeze3A_627 : f32
      %slice3A_629 = vector.extract_strided_slice %scan3A_458#3 {offsets = [9], sizes = [1], strides = [1]} : vector<16xf32> to vector<1xf32>
      %squeeze3A_630 = vector.extract %slice3A_629[0] : f32 from vector<1xf32>
      %add3A_631 = arith.addf %add3A_628, %squeeze3A_630 : f32
      %slice3A_632 = vector.extract_strided_slice %scan3A_458#3 {offsets = [10], sizes = [1], strides = [1]} : vector<16xf32> to vector<1xf32>
      %squeeze3A_633 = vector.extract %slice3A_632[0] : f32 from vector<1xf32>
      %add3A_634 = arith.addf %add3A_631, %squeeze3A_633 : f32
      %slice3A_635 = vector.extract_strided_slice %scan3A_458#3 {offsets = [11], sizes = [1], strides = [1]} : vector<16xf32> to vector<1xf32>
      %squeeze3A_636 = vector.extract %slice3A_635[0] : f32 from vector<1xf32>
      %add3A_637 = arith.addf %add3A_634, %squeeze3A_636 : f32
      %slice3A_638 = vector.extract_strided_slice %scan3A_458#3 {offsets = [12], sizes = [1], strides = [1]} : vector<16xf32> to vector<1xf32>
      %squeeze3A_639 = vector.extract %slice3A_638[0] : f32 from vector<1xf32>
      %add3A_640 = arith.addf %add3A_637, %squeeze3A_639 : f32
      %slice3A_641 = vector.extract_strided_slice %scan3A_458#3 {offsets = [13], sizes = [1], strides = [1]} : vector<16xf32> to vector<1xf32>
      %squeeze3A_642 = vector.extract %slice3A_641[0] : f32 from vector<1xf32>
      %add3A_643 = arith.addf %add3A_640, %squeeze3A_642 : f32
      %slice3A_644 = vector.extract_strided_slice %scan3A_458#3 {offsets = [14], sizes = [1], strides = [1]} : vector<16xf32> to vector<1xf32>
      %squeeze3A_645 = vector.extract %slice3A_644[0] : f32 from vector<1xf32>
      %add3A_646 = arith.addf %add3A_643, %squeeze3A_645 : f32
      %slice3A_647 = vector.extract_strided_slice %scan3A_458#3 {offsets = [15], sizes = [1], strides = [1]} : vector<16xf32> to vector<1xf32>
      %squeeze3A_648 = vector.extract %slice3A_647[0] : f32 from vector<1xf32>
      %add3A_649 = arith.addf %add3A_646, %squeeze3A_648 : f32
      %sub3A = arith.subf %mul3A_316, %convert_element_type3A_507 : f32
      scf.yield %add3A_554, %sub3A, %add3A_649, %convert_element_type3A_602 : f32, f32, f32, f32
    }
    %add3A_428 = vector.broadcast %cond3A_427#0 : f32 to vector<16xf32>
    %add3A_429 = arith.addf %broadcast_in_dim3A_3, %add3A_428 : vector<16xf32>
    %add3A_430 = vector.broadcast %cond3A_427#1 : f32 to vector<16xf32>
    %add3A_431 = arith.addf %broadcast_in_dim3A_3, %add3A_430 : vector<16xf32>
    %add3A_432 = vector.broadcast %cond3A_427#2 : f32 to vector<16xf32>
    %add3A_433 = arith.addf %broadcast_in_dim3A_3, %add3A_432 : vector<16xf32>
    %mul3A_434 = arith.mulf %add3A_431, %add3A_433 : vector<16xf32>
    %add3A_435 = vector.broadcast %cond3A_427#3 : f32 to vector<16xf32>
    %add3A_436 = arith.addf %broadcast_in_dim3A_3, %add3A_435 : vector<16xf32>
    %max3A_437 = arith.constant 1.000000e+00 : f32
    %max3A_438 = vector.broadcast %max3A_437 : f32 to vector<16xf32>
    %max3A_439 = arith.maximumf %add3A_436, %max3A_438 : vector<16xf32>
    %div3A_440 = arith.divf %mul3A_434, %max3A_439 : vector<16xf32>
    %add3A_441 = arith.addf %add3A_429, %div3A_440 : vector<16xf32>
    %swap3A_442 = arith.constant 0 : index
    %swap3A_443 = tpu.vector_load %arg9[%swap3A_442] {strides = array<i32>} : memref<16xf32, #tpu.memory_space<vmem>>, vector<16xf32>,
    %swap3A_444 = vector.shape_cast %swap3A_443 : vector<16xf32> to vector<16xf32>
    %swap3A_445 = vector.shape_cast %add3A_441 : vector<16xf32> to vector<16xf32>
    tpu.vector_store %arg9[%swap3A_442], %swap3A_445 {strides = array<i32>} : memref<16xf32, #tpu.memory_space<vmem>>, vector<16xf32>,
    "tpu.region"() ({
      %run_scoped3A = tpu.sem_alloc : memref<!tpu.dma_semaphore, #tpu.memory_space<semaphore_mem>>
      %dma_start3A_446 = arith.constant 0 : i32
      %dma_start3A_447 = tpu.memref_slice %arg5[%add3A_266, %dma_start3A_446] : memref<64x16xf32, #tpu.memory_space<hbm>> -> memref<1x16xf32, #tpu.memory_space<hbm>>
      %dma_start3A_448 = tpu.memref_squeeze %dma_start3A_447 : memref<1x16xf32, #tpu.memory_space<hbm>> -> memref<16xf32, #tpu.memory_space<hbm>>
      %dma_start3A_449 = arith.constant 0 : i32
      %dma_start3A_450 = tpu.memref_slice %arg5[%add3A_266, %dma_start3A_449] : memref<64x16xf32, #tpu.memory_space<hbm>> -> memref<1x16xf32, #tpu.memory_space<hbm>>
      %dma_start3A_451 = tpu.memref_squeeze %dma_start3A_450 : memref<1x16xf32, #tpu.memory_space<hbm>> -> memref<16xf32, #tpu.memory_space<hbm>>
      tpu.enqueue_dma source(%arg9 : memref<16xf32, #tpu.memory_space<vmem>>) target(%dma_start3A_451 : memref<16xf32, #tpu.memory_space<hbm>>) target_semaphore(%run_scoped3A : memref<!tpu.dma_semaphore, #tpu.memory_space<semaphore_mem>>)
      %dma_wait3A_452 = arith.constant 0 : i32
      %dma_wait3A_453 = tpu.memref_slice %arg5[%add3A_266, %dma_wait3A_452] : memref<64x16xf32, #tpu.memory_space<hbm>> -> memref<1x16xf32, #tpu.memory_space<hbm>>
      %dma_wait3A_454 = tpu.memref_squeeze %dma_wait3A_453 : memref<1x16xf32, #tpu.memory_space<hbm>> -> memref<16xf32, #tpu.memory_space<hbm>>
      %dma_wait3A_455 = arith.constant 0 : i32
      %dma_wait3A_456 = tpu.memref_slice %arg5[%add3A_266, %dma_wait3A_455] : memref<64x16xf32, #tpu.memory_space<hbm>> -> memref<1x16xf32, #tpu.memory_space<hbm>>
      %dma_wait3A_457 = tpu.memref_squeeze %dma_wait3A_456 : memref<1x16xf32, #tpu.memory_space<hbm>> -> memref<16xf32, #tpu.memory_space<hbm>>
      tpu.wait_dma2 semaphore(%run_scoped3A : memref<!tpu.dma_semaphore, #tpu.memory_space<semaphore_mem>>) src(%arg9 : memref<16xf32, #tpu.memory_space<vmem>>) dst(%dma_wait3A_457 : memref<16xf32, #tpu.memory_space<hbm>>)
      tpu.yield
    }) : () -> ()
    return
  }
}

module attributes {stable_mosaic.version = 14 : i64} {
  func.func @_phase3(%arg0: memref<64x16xf32, #tpu.memory_space<vmem>>, %arg1: memref<64x128xf32, #tpu.memory_space<vmem>>, %arg2: memref<64x128xf32, #tpu.memory_space<vmem>>, %arg3: memref<64x128xf32, #tpu.memory_space<vmem>>, %arg4: memref<2x128xf32, #tpu.memory_space<vmem>>) attributes {dimension_semantics = [], scalar_prefetch = 0 : i64, scratch_operands = 0 : i64, tpu.core_type = #tpu.core_type<tc>} {
    %get3A = arith.constant 0 : index
    %get3A_0 = arith.constant 0 : index
    %get3A_1 = vector.load %arg1[%get3A, %get3A_0] : memref<64x128xf32, #tpu.memory_space<vmem>>, vector<64x1xf32>
    %reduce_sum3A = vector.shape_cast %get3A_1 : vector<64x1xf32> to vector<1x64x1xf32>
    %reduce_sum3A_2 = arith.constant dense<0.000000e+00> : vector<1xf32>
    %reduce_sum3A_3 = vector.multi_reduction <add>, %reduce_sum3A, %reduce_sum3A_2 [1, 2] : vector<1x64x1xf32> to vector<1xf32>
    %reduce_sum3A_4 = vector.shape_cast %reduce_sum3A_3 : vector<1xf32> to vector<1x1x1xf32>
    %reduce_sum3A_5 = vector.extract %reduce_sum3A_4[0, 0, 0] : f32 from vector<1x1x1xf32>
    %get3A_6 = arith.constant 0 : index
    %get3A_7 = arith.constant 0 : index
    %get3A_8 = vector.load %arg2[%get3A_6, %get3A_7] : memref<64x128xf32, #tpu.memory_space<vmem>>, vector<64x1xf32>
    %reduce_sum3A_9 = vector.shape_cast %get3A_8 : vector<64x1xf32> to vector<1x64x1xf32>
    %reduce_sum3A_10 = arith.constant dense<0.000000e+00> : vector<1xf32>
    %reduce_sum3A_11 = vector.multi_reduction <add>, %reduce_sum3A_9, %reduce_sum3A_10 [1, 2] : vector<1x64x1xf32> to vector<1xf32>
    %reduce_sum3A_12 = vector.shape_cast %reduce_sum3A_11 : vector<1xf32> to vector<1x1x1xf32>
    %reduce_sum3A_13 = vector.extract %reduce_sum3A_12[0, 0, 0] : f32 from vector<1x1x1xf32>
    %get3A_14 = arith.constant 0 : index
    %get3A_15 = arith.constant 0 : index
    %get3A_16 = vector.load %arg0[%get3A_14, %get3A_15] : memref<64x16xf32, #tpu.memory_space<vmem>>, vector<64x1xf32>
    %reduce_sum3A_17 = vector.shape_cast %get3A_16 : vector<64x1xf32> to vector<1x64x1xf32>
    %reduce_sum3A_18 = arith.constant dense<0.000000e+00> : vector<1xf32>
    %reduce_sum3A_19 = vector.multi_reduction <add>, %reduce_sum3A_17, %reduce_sum3A_18 [1, 2] : vector<1x64x1xf32> to vector<1xf32>
    %reduce_sum3A_20 = vector.shape_cast %reduce_sum3A_19 : vector<1xf32> to vector<1x1x1xf32>
    %reduce_sum3A_21 = vector.extract %reduce_sum3A_20[0, 0, 0] : f32 from vector<1x1x1xf32>
    %add3A = arith.addf %reduce_sum3A_13, %reduce_sum3A_21 : f32
    %div3A = arith.divf %add3A, %reduce_sum3A_5 : f32
    %get3A_22 = arith.constant 0 : index
    %get3A_23 = arith.constant 0 : index
    %get3A_24 = vector.load %arg3[%get3A_22, %get3A_23] : memref<64x128xf32, #tpu.memory_space<vmem>>, vector<64x1xf32>
    %reduce_sum3A_25 = vector.shape_cast %get3A_24 : vector<64x1xf32> to vector<1x64x1xf32>
    %reduce_sum3A_26 = arith.constant dense<0.000000e+00> : vector<1xf32>
    %reduce_sum3A_27 = vector.multi_reduction <add>, %reduce_sum3A_25, %reduce_sum3A_26 [1, 2] : vector<1x64x1xf32> to vector<1xf32>
    %reduce_sum3A_28 = vector.shape_cast %reduce_sum3A_27 : vector<1xf32> to vector<1x1x1xf32>
    %reduce_sum3A_29 = vector.extract %reduce_sum3A_28[0, 0, 0] : f32 from vector<1x1x1xf32>
    %div3A_30 = arith.divf %reduce_sum3A_29, %reduce_sum3A_5 : f32
    %stack3A = vector.broadcast %div3A : f32 to vector<1xf32>
    %stack3A_31 = vector.broadcast %div3A_30 : f32 to vector<1xf32>
    %stack3A_32 = tpu.concatenate %stack3A, %stack3A_31 in 0 : vector<1xf32>, vector<1xf32> -> vector<2xf32>
    %reshape3A = vector.shape_cast %stack3A_32 : vector<2xf32> to vector<2x1xf32>
    %broadcast_in_dim3A = vector.shape_cast %reshape3A : vector<2x1xf32> to vector<2x1xf32>
    %broadcast_in_dim3A_33 = vector.broadcast %broadcast_in_dim3A : vector<2x1xf32> to vector<2x128xf32>
    %swap3A = arith.constant 0 : index
    %swap3A_34 = arith.constant 0 : index
    %swap3A_35 = vector.load %arg4[%swap3A, %swap3A_34] : memref<2x128xf32, #tpu.memory_space<vmem>>, vector<2x128xf32>
    tpu.vector_store %arg4[%swap3A, %swap3A_34], %broadcast_in_dim3A_33 {strides = array<i32>} : memref<2x128xf32, #tpu.memory_space<vmem>>, vector<2x128xf32>,
    return
  }
}

module attributes {stable_mosaic.version = 14 : i64} {
  func.func @_phase1(%arg0: i32, %arg1: i32, %arg2: memref<21x32x3072xf32, #tpu.memory_space<vmem>>, %arg3: memref<32x3072xi32, #tpu.memory_space<vmem>>, %arg4: memref<4x32x3072xf32, #tpu.memory_space<vmem>>, %arg5: memref<32x3072xi32, #tpu.memory_space<vmem>>, %arg6: memref<32x3072xf32, #tpu.memory_space<vmem>>, %arg7: memref<32x128xf32, #tpu.memory_space<vmem>>, %arg8: memref<32x128xf32, #tpu.memory_space<vmem>>, %arg9: memref<32x128xf32, #tpu.memory_space<vmem>>) attributes {dimension_semantics = [#tpu.dimension_semantics<arbitrary>, #tpu.dimension_semantics<arbitrary>], iteration_bounds = array<i64: 2, 3>, scalar_prefetch = 0 : i64, scratch_operands = 0 : i64, tpu.core_type = #tpu.core_type<tc>, window_params = [{transform_indices = @transform_0, window_bounds = array<i64: 21, 32, 3072>}, {transform_indices = @transform_1, window_bounds = array<i64: 32, 3072>}, {transform_indices = @transform_2, window_bounds = array<i64: 4, 32, 3072>}, {transform_indices = @transform_3, window_bounds = array<i64: 32, 3072>}, {transform_indices = @transform_4, window_bounds = array<i64: 32, 3072>}, {transform_indices = @transform_5, window_bounds = array<i64: 32, 128>}, {transform_indices = @transform_6, window_bounds = array<i64: 32, 128>}, {transform_indices = @transform_7, window_bounds = array<i64: 32, 128>}]} {
    %get3A = arith.constant 0 : index
    %get3A_0 = arith.constant 0 : index
    %get3A_1 = vector.load %arg3[%get3A, %get3A_0] : memref<32x3072xi32, #tpu.memory_space<vmem>>, vector<32x3072xi32>
    %iota3A = tpu.iota {dimensions = array<i32: 1>} : vector<32x3072xi32>
    %mul3A = arith.constant 3072 : i32
    %mul3A_2 = arith.muli %arg1, %mul3A : i32
    %add3A = vector.broadcast %mul3A_2 : i32 to vector<32x3072xi32>
    %add3A_3 = arith.addi %iota3A, %add3A : vector<32x3072xi32>
    %lt3A = arith.constant 8732 : i32
    %lt3A_4 = vector.broadcast %lt3A : i32 to vector<32x3072xi32>
    %lt3A_5 = arith.cmpi slt, %add3A_3, %lt3A_4 : vector<32x3072xi32>
    %get3A_6 = arith.constant 0 : index
    %get3A_7 = arith.constant 0 : index
    %get3A_8 = arith.constant 0 : index
    %get3A_9 = vector.load %arg2[%get3A_6, %get3A_7, %get3A_8] : memref<21x32x3072xf32, #tpu.memory_space<vmem>>, vector<1x32x3072xf32>
    %get3A_10 = vector.shape_cast %get3A_9 : vector<1x32x3072xf32> to vector<32x3072xf32>
    %exp3A = math.exp %get3A_10 : vector<32x3072xf32>
    %eq3A = arith.constant 0 : i32
    %eq3A_11 = vector.broadcast %eq3A : i32 to vector<32x3072xi32>
    %eq3A_12 = arith.cmpi eq, %get3A_1, %eq3A_11 : vector<32x3072xi32>
    %jit3A = arith.constant 0.000000e+00 : f32
    %broadcast_in_dim3A = vector.broadcast %jit3A : f32 to vector<32x3072xf32>
    %select_n3A = arith.select %eq3A_12, %get3A_10, %broadcast_in_dim3A : vector<32x3072xi1>, vector<32x3072xf32>
    %get3A_13 = arith.constant 1 : index
    %get3A_14 = arith.constant 0 : index
    %get3A_15 = arith.constant 0 : index
    %get3A_16 = vector.load %arg2[%get3A_13, %get3A_14, %get3A_15] : memref<21x32x3072xf32, #tpu.memory_space<vmem>>, vector<1x32x3072xf32>
    %get3A_17 = vector.shape_cast %get3A_16 : vector<1x32x3072xf32> to vector<32x3072xf32>
    %exp3A_18 = math.exp %get3A_17 : vector<32x3072xf32>
    %add3A_19 = arith.addf %exp3A, %exp3A_18 : vector<32x3072xf32>
    %eq3A_20 = arith.constant 1 : i32
    %eq3A_21 = vector.broadcast %eq3A_20 : i32 to vector<32x3072xi32>
    %eq3A_22 = arith.cmpi eq, %get3A_1, %eq3A_21 : vector<32x3072xi32>
    %jit3A_23 = arith.constant 0.000000e+00 : f32
    %broadcast_in_dim3A_24 = vector.broadcast %jit3A_23 : f32 to vector<32x3072xf32>
    %select_n3A_25 = arith.select %eq3A_22, %get3A_17, %broadcast_in_dim3A_24 : vector<32x3072xi1>, vector<32x3072xf32>
    %add3A_26 = arith.addf %select_n3A, %select_n3A_25 : vector<32x3072xf32>
    %get3A_27 = arith.constant 2 : index
    %get3A_28 = arith.constant 0 : index
    %get3A_29 = arith.constant 0 : index
    %get3A_30 = vector.load %arg2[%get3A_27, %get3A_28, %get3A_29] : memref<21x32x3072xf32, #tpu.memory_space<vmem>>, vector<1x32x3072xf32>
    %get3A_31 = vector.shape_cast %get3A_30 : vector<1x32x3072xf32> to vector<32x3072xf32>
    %exp3A_32 = math.exp %get3A_31 : vector<32x3072xf32>
    %add3A_33 = arith.addf %add3A_19, %exp3A_32 : vector<32x3072xf32>
    %eq3A_34 = arith.constant 2 : i32
    %eq3A_35 = vector.broadcast %eq3A_34 : i32 to vector<32x3072xi32>
    %eq3A_36 = arith.cmpi eq, %get3A_1, %eq3A_35 : vector<32x3072xi32>
    %jit3A_37 = arith.constant 0.000000e+00 : f32
    %broadcast_in_dim3A_38 = vector.broadcast %jit3A_37 : f32 to vector<32x3072xf32>
    %select_n3A_39 = arith.select %eq3A_36, %get3A_31, %broadcast_in_dim3A_38 : vector<32x3072xi1>, vector<32x3072xf32>
    %add3A_40 = arith.addf %add3A_26, %select_n3A_39 : vector<32x3072xf32>
    %get3A_41 = arith.constant 3 : index
    %get3A_42 = arith.constant 0 : index
    %get3A_43 = arith.constant 0 : index
    %get3A_44 = vector.load %arg2[%get3A_41, %get3A_42, %get3A_43] : memref<21x32x3072xf32, #tpu.memory_space<vmem>>, vector<1x32x3072xf32>
    %get3A_45 = vector.shape_cast %get3A_44 : vector<1x32x3072xf32> to vector<32x3072xf32>
    %exp3A_46 = math.exp %get3A_45 : vector<32x3072xf32>
    %add3A_47 = arith.addf %add3A_33, %exp3A_46 : vector<32x3072xf32>
    %eq3A_48 = arith.constant 3 : i32
    %eq3A_49 = vector.broadcast %eq3A_48 : i32 to vector<32x3072xi32>
    %eq3A_50 = arith.cmpi eq, %get3A_1, %eq3A_49 : vector<32x3072xi32>
    %jit3A_51 = arith.constant 0.000000e+00 : f32
    %broadcast_in_dim3A_52 = vector.broadcast %jit3A_51 : f32 to vector<32x3072xf32>
    %select_n3A_53 = arith.select %eq3A_50, %get3A_45, %broadcast_in_dim3A_52 : vector<32x3072xi1>, vector<32x3072xf32>
    %add3A_54 = arith.addf %add3A_40, %select_n3A_53 : vector<32x3072xf32>
    %get3A_55 = arith.constant 4 : index
    %get3A_56 = arith.constant 0 : index
    %get3A_57 = arith.constant 0 : index
    %get3A_58 = vector.load %arg2[%get3A_55, %get3A_56, %get3A_57] : memref<21x32x3072xf32, #tpu.memory_space<vmem>>, vector<1x32x3072xf32>
    %get3A_59 = vector.shape_cast %get3A_58 : vector<1x32x3072xf32> to vector<32x3072xf32>
    %exp3A_60 = math.exp %get3A_59 : vector<32x3072xf32>
    %add3A_61 = arith.addf %add3A_47, %exp3A_60 : vector<32x3072xf32>
    %eq3A_62 = arith.constant 4 : i32
    %eq3A_63 = vector.broadcast %eq3A_62 : i32 to vector<32x3072xi32>
    %eq3A_64 = arith.cmpi eq, %get3A_1, %eq3A_63 : vector<32x3072xi32>
    %jit3A_65 = arith.constant 0.000000e+00 : f32
    %broadcast_in_dim3A_66 = vector.broadcast %jit3A_65 : f32 to vector<32x3072xf32>
    %select_n3A_67 = arith.select %eq3A_64, %get3A_59, %broadcast_in_dim3A_66 : vector<32x3072xi1>, vector<32x3072xf32>
    %add3A_68 = arith.addf %add3A_54, %select_n3A_67 : vector<32x3072xf32>
    %get3A_69 = arith.constant 5 : index
    %get3A_70 = arith.constant 0 : index
    %get3A_71 = arith.constant 0 : index
    %get3A_72 = vector.load %arg2[%get3A_69, %get3A_70, %get3A_71] : memref<21x32x3072xf32, #tpu.memory_space<vmem>>, vector<1x32x3072xf32>
    %get3A_73 = vector.shape_cast %get3A_72 : vector<1x32x3072xf32> to vector<32x3072xf32>
    %exp3A_74 = math.exp %get3A_73 : vector<32x3072xf32>
    %add3A_75 = arith.addf %add3A_61, %exp3A_74 : vector<32x3072xf32>
    %eq3A_76 = arith.constant 5 : i32
    %eq3A_77 = vector.broadcast %eq3A_76 : i32 to vector<32x3072xi32>
    %eq3A_78 = arith.cmpi eq, %get3A_1, %eq3A_77 : vector<32x3072xi32>
    %jit3A_79 = arith.constant 0.000000e+00 : f32
    %broadcast_in_dim3A_80 = vector.broadcast %jit3A_79 : f32 to vector<32x3072xf32>
    %select_n3A_81 = arith.select %eq3A_78, %get3A_73, %broadcast_in_dim3A_80 : vector<32x3072xi1>, vector<32x3072xf32>
    %add3A_82 = arith.addf %add3A_68, %select_n3A_81 : vector<32x3072xf32>
    %get3A_83 = arith.constant 6 : index
    %get3A_84 = arith.constant 0 : index
    %get3A_85 = arith.constant 0 : index
    %get3A_86 = vector.load %arg2[%get3A_83, %get3A_84, %get3A_85] : memref<21x32x3072xf32, #tpu.memory_space<vmem>>, vector<1x32x3072xf32>
    %get3A_87 = vector.shape_cast %get3A_86 : vector<1x32x3072xf32> to vector<32x3072xf32>
    %exp3A_88 = math.exp %get3A_87 : vector<32x3072xf32>
    %add3A_89 = arith.addf %add3A_75, %exp3A_88 : vector<32x3072xf32>
    %eq3A_90 = arith.constant 6 : i32
    %eq3A_91 = vector.broadcast %eq3A_90 : i32 to vector<32x3072xi32>
    %eq3A_92 = arith.cmpi eq, %get3A_1, %eq3A_91 : vector<32x3072xi32>
    %jit3A_93 = arith.constant 0.000000e+00 : f32
    %broadcast_in_dim3A_94 = vector.broadcast %jit3A_93 : f32 to vector<32x3072xf32>
    %select_n3A_95 = arith.select %eq3A_92, %get3A_87, %broadcast_in_dim3A_94 : vector<32x3072xi1>, vector<32x3072xf32>
    %add3A_96 = arith.addf %add3A_82, %select_n3A_95 : vector<32x3072xf32>
    %get3A_97 = arith.constant 7 : index
    %get3A_98 = arith.constant 0 : index
    %get3A_99 = arith.constant 0 : index
    %get3A_100 = vector.load %arg2[%get3A_97, %get3A_98, %get3A_99] : memref<21x32x3072xf32, #tpu.memory_space<vmem>>, vector<1x32x3072xf32>
    %get3A_101 = vector.shape_cast %get3A_100 : vector<1x32x3072xf32> to vector<32x3072xf32>
    %exp3A_102 = math.exp %get3A_101 : vector<32x3072xf32>
    %add3A_103 = arith.addf %add3A_89, %exp3A_102 : vector<32x3072xf32>
    %eq3A_104 = arith.constant 7 : i32
    %eq3A_105 = vector.broadcast %eq3A_104 : i32 to vector<32x3072xi32>
    %eq3A_106 = arith.cmpi eq, %get3A_1, %eq3A_105 : vector<32x3072xi32>
    %jit3A_107 = arith.constant 0.000000e+00 : f32
    %broadcast_in_dim3A_108 = vector.broadcast %jit3A_107 : f32 to vector<32x3072xf32>
    %select_n3A_109 = arith.select %eq3A_106, %get3A_101, %broadcast_in_dim3A_108 : vector<32x3072xi1>, vector<32x3072xf32>
    %add3A_110 = arith.addf %add3A_96, %select_n3A_109 : vector<32x3072xf32>
    %get3A_111 = arith.constant 8 : index
    %get3A_112 = arith.constant 0 : index
    %get3A_113 = arith.constant 0 : index
    %get3A_114 = vector.load %arg2[%get3A_111, %get3A_112, %get3A_113] : memref<21x32x3072xf32, #tpu.memory_space<vmem>>, vector<1x32x3072xf32>
    %get3A_115 = vector.shape_cast %get3A_114 : vector<1x32x3072xf32> to vector<32x3072xf32>
    %exp3A_116 = math.exp %get3A_115 : vector<32x3072xf32>
    %add3A_117 = arith.addf %add3A_103, %exp3A_116 : vector<32x3072xf32>
    %eq3A_118 = arith.constant 8 : i32
    %eq3A_119 = vector.broadcast %eq3A_118 : i32 to vector<32x3072xi32>
    %eq3A_120 = arith.cmpi eq, %get3A_1, %eq3A_119 : vector<32x3072xi32>
    %jit3A_121 = arith.constant 0.000000e+00 : f32
    %broadcast_in_dim3A_122 = vector.broadcast %jit3A_121 : f32 to vector<32x3072xf32>
    %select_n3A_123 = arith.select %eq3A_120, %get3A_115, %broadcast_in_dim3A_122 : vector<32x3072xi1>, vector<32x3072xf32>
    %add3A_124 = arith.addf %add3A_110, %select_n3A_123 : vector<32x3072xf32>
    %get3A_125 = arith.constant 9 : index
    %get3A_126 = arith.constant 0 : index
    %get3A_127 = arith.constant 0 : index
    %get3A_128 = vector.load %arg2[%get3A_125, %get3A_126, %get3A_127] : memref<21x32x3072xf32, #tpu.memory_space<vmem>>, vector<1x32x3072xf32>
    %get3A_129 = vector.shape_cast %get3A_128 : vector<1x32x3072xf32> to vector<32x3072xf32>
    %exp3A_130 = math.exp %get3A_129 : vector<32x3072xf32>
    %add3A_131 = arith.addf %add3A_117, %exp3A_130 : vector<32x3072xf32>
    %eq3A_132 = arith.constant 9 : i32
    %eq3A_133 = vector.broadcast %eq3A_132 : i32 to vector<32x3072xi32>
    %eq3A_134 = arith.cmpi eq, %get3A_1, %eq3A_133 : vector<32x3072xi32>
    %jit3A_135 = arith.constant 0.000000e+00 : f32
    %broadcast_in_dim3A_136 = vector.broadcast %jit3A_135 : f32 to vector<32x3072xf32>
    %select_n3A_137 = arith.select %eq3A_134, %get3A_129, %broadcast_in_dim3A_136 : vector<32x3072xi1>, vector<32x3072xf32>
    %add3A_138 = arith.addf %add3A_124, %select_n3A_137 : vector<32x3072xf32>
    %get3A_139 = arith.constant 10 : index
    %get3A_140 = arith.constant 0 : index
    %get3A_141 = arith.constant 0 : index
    %get3A_142 = vector.load %arg2[%get3A_139, %get3A_140, %get3A_141] : memref<21x32x3072xf32, #tpu.memory_space<vmem>>, vector<1x32x3072xf32>
    %get3A_143 = vector.shape_cast %get3A_142 : vector<1x32x3072xf32> to vector<32x3072xf32>
    %exp3A_144 = math.exp %get3A_143 : vector<32x3072xf32>
    %add3A_145 = arith.addf %add3A_131, %exp3A_144 : vector<32x3072xf32>
    %eq3A_146 = arith.constant 10 : i32
    %eq3A_147 = vector.broadcast %eq3A_146 : i32 to vector<32x3072xi32>
    %eq3A_148 = arith.cmpi eq, %get3A_1, %eq3A_147 : vector<32x3072xi32>
    %jit3A_149 = arith.constant 0.000000e+00 : f32
    %broadcast_in_dim3A_150 = vector.broadcast %jit3A_149 : f32 to vector<32x3072xf32>
    %select_n3A_151 = arith.select %eq3A_148, %get3A_143, %broadcast_in_dim3A_150 : vector<32x3072xi1>, vector<32x3072xf32>
    %add3A_152 = arith.addf %add3A_138, %select_n3A_151 : vector<32x3072xf32>
    %get3A_153 = arith.constant 11 : index
    %get3A_154 = arith.constant 0 : index
    %get3A_155 = arith.constant 0 : index
    %get3A_156 = vector.load %arg2[%get3A_153, %get3A_154, %get3A_155] : memref<21x32x3072xf32, #tpu.memory_space<vmem>>, vector<1x32x3072xf32>
    %get3A_157 = vector.shape_cast %get3A_156 : vector<1x32x3072xf32> to vector<32x3072xf32>
    %exp3A_158 = math.exp %get3A_157 : vector<32x3072xf32>
    %add3A_159 = arith.addf %add3A_145, %exp3A_158 : vector<32x3072xf32>
    %eq3A_160 = arith.constant 11 : i32
    %eq3A_161 = vector.broadcast %eq3A_160 : i32 to vector<32x3072xi32>
    %eq3A_162 = arith.cmpi eq, %get3A_1, %eq3A_161 : vector<32x3072xi32>
    %jit3A_163 = arith.constant 0.000000e+00 : f32
    %broadcast_in_dim3A_164 = vector.broadcast %jit3A_163 : f32 to vector<32x3072xf32>
    %select_n3A_165 = arith.select %eq3A_162, %get3A_157, %broadcast_in_dim3A_164 : vector<32x3072xi1>, vector<32x3072xf32>
    %add3A_166 = arith.addf %add3A_152, %select_n3A_165 : vector<32x3072xf32>
    %get3A_167 = arith.constant 12 : index
    %get3A_168 = arith.constant 0 : index
    %get3A_169 = arith.constant 0 : index
    %get3A_170 = vector.load %arg2[%get3A_167, %get3A_168, %get3A_169] : memref<21x32x3072xf32, #tpu.memory_space<vmem>>, vector<1x32x3072xf32>
    %get3A_171 = vector.shape_cast %get3A_170 : vector<1x32x3072xf32> to vector<32x3072xf32>
    %exp3A_172 = math.exp %get3A_171 : vector<32x3072xf32>
    %add3A_173 = arith.addf %add3A_159, %exp3A_172 : vector<32x3072xf32>
    %eq3A_174 = arith.constant 12 : i32
    %eq3A_175 = vector.broadcast %eq3A_174 : i32 to vector<32x3072xi32>
    %eq3A_176 = arith.cmpi eq, %get3A_1, %eq3A_175 : vector<32x3072xi32>
    %jit3A_177 = arith.constant 0.000000e+00 : f32
    %broadcast_in_dim3A_178 = vector.broadcast %jit3A_177 : f32 to vector<32x3072xf32>
    %select_n3A_179 = arith.select %eq3A_176, %get3A_171, %broadcast_in_dim3A_178 : vector<32x3072xi1>, vector<32x3072xf32>
    %add3A_180 = arith.addf %add3A_166, %select_n3A_179 : vector<32x3072xf32>
    %get3A_181 = arith.constant 13 : index
    %get3A_182 = arith.constant 0 : index
    %get3A_183 = arith.constant 0 : index
    %get3A_184 = vector.load %arg2[%get3A_181, %get3A_182, %get3A_183] : memref<21x32x3072xf32, #tpu.memory_space<vmem>>, vector<1x32x3072xf32>
    %get3A_185 = vector.shape_cast %get3A_184 : vector<1x32x3072xf32> to vector<32x3072xf32>
    %exp3A_186 = math.exp %get3A_185 : vector<32x3072xf32>
    %add3A_187 = arith.addf %add3A_173, %exp3A_186 : vector<32x3072xf32>
    %eq3A_188 = arith.constant 13 : i32
    %eq3A_189 = vector.broadcast %eq3A_188 : i32 to vector<32x3072xi32>
    %eq3A_190 = arith.cmpi eq, %get3A_1, %eq3A_189 : vector<32x3072xi32>
    %jit3A_191 = arith.constant 0.000000e+00 : f32
    %broadcast_in_dim3A_192 = vector.broadcast %jit3A_191 : f32 to vector<32x3072xf32>
    %select_n3A_193 = arith.select %eq3A_190, %get3A_185, %broadcast_in_dim3A_192 : vector<32x3072xi1>, vector<32x3072xf32>
    %add3A_194 = arith.addf %add3A_180, %select_n3A_193 : vector<32x3072xf32>
    %get3A_195 = arith.constant 14 : index
    %get3A_196 = arith.constant 0 : index
    %get3A_197 = arith.constant 0 : index
    %get3A_198 = vector.load %arg2[%get3A_195, %get3A_196, %get3A_197] : memref<21x32x3072xf32, #tpu.memory_space<vmem>>, vector<1x32x3072xf32>
    %get3A_199 = vector.shape_cast %get3A_198 : vector<1x32x3072xf32> to vector<32x3072xf32>
    %exp3A_200 = math.exp %get3A_199 : vector<32x3072xf32>
    %add3A_201 = arith.addf %add3A_187, %exp3A_200 : vector<32x3072xf32>
    %eq3A_202 = arith.constant 14 : i32
    %eq3A_203 = vector.broadcast %eq3A_202 : i32 to vector<32x3072xi32>
    %eq3A_204 = arith.cmpi eq, %get3A_1, %eq3A_203 : vector<32x3072xi32>
    %jit3A_205 = arith.constant 0.000000e+00 : f32
    %broadcast_in_dim3A_206 = vector.broadcast %jit3A_205 : f32 to vector<32x3072xf32>
    %select_n3A_207 = arith.select %eq3A_204, %get3A_199, %broadcast_in_dim3A_206 : vector<32x3072xi1>, vector<32x3072xf32>
    %add3A_208 = arith.addf %add3A_194, %select_n3A_207 : vector<32x3072xf32>
    %get3A_209 = arith.constant 15 : index
    %get3A_210 = arith.constant 0 : index
    %get3A_211 = arith.constant 0 : index
    %get3A_212 = vector.load %arg2[%get3A_209, %get3A_210, %get3A_211] : memref<21x32x3072xf32, #tpu.memory_space<vmem>>, vector<1x32x3072xf32>
    %get3A_213 = vector.shape_cast %get3A_212 : vector<1x32x3072xf32> to vector<32x3072xf32>
    %exp3A_214 = math.exp %get3A_213 : vector<32x3072xf32>
    %add3A_215 = arith.addf %add3A_201, %exp3A_214 : vector<32x3072xf32>
    %eq3A_216 = arith.constant 15 : i32
    %eq3A_217 = vector.broadcast %eq3A_216 : i32 to vector<32x3072xi32>
    %eq3A_218 = arith.cmpi eq, %get3A_1, %eq3A_217 : vector<32x3072xi32>
    %jit3A_219 = arith.constant 0.000000e+00 : f32
    %broadcast_in_dim3A_220 = vector.broadcast %jit3A_219 : f32 to vector<32x3072xf32>
    %select_n3A_221 = arith.select %eq3A_218, %get3A_213, %broadcast_in_dim3A_220 : vector<32x3072xi1>, vector<32x3072xf32>
    %add3A_222 = arith.addf %add3A_208, %select_n3A_221 : vector<32x3072xf32>
    %get3A_223 = arith.constant 16 : index
    %get3A_224 = arith.constant 0 : index
    %get3A_225 = arith.constant 0 : index
    %get3A_226 = vector.load %arg2[%get3A_223, %get3A_224, %get3A_225] : memref<21x32x3072xf32, #tpu.memory_space<vmem>>, vector<1x32x3072xf32>
    %get3A_227 = vector.shape_cast %get3A_226 : vector<1x32x3072xf32> to vector<32x3072xf32>
    %exp3A_228 = math.exp %get3A_227 : vector<32x3072xf32>
    %add3A_229 = arith.addf %add3A_215, %exp3A_228 : vector<32x3072xf32>
    %eq3A_230 = arith.constant 16 : i32
    %eq3A_231 = vector.broadcast %eq3A_230 : i32 to vector<32x3072xi32>
    %eq3A_232 = arith.cmpi eq, %get3A_1, %eq3A_231 : vector<32x3072xi32>
    %jit3A_233 = arith.constant 0.000000e+00 : f32
    %broadcast_in_dim3A_234 = vector.broadcast %jit3A_233 : f32 to vector<32x3072xf32>
    %select_n3A_235 = arith.select %eq3A_232, %get3A_227, %broadcast_in_dim3A_234 : vector<32x3072xi1>, vector<32x3072xf32>
    %add3A_236 = arith.addf %add3A_222, %select_n3A_235 : vector<32x3072xf32>
    %get3A_237 = arith.constant 17 : index
    %get3A_238 = arith.constant 0 : index
    %get3A_239 = arith.constant 0 : index
    %get3A_240 = vector.load %arg2[%get3A_237, %get3A_238, %get3A_239] : memref<21x32x3072xf32, #tpu.memory_space<vmem>>, vector<1x32x3072xf32>
    %get3A_241 = vector.shape_cast %get3A_240 : vector<1x32x3072xf32> to vector<32x3072xf32>
    %exp3A_242 = math.exp %get3A_241 : vector<32x3072xf32>
    %add3A_243 = arith.addf %add3A_229, %exp3A_242 : vector<32x3072xf32>
    %eq3A_244 = arith.constant 17 : i32
    %eq3A_245 = vector.broadcast %eq3A_244 : i32 to vector<32x3072xi32>
    %eq3A_246 = arith.cmpi eq, %get3A_1, %eq3A_245 : vector<32x3072xi32>
    %jit3A_247 = arith.constant 0.000000e+00 : f32
    %broadcast_in_dim3A_248 = vector.broadcast %jit3A_247 : f32 to vector<32x3072xf32>
    %select_n3A_249 = arith.select %eq3A_246, %get3A_241, %broadcast_in_dim3A_248 : vector<32x3072xi1>, vector<32x3072xf32>
    %add3A_250 = arith.addf %add3A_236, %select_n3A_249 : vector<32x3072xf32>
    %get3A_251 = arith.constant 18 : index
    %get3A_252 = arith.constant 0 : index
    %get3A_253 = arith.constant 0 : index
    %get3A_254 = vector.load %arg2[%get3A_251, %get3A_252, %get3A_253] : memref<21x32x3072xf32, #tpu.memory_space<vmem>>, vector<1x32x3072xf32>
    %get3A_255 = vector.shape_cast %get3A_254 : vector<1x32x3072xf32> to vector<32x3072xf32>
    %exp3A_256 = math.exp %get3A_255 : vector<32x3072xf32>
    %add3A_257 = arith.addf %add3A_243, %exp3A_256 : vector<32x3072xf32>
    %eq3A_258 = arith.constant 18 : i32
    %eq3A_259 = vector.broadcast %eq3A_258 : i32 to vector<32x3072xi32>
    %eq3A_260 = arith.cmpi eq, %get3A_1, %eq3A_259 : vector<32x3072xi32>
    %jit3A_261 = arith.constant 0.000000e+00 : f32
    %broadcast_in_dim3A_262 = vector.broadcast %jit3A_261 : f32 to vector<32x3072xf32>
    %select_n3A_263 = arith.select %eq3A_260, %get3A_255, %broadcast_in_dim3A_262 : vector<32x3072xi1>, vector<32x3072xf32>
    %add3A_264 = arith.addf %add3A_250, %select_n3A_263 : vector<32x3072xf32>
    %get3A_265 = arith.constant 19 : index
    %get3A_266 = arith.constant 0 : index
    %get3A_267 = arith.constant 0 : index
    %get3A_268 = vector.load %arg2[%get3A_265, %get3A_266, %get3A_267] : memref<21x32x3072xf32, #tpu.memory_space<vmem>>, vector<1x32x3072xf32>
    %get3A_269 = vector.shape_cast %get3A_268 : vector<1x32x3072xf32> to vector<32x3072xf32>
    %exp3A_270 = math.exp %get3A_269 : vector<32x3072xf32>
    %add3A_271 = arith.addf %add3A_257, %exp3A_270 : vector<32x3072xf32>
    %eq3A_272 = arith.constant 19 : i32
    %eq3A_273 = vector.broadcast %eq3A_272 : i32 to vector<32x3072xi32>
    %eq3A_274 = arith.cmpi eq, %get3A_1, %eq3A_273 : vector<32x3072xi32>
    %jit3A_275 = arith.constant 0.000000e+00 : f32
    %broadcast_in_dim3A_276 = vector.broadcast %jit3A_275 : f32 to vector<32x3072xf32>
    %select_n3A_277 = arith.select %eq3A_274, %get3A_269, %broadcast_in_dim3A_276 : vector<32x3072xi1>, vector<32x3072xf32>
    %add3A_278 = arith.addf %add3A_264, %select_n3A_277 : vector<32x3072xf32>
    %get3A_279 = arith.constant 20 : index
    %get3A_280 = arith.constant 0 : index
    %get3A_281 = arith.constant 0 : index
    %get3A_282 = vector.load %arg2[%get3A_279, %get3A_280, %get3A_281] : memref<21x32x3072xf32, #tpu.memory_space<vmem>>, vector<1x32x3072xf32>
    %get3A_283 = vector.shape_cast %get3A_282 : vector<1x32x3072xf32> to vector<32x3072xf32>
    %exp3A_284 = math.exp %get3A_283 : vector<32x3072xf32>
    %add3A_285 = arith.addf %add3A_271, %exp3A_284 : vector<32x3072xf32>
    %eq3A_286 = arith.constant 20 : i32
    %eq3A_287 = vector.broadcast %eq3A_286 : i32 to vector<32x3072xi32>
    %eq3A_288 = arith.cmpi eq, %get3A_1, %eq3A_287 : vector<32x3072xi32>
    %jit3A_289 = arith.constant 0.000000e+00 : f32
    %broadcast_in_dim3A_290 = vector.broadcast %jit3A_289 : f32 to vector<32x3072xf32>
    %select_n3A_291 = arith.select %eq3A_288, %get3A_283, %broadcast_in_dim3A_290 : vector<32x3072xi1>, vector<32x3072xf32>
    %add3A_292 = arith.addf %add3A_278, %select_n3A_291 : vector<32x3072xf32>
    %log3A = math.log %add3A_285 : vector<32x3072xf32>
    %sub3A = arith.subf %log3A, %add3A_292 : vector<32x3072xf32>
    %sub3A_293 = arith.subf %log3A, %get3A_10 : vector<32x3072xf32>
    %max3A = arith.constant 0.000000e+00 : f32
    %max3A_294 = vector.broadcast %max3A : f32 to vector<32x3072xf32>
    %max3A_295 = arith.maximumf %sub3A_293, %max3A_294 : vector<32x3072xf32>
    %gt3A = arith.constant 0 : i32
    %gt3A_296 = vector.broadcast %gt3A : i32 to vector<32x3072xi32>
    %gt3A_297 = arith.cmpi sgt, %get3A_1, %gt3A_296 : vector<32x3072xi32>
    %and3A = arith.andi %gt3A_297, %lt3A_5 : vector<32x3072xi1>
    %eq3A_298 = arith.constant 0 : i32
    %eq3A_299 = vector.broadcast %eq3A_298 : i32 to vector<32x3072xi32>
    %eq3A_300 = arith.cmpi eq, %get3A_1, %eq3A_299 : vector<32x3072xi32>
    %and3A_301 = arith.andi %eq3A_300, %lt3A_5 : vector<32x3072xi1>
    %bitcast_convert_type3A = tpu.bitcast %max3A_295 : vector<32x3072xf32> -> vector<32x3072xi32>
    %jit3A_302 = arith.constant -1 : i32
    %broadcast_in_dim3A_303 = vector.broadcast %jit3A_302 : i32 to vector<32x3072xi32>
    %select_n3A_304 = arith.select %and3A_301, %bitcast_convert_type3A, %broadcast_in_dim3A_303 : vector<32x3072xi1>, vector<32x3072xi32>
    %swap3A = arith.constant 0 : index
    %swap3A_305 = arith.constant 0 : index
    %swap3A_306 = vector.load %arg5[%swap3A, %swap3A_305] : memref<32x3072xi32, #tpu.memory_space<vmem>>, vector<32x3072xi32>
    tpu.vector_store %arg5[%swap3A, %swap3A_305], %select_n3A_304 {strides = array<i32>} : memref<32x3072xi32, #tpu.memory_space<vmem>>, vector<32x3072xi32>,
    %jit3A_307 = arith.constant 0.000000e+00 : f32
    %broadcast_in_dim3A_308 = vector.broadcast %jit3A_307 : f32 to vector<32x3072xf32>
    %select_n3A_309 = arith.select %lt3A_5, %sub3A, %broadcast_in_dim3A_308 : vector<32x3072xi1>, vector<32x3072xf32>
    %swap3A_310 = arith.constant 0 : index
    %swap3A_311 = arith.constant 0 : index
    %swap3A_312 = vector.load %arg6[%swap3A_310, %swap3A_311] : memref<32x3072xf32, #tpu.memory_space<vmem>>, vector<32x3072xf32>
    tpu.vector_store %arg6[%swap3A_310, %swap3A_311], %select_n3A_309 {strides = array<i32>} : memref<32x3072xf32, #tpu.memory_space<vmem>>, vector<32x3072xf32>,
    %convert_element_type3A = arith.extui %and3A : vector<32x3072xi1> to vector<32x3072xi32>
    %convert_element_type3A_313 = arith.sitofp %convert_element_type3A : vector<32x3072xi32> to vector<32x3072xf32>
    %reduce_sum3A = arith.constant dense<0.000000e+00> : vector<32xf32>
    %reduce_sum3A_314 = vector.multi_reduction <add>, %convert_element_type3A_313, %reduce_sum3A [1] : vector<32x3072xf32> to vector<32xf32>
    %jit3A_315 = arith.constant 0.000000e+00 : f32
    %broadcast_in_dim3A_316 = vector.broadcast %jit3A_315 : f32 to vector<32x3072xf32>
    %select_n3A_317 = arith.select %and3A, %sub3A, %broadcast_in_dim3A_316 : vector<32x3072xi1>, vector<32x3072xf32>
    %reduce_sum3A_318 = arith.constant dense<0.000000e+00> : vector<32xf32>
    %reduce_sum3A_319 = vector.multi_reduction <add>, %select_n3A_317, %reduce_sum3A_318 [1] : vector<32x3072xf32> to vector<32xf32>
    %broadcast_in_dim3A_320 = arith.constant 0.000000e+00 : f32
    %broadcast_in_dim3A_321 = vector.broadcast %broadcast_in_dim3A_320 : f32 to vector<32x3072xf32>
    %get3A_322 = arith.constant 0 : index
    %get3A_323 = arith.constant 0 : index
    %get3A_324 = arith.constant 0 : index
    %get3A_325 = vector.load %arg4[%get3A_322, %get3A_323, %get3A_324] : memref<4x32x3072xf32, #tpu.memory_space<vmem>>, vector<1x32x3072xf32>
    %get3A_326 = vector.shape_cast %get3A_325 : vector<1x32x3072xf32> to vector<32x3072xf32>
    %abs3A = math.absf %get3A_326 : vector<32x3072xf32>
    %lt3A_327 = arith.constant 1.000000e+00 : f32
    %lt3A_328 = vector.broadcast %lt3A_327 : f32 to vector<32x3072xf32>
    %lt3A_329 = arith.cmpf olt, %abs3A, %lt3A_328 : vector<32x3072xf32>
    %mul3A_330 = arith.constant 5.000000e-01 : f32
    %mul3A_331 = vector.broadcast %mul3A_330 : f32 to vector<32x3072xf32>
    %mul3A_332 = arith.mulf %mul3A_331, %get3A_326 : vector<32x3072xf32>
    %mul3A_333 = arith.mulf %mul3A_332, %get3A_326 : vector<32x3072xf32>
    %sub3A_334 = arith.constant 5.000000e-01 : f32
    %sub3A_335 = vector.broadcast %sub3A_334 : f32 to vector<32x3072xf32>
    %sub3A_336 = arith.subf %abs3A, %sub3A_335 : vector<32x3072xf32>
    %select_n3A_337 = arith.select %lt3A_329, %mul3A_333, %sub3A_336 : vector<32x3072xi1>, vector<32x3072xf32>
    %add3A_338 = arith.addf %broadcast_in_dim3A_321, %select_n3A_337 : vector<32x3072xf32>
    %get3A_339 = arith.constant 1 : index
    %get3A_340 = arith.constant 0 : index
    %get3A_341 = arith.constant 0 : index
    %get3A_342 = vector.load %arg4[%get3A_339, %get3A_340, %get3A_341] : memref<4x32x3072xf32, #tpu.memory_space<vmem>>, vector<1x32x3072xf32>
    %get3A_343 = vector.shape_cast %get3A_342 : vector<1x32x3072xf32> to vector<32x3072xf32>
    %abs3A_344 = math.absf %get3A_343 : vector<32x3072xf32>
    %lt3A_345 = arith.constant 1.000000e+00 : f32
    %lt3A_346 = vector.broadcast %lt3A_345 : f32 to vector<32x3072xf32>
    %lt3A_347 = arith.cmpf olt, %abs3A_344, %lt3A_346 : vector<32x3072xf32>
    %mul3A_348 = arith.constant 5.000000e-01 : f32
    %mul3A_349 = vector.broadcast %mul3A_348 : f32 to vector<32x3072xf32>
    %mul3A_350 = arith.mulf %mul3A_349, %get3A_343 : vector<32x3072xf32>
    %mul3A_351 = arith.mulf %mul3A_350, %get3A_343 : vector<32x3072xf32>
    %sub3A_352 = arith.constant 5.000000e-01 : f32
    %sub3A_353 = vector.broadcast %sub3A_352 : f32 to vector<32x3072xf32>
    %sub3A_354 = arith.subf %abs3A_344, %sub3A_353 : vector<32x3072xf32>
    %select_n3A_355 = arith.select %lt3A_347, %mul3A_351, %sub3A_354 : vector<32x3072xi1>, vector<32x3072xf32>
    %add3A_356 = arith.addf %add3A_338, %select_n3A_355 : vector<32x3072xf32>
    %get3A_357 = arith.constant 2 : index
    %get3A_358 = arith.constant 0 : index
    %get3A_359 = arith.constant 0 : index
    %get3A_360 = vector.load %arg4[%get3A_357, %get3A_358, %get3A_359] : memref<4x32x3072xf32, #tpu.memory_space<vmem>>, vector<1x32x3072xf32>
    %get3A_361 = vector.shape_cast %get3A_360 : vector<1x32x3072xf32> to vector<32x3072xf32>
    %abs3A_362 = math.absf %get3A_361 : vector<32x3072xf32>
    %lt3A_363 = arith.constant 1.000000e+00 : f32
    %lt3A_364 = vector.broadcast %lt3A_363 : f32 to vector<32x3072xf32>
    %lt3A_365 = arith.cmpf olt, %abs3A_362, %lt3A_364 : vector<32x3072xf32>
    %mul3A_366 = arith.constant 5.000000e-01 : f32
    %mul3A_367 = vector.broadcast %mul3A_366 : f32 to vector<32x3072xf32>
    %mul3A_368 = arith.mulf %mul3A_367, %get3A_361 : vector<32x3072xf32>
    %mul3A_369 = arith.mulf %mul3A_368, %get3A_361 : vector<32x3072xf32>
    %sub3A_370 = arith.constant 5.000000e-01 : f32
    %sub3A_371 = vector.broadcast %sub3A_370 : f32 to vector<32x3072xf32>
    %sub3A_372 = arith.subf %abs3A_362, %sub3A_371 : vector<32x3072xf32>
    %select_n3A_373 = arith.select %lt3A_365, %mul3A_369, %sub3A_372 : vector<32x3072xi1>, vector<32x3072xf32>
    %add3A_374 = arith.addf %add3A_356, %select_n3A_373 : vector<32x3072xf32>
    %get3A_375 = arith.constant 3 : index
    %get3A_376 = arith.constant 0 : index
    %get3A_377 = arith.constant 0 : index
    %get3A_378 = vector.load %arg4[%get3A_375, %get3A_376, %get3A_377] : memref<4x32x3072xf32, #tpu.memory_space<vmem>>, vector<1x32x3072xf32>
    %get3A_379 = vector.shape_cast %get3A_378 : vector<1x32x3072xf32> to vector<32x3072xf32>
    %abs3A_380 = math.absf %get3A_379 : vector<32x3072xf32>
    %lt3A_381 = arith.constant 1.000000e+00 : f32
    %lt3A_382 = vector.broadcast %lt3A_381 : f32 to vector<32x3072xf32>
    %lt3A_383 = arith.cmpf olt, %abs3A_380, %lt3A_382 : vector<32x3072xf32>
    %mul3A_384 = arith.constant 5.000000e-01 : f32
    %mul3A_385 = vector.broadcast %mul3A_384 : f32 to vector<32x3072xf32>
    %mul3A_386 = arith.mulf %mul3A_385, %get3A_379 : vector<32x3072xf32>
    %mul3A_387 = arith.mulf %mul3A_386, %get3A_379 : vector<32x3072xf32>
    %sub3A_388 = arith.constant 5.000000e-01 : f32
    %sub3A_389 = vector.broadcast %sub3A_388 : f32 to vector<32x3072xf32>
    %sub3A_390 = arith.subf %abs3A_380, %sub3A_389 : vector<32x3072xf32>
    %select_n3A_391 = arith.select %lt3A_383, %mul3A_387, %sub3A_390 : vector<32x3072xi1>, vector<32x3072xf32>
    %add3A_392 = arith.addf %add3A_374, %select_n3A_391 : vector<32x3072xf32>
    %jit3A_393 = arith.constant 0.000000e+00 : f32
    %broadcast_in_dim3A_394 = vector.broadcast %jit3A_393 : f32 to vector<32x3072xf32>
    %select_n3A_395 = arith.select %and3A, %add3A_392, %broadcast_in_dim3A_394 : vector<32x3072xi1>, vector<32x3072xf32>
    %reduce_sum3A_396 = arith.constant dense<0.000000e+00> : vector<32xf32>
    %reduce_sum3A_397 = vector.multi_reduction <add>, %select_n3A_395, %reduce_sum3A_396 [1] : vector<32x3072xf32> to vector<32xf32>
    %eq3A_398 = arith.constant 0 : i32
    %eq3A_399 = arith.cmpi eq, %arg1, %eq3A_398 : i32
    %convert_element_type3A_400 = arith.extui %eq3A_399 : i1 to i32
    %cond3A = arith.constant 0 : i32
    %cond3A_401 = arith.cmpi ne, %convert_element_type3A_400, %cond3A : i32
    scf.if %cond3A_401 {
      %broadcast_in_dim3A_432 = arith.constant 0.000000e+00 : f32
      %broadcast_in_dim3A_433 = vector.broadcast %broadcast_in_dim3A_432 : f32 to vector<32x128xf32>
      %swap3A_434 = arith.constant 0 : index
      %swap3A_435 = arith.constant 0 : index
      %swap3A_436 = vector.load %arg7[%swap3A_434, %swap3A_435] : memref<32x128xf32, #tpu.memory_space<vmem>>, vector<32x128xf32>
      tpu.vector_store %arg7[%swap3A_434, %swap3A_435], %broadcast_in_dim3A_433 {strides = array<i32>} : memref<32x128xf32, #tpu.memory_space<vmem>>, vector<32x128xf32>,
      %broadcast_in_dim3A_437 = arith.constant 0.000000e+00 : f32
      %broadcast_in_dim3A_438 = vector.broadcast %broadcast_in_dim3A_437 : f32 to vector<32x128xf32>
      %swap3A_439 = arith.constant 0 : index
      %swap3A_440 = arith.constant 0 : index
      %swap3A_441 = vector.load %arg8[%swap3A_439, %swap3A_440] : memref<32x128xf32, #tpu.memory_space<vmem>>, vector<32x128xf32>
      tpu.vector_store %arg8[%swap3A_439, %swap3A_440], %broadcast_in_dim3A_438 {strides = array<i32>} : memref<32x128xf32, #tpu.memory_space<vmem>>, vector<32x128xf32>,
      %broadcast_in_dim3A_442 = arith.constant 0.000000e+00 : f32
      %broadcast_in_dim3A_443 = vector.broadcast %broadcast_in_dim3A_442 : f32 to vector<32x128xf32>
      %swap3A_444 = arith.constant 0 : index
      %swap3A_445 = arith.constant 0 : index
      %swap3A_446 = vector.load %arg9[%swap3A_444, %swap3A_445] : memref<32x128xf32, #tpu.memory_space<vmem>>, vector<32x128xf32>
      tpu.vector_store %arg9[%swap3A_444, %swap3A_445], %broadcast_in_dim3A_443 {strides = array<i32>} : memref<32x128xf32, #tpu.memory_space<vmem>>, vector<32x128xf32>,
    } else {
    }
    %get3A_402 = arith.constant 0 : index
    %get3A_403 = arith.constant 0 : index
    %get3A_404 = vector.load %arg7[%get3A_402, %get3A_403] : memref<32x128xf32, #tpu.memory_space<vmem>>, vector<32x128xf32>
    %broadcast_in_dim3A_405 = vector.shape_cast %reduce_sum3A_314 : vector<32xf32> to vector<32x1xf32>
    %broadcast_in_dim3A_406 = vector.shape_cast %broadcast_in_dim3A_405 : vector<32x1xf32> to vector<32x1xf32>
    %broadcast_in_dim3A_407 = vector.broadcast %broadcast_in_dim3A_406 : vector<32x1xf32> to vector<32x128xf32>
    %add3A_408 = arith.addf %get3A_404, %broadcast_in_dim3A_407 : vector<32x128xf32>
    %swap3A_409 = arith.constant 0 : index
    %swap3A_410 = arith.constant 0 : index
    %swap3A_411 = vector.load %arg7[%swap3A_409, %swap3A_410] : memref<32x128xf32, #tpu.memory_space<vmem>>, vector<32x128xf32>
    tpu.vector_store %arg7[%swap3A_409, %swap3A_410], %add3A_408 {strides = array<i32>} : memref<32x128xf32, #tpu.memory_space<vmem>>, vector<32x128xf32>,
    %get3A_412 = arith.constant 0 : index
    %get3A_413 = arith.constant 0 : index
    %get3A_414 = vector.load %arg8[%get3A_412, %get3A_413] : memref<32x128xf32, #tpu.memory_space<vmem>>, vector<32x128xf32>
    %broadcast_in_dim3A_415 = vector.shape_cast %reduce_sum3A_319 : vector<32xf32> to vector<32x1xf32>
    %broadcast_in_dim3A_416 = vector.shape_cast %broadcast_in_dim3A_415 : vector<32x1xf32> to vector<32x1xf32>
    %broadcast_in_dim3A_417 = vector.broadcast %broadcast_in_dim3A_416 : vector<32x1xf32> to vector<32x128xf32>
    %add3A_418 = arith.addf %get3A_414, %broadcast_in_dim3A_417 : vector<32x128xf32>
    %swap3A_419 = arith.constant 0 : index
    %swap3A_420 = arith.constant 0 : index
    %swap3A_421 = vector.load %arg8[%swap3A_419, %swap3A_420] : memref<32x128xf32, #tpu.memory_space<vmem>>, vector<32x128xf32>
    tpu.vector_store %arg8[%swap3A_419, %swap3A_420], %add3A_418 {strides = array<i32>} : memref<32x128xf32, #tpu.memory_space<vmem>>, vector<32x128xf32>,
    %get3A_422 = arith.constant 0 : index
    %get3A_423 = arith.constant 0 : index
    %get3A_424 = vector.load %arg9[%get3A_422, %get3A_423] : memref<32x128xf32, #tpu.memory_space<vmem>>, vector<32x128xf32>
    %broadcast_in_dim3A_425 = vector.shape_cast %reduce_sum3A_397 : vector<32xf32> to vector<32x1xf32>
    %broadcast_in_dim3A_426 = vector.shape_cast %broadcast_in_dim3A_425 : vector<32x1xf32> to vector<32x1xf32>
    %broadcast_in_dim3A_427 = vector.broadcast %broadcast_in_dim3A_426 : vector<32x1xf32> to vector<32x128xf32>
    %add3A_428 = arith.addf %get3A_424, %broadcast_in_dim3A_427 : vector<32x128xf32>
    %swap3A_429 = arith.constant 0 : index
    %swap3A_430 = arith.constant 0 : index
    %swap3A_431 = vector.load %arg9[%swap3A_429, %swap3A_430] : memref<32x128xf32, #tpu.memory_space<vmem>>, vector<32x128xf32>
    tpu.vector_store %arg9[%swap3A_429, %swap3A_430], %add3A_428 {strides = array<i32>} : memref<32x128xf32, #tpu.memory_space<vmem>>, vector<32x128xf32>,
    return
  }
  func.func @transform_0(%arg0: i32, %arg1: i32) -> (i32, i32, i32) {
    %c0_i32 = arith.constant 0 : i32
    %c0_i32_0 = arith.constant 0 : i32
    return %c0_i32, %arg0, %arg1 : i32, i32, i32
  }
  func.func @transform_1(%arg0: i32, %arg1: i32) -> (i32, i32) {
    %c0_i32 = arith.constant 0 : i32
    return %arg0, %arg1 : i32, i32
  }
  func.func @transform_2(%arg0: i32, %arg1: i32) -> (i32, i32, i32) {
    %c0_i32 = arith.constant 0 : i32
    %c0_i32_0 = arith.constant 0 : i32
    return %c0_i32, %arg0, %arg1 : i32, i32, i32
  }
  func.func @transform_3(%arg0: i32, %arg1: i32) -> (i32, i32) {
    %c0_i32 = arith.constant 0 : i32
    return %arg0, %arg1 : i32, i32
  }
  func.func @transform_4(%arg0: i32, %arg1: i32) -> (i32, i32) {
    %c0_i32 = arith.constant 0 : i32
    return %arg0, %arg1 : i32, i32
  }
  func.func @transform_5(%arg0: i32, %arg1: i32) -> (i32, i32) {
    %c0_i32 = arith.constant 0 : i32
    %c0_i32_0 = arith.constant 0 : i32
    return %arg0, %c0_i32 : i32, i32
  }
  func.func @transform_6(%arg0: i32, %arg1: i32) -> (i32, i32) {
    %c0_i32 = arith.constant 0 : i32
    %c0_i32_0 = arith.constant 0 : i32
    return %arg0, %c0_i32 : i32, i32
  }
  func.func @transform_7(%arg0: i32, %arg1: i32) -> (i32, i32) {
    %c0_i32 = arith.constant 0 : i32
    %c0_i32_0 = arith.constant 0 : i32
    return %arg0, %c0_i32 : i32, i32
  }
}

</mosaic_0001>

<sc_bundles>
// kernel: kernel.5.cloned.1.call-start
scs
__scs_entry_jumppad:
0x0: {  	(pc) =	sbr.rel $0x88, $3  }
0x1: {  	(tag) =	ssettag $0x0;
	lr =	simm.s32 $0x1  }
0x2: {  	[smem:$0x3F9D] =	sst lr;
	_ =	strace $0xD0000000  }
0x3: {  	_ = 	snop  }
0x4: {  	_ = 	snop  }
0x5: {  	_ = 	snop  }
0x6: {  	_ = 	snop  }
0x7: {  	_ = 	snop  }
__scs_overlays_trampoline_lowered:
0x8: {  	[smem:$0x3FAC] =	sst s0  }
0x9: {  	[smem:$0x3FAD] =	sst s1  }
0xa: {  	[smem:$0x3FAE] =	sst s2  }
0xb: {  	[smem:$0x3FAF] =	sst s3  }
0xc: {  	[smem:$0x3FB0] =	sst s4  }
0xd: {  	[smem:$0x3FB1] =	sst s5  }
0xe: {  	[smem:$0x3FB2] =	sst s6  }
0xf: {  	[smem:$0x3FB3] =	sst s7  }
0x10: {  	[smem:$0x3FB4] =	sst s8  }
0x11: {  	[smem:$0x3FB5] =	sst s9;
	s0 =	simm.s32 @!p0 $0x0  }
0x12: {  	s1 =	sld [smem:$0x3F9B];
	s0 =	simm.s32 @p0 $0x1  }
0x13: {  	[smem:$0x3FB6] =	sst s0;
	s0 =	simm.s32 @!p1 $0x0  }
0x14: {  	s2 =	sld [smem:$0x3F9A];
	s0 =	simm.s32 @p1 $0x1  }
0x15: {  	[smem:$0x3FB7] =	sst s0;
	s0 =	simm.s32 @!p2 $0x0  }
0x16: {  	s3 =	sld [smem:$0x3FDB];
	s0 =	simm.s32 @p2 $0x1  }
0x17: {  	s4 =	simm.s32 $0x1BF5;
	[smem:$0x3FB9] =	sst s0  }
0x18: {  	s0 =	sld [smem:$0x3F9C];
	_ =	swait.ge [sflag:s4], $0x0  }
0x19: {  	s7 =	sld [smem:$0x3F9D]  }
0x1a: {  	s8 =	sadd.s32 $0xFFFFE003, lr  }
0x1b: {  	s9 =	sadd.s32 $0xFFFFFEF7, lr;
	s5 =	simm.s32 $0xFFFFFFFF;
	p2 =	slt.u32 s8, $0xFFFFF086  }
0x1c: {  	p1 =	slt.u32 s9, $0xF7A;
	s5 =	simm.s32 @!p2 $0x0  }
0x1d: {  	s5 =	simm.s32 @p1 $0x1;
	p0 =	seq.s32 s7, s2  }
0x1e: {  	s7 =	smul.u32 @!p0 $0xF7A, s2;
	p2 =	seq.s32 @!p0 s5, $0x0  }
0x1f: {  	s9 =	smul.u32 $0xF7A, s1;
	s8 =	simm.s32 @!p0 $0x1BF5;
	p2 =	por !p2, p0  }
0x20: {  	[sflag:s8] =	ssyncset.s32 @!p0 $0xFFFFF086;
	s6 =	sadd.s32 @!p0 s3, s7;
	s7 =	simm.s32 @!p0 $0x108  }
0x21: {  	s3 =	sadd.s32 s3, s9;
	s6 =	sadd.s32 @!p0 $0x88, s6;
	s7 =	simm.s32 @p2 $0x1082  }
0x22: {  	[simem:s7], [sflag:s8] =	dma.local @!p0 [hbm:s6], $0xF7A  }
0x23: {  	s9 =	sor.u32 $0xD0000000, s2;
	s6 =	simm.s32 $0x108;
	_ =	swait.ge @!p0 [sflag:s8], $0x0  }
0x24: {  	s3 =	sadd.s32 $0x88, s3;
	s6 =	simm.s32 @!p1 $0x1082;
	[sflag:s4] =	ssyncset.s32 $0xFFFFF086  }
0x25: {  	[simem:s6], [sflag:s4] =	dma.local [hbm:s3], $0xF7A  }
0x26: {  	[smem:$0x3F9D] =	sst s1;
	(tag) =	ssettag s2;
	_ =	strace s9  }
0x27: {  	s1 =	sld [smem:$0x3FAD]  }
0x28: {  	s2 =	sld [smem:$0x3FAE]  }
0x29: {  	s4 =	sld [smem:$0x3FB0]  }
0x2a: {  	p0 =	seq.s32 s5, $0x0;
	s5 =	sld [smem:$0x3FB1]  }
0x2b: {  	s6 =	sld [smem:$0x3FB2]  }
0x2c: {  	s7 =	sld [smem:$0x3FB3]  }
0x2d: {  	s3 =	simm.s32 $0x108;
	s8 =	sld [smem:$0x3FB4]  }
0x2e: {  	s3 =	simm.s32 @!p0 $0x1082;
	s9 =	sld [smem:$0x3FB5]  }
0x2f: {  	lr =	sadd.s32 s0, s3;
	s0 =	sld [smem:$0x3FAC]  }
0x30: {  	s3 =	sld [smem:$0x3FAF]  }
0x31: {  	[smem:$0x3FB8] =	sst s10  }
0x32: {  	s10 =	sld [smem:$0x3FB6];
	_ =	sdelay $0x3  }
0x33: {  	p0 =	seq.s32 s10, $0x1;
	s10 =	sld [smem:$0x3FB8];
	_ =	sdelay $0x3  }
0x34: {  	[smem:$0x3FB8] =	sst s10  }
0x35: {  	s10 =	sld [smem:$0x3FB7];
	_ =	sdelay $0x3  }
0x36: {  	p1 =	seq.s32 s10, $0x1;
	s10 =	sld [smem:$0x3FB8];
	_ =	sdelay $0x3  }
0x37: {  	[smem:$0x3FB8] =	sst s10  }
0x38: {  	s10 =	sld [smem:$0x3FB9]  }
0x39: {  	_ = 	snop;
	(pc) =	sbr.ind lr, $3  }
0x3a: {  	_ = 	snop  }
0x3b: {  	_ = 	snop  }
0x3c: {  	p2 =	seq.s32 s10, $0x1;
	s10 =	sld [smem:$0x3FB8]  }
0x3d: {  	_ =	shalt  }
0x3e: {  	_ =	shalt  }
0x3f: {  	_ =	shalt  }
0x40: {  	_ =	shalt  }
0x41: {  	_ =	shalt  }
0x42: {  	_ =	shalt  }
0x43: {  	_ =	shalt  }
0x44: {  	_ =	shalt  }
0x45: {  	_ =	shalt  }
0x46: {  	_ =	shalt  }
0x47: {  	_ =	shalt  }
0x48: {  	_ =	shalt  }
0x49: {  	_ =	shalt  }
0x4a: {  	_ =	shalt  }
0x4b: {  	_ =	shalt  }
0x4c: {  	_ =	shalt  }
0x4d: {  	_ =	shalt  }
0x4e: {  	_ =	shalt  }
0x4f: {  	_ =	shalt  }
0x50: {  	_ =	shalt  }
0x51: {  	_ =	shalt  }
0x52: {  	_ =	shalt  }
0x53: {  	_ =	shalt  }
0x54: {  	_ =	shalt  }
0x55: {  	_ =	shalt  }
0x56: {  	_ =	shalt  }
0x57: {  	_ =	shalt  }
0x58: {  	_ =	shalt  }
0x59: {  	_ =	shalt  }
0x5a: {  	_ =	shalt  }
0x5b: {  	_ =	shalt  }
0x5c: {  	_ =	shalt  }
0x5d: {  	_ =	shalt  }
0x5e: {  	_ =	shalt  }
0x5f: {  	_ =	shalt  }
0x60: {  	_ =	shalt  }
0x61: {  	_ =	shalt  }
0x62: {  	_ =	shalt  }
0x63: {  	_ =	shalt  }
0x64: {  	_ =	shalt  }
0x65: {  	_ =	shalt  }
0x66: {  	_ =	shalt  }
0x67: {  	_ =	shalt  }
0x68: {  	_ =	shalt  }
0x69: {  	_ =	shalt  }
0x6a: {  	_ =	shalt  }
0x6b: {  	_ =	shalt  }
0x6c: {  	_ =	shalt  }
0x6d: {  	_ =	shalt  }
0x6e: {  	_ =	shalt  }
0x6f: {  	_ =	shalt  }
0x70: {  	_ =	shalt  }
0x71: {  	_ =	shalt  }
0x72: {  	_ =	shalt  }
0x73: {  	_ =	shalt  }
0x74: {  	_ =	shalt  }
0x75: {  	_ =	shalt  }
0x76: {  	_ =	shalt  }
0x77: {  	_ =	shalt  }
0x78: {  	_ =	shalt  }
0x79: {  	_ =	shalt  }
0x7a: {  	_ =	shalt  }
0x7b: {  	_ =	shalt  }
0x7c: {  	_ =	shalt  }
0x7d: {  	_ =	shalt  }
0x7e: {  	_ =	shalt  }
0x7f: {  	_ =	shalt  }
0x80: {  	_ =	shalt  }
0x81: {  	_ =	shalt  }
0x82: {  	_ =	shalt  }
0x83: {  	_ =	shalt  }
0x84: {  	_ =	shalt  }
0x85: {  	_ =	shalt  }
0x86: {  	_ =	shalt  }
0x87: {  	_ =	shalt  }
.Lfunc_end0:
.L_simem_size_0:
called_computation_lowered:
.L_overlay_start_0:
0x88: {  	s2 =	sld [smem:$0x3FD9]  }
0x89: {  	s3 =	sld [smem:$0x3FFE];
	_ =	sdelay $0x1  }
0x8a: {  	s1 =	srdreg.scid  }
0x8b: {  	s0 =	sand.u32 $0x1, s1  }
0x8c: {  	s16 =	sshll.u32 s0, $0xA;
	s2 =	sadd.s32 s3, s2  }
0x8d: {  	s2 =	sadd.s32 s2, s16  }
0x8e: {  	[smem:$0x3FC4] =	sst s2  }
0x8f: {  	_ = 	snop  }
0x90: {  	(tm) =	ssettm $0x1  }
0x91: {  	s17 =	sld [smem:$0x3FFB];
	_ =	sdelay $0x3  }
0x92: {  	_ =	strace s17  }
0x93: {  	s2 =	sld [smem:$0x3FFC];
	_ =	sdelay $0x3  }
0x94: {  	_ =	strace s2  }
0x95: {  	s2 =	sld [smem:$0x3FFD];
	_ =	sdelay $0x3  }
0x96: {  	_ =	strace s2  }
0x97: {  	_ =	strace $0x8FFFFFFF  }
0x98: {  	s18 =	sld [smem:$0x3FDB];
	_ =	sdelay $0x1  }
0x99: {  	s19 =	simm.s32 $_scs_section_size  }
0x9a: {  	s4 =	simm.s32 $_size__tile_overlayer_lowered;
	s5 =	simm.s32 $_tile_overlayer_lowered  }
0x9b: {  	s22 =	simm.s32 $0x1BFF;
	s21 =	sshll.u32 s5, $0x1;
	s2 =	sadd.s32 s19, s18  }
0x9c: {  	s6 =	simm.s32 $0x0;
	s20 =	sshll.u32 s4, $0x1;
	s4 =	sadd.s32 s21, s2  }
0x9d: {  	[timem:s6], [sflag:s22] =	dma.local [hbm:s4], s20  }
0x9e: {  	_ =	swait.ge [sflag:s22], s20  }
0x9f: {  	s3 =	ssub.s32 $0x0, s20;
	[sflag:s22] =	ssyncset.done $0x0  }
0xa0: {  	[sflag:s22] =	ssyncadd.s32 s3;
	_ =	sdelay $0x1  }
0xa1: {  	s23 =	simm.s32 $0x1B8B  }
0xa2: {  	_ =	swait.ge [sflag:s23], $0x1  }
0xa3: {  	[sflag:s23] =	ssyncset.done $0x0  }
0xa4: {  	s25 =	simm.s32 $0x1B8E;
	s24 =	sld [smem:$0x3FFE];
	[sflag:s23] =	ssyncadd.s32 $0xFFFFFFFF  }
0xa5: {  	s26 =	simm.s32 $execute0_lowered;
	[smem:$0x3FD2] =	sst s25  }
0xa6: {  	s4 =	sshll.u32 s26, $0x1;
	_ =	strace $0x80000046;
	[dreg:$0x1] =	wrdreg $0xFFFFFFFF  }
0xa7: {  	s28 =	simm.s32 $_size_execute0_lowered;
	s2 =	sadd.s32 s2, s4;
	[dreg:$0x0] =	wrdreg $0x0  }
0xa8: {  	s4 =	sshll.u32 s28, $0x1;
	[dreg:$0x2] =	wrdreg s2  }
0xa9: {  	[dreg:$0x3] =	wrdreg s4  }
0xaa: {  	[dreg:$0x4] =	wrdreg $0xC0  }
0xab: {  	_ =	task [dreg:s6], $0x5FFFF  }
0xac: {  	[dreg:$0x1] =	wrdreg $0xFFFFFFFF  }
0xad: {  	[dreg:$0x0] =	wrdreg $0x60  }
0xae: {  	[dreg:$0x2] =	wrdreg s24  }
0xaf: {  	[dreg:$0x3] =	wrdreg $0x9  }
0xb0: {  	_ =	task.clear_ibuf [dreg:s6], $0x4FFFF;
	_ =	strace $0x90000046  }
0xb1: {  	s29 =	simm.s32 $0x9;
	_ =	strace $0x80000048  }
0xb2: {  	_ =	swait.ge [sflag:s29], $0x1  }
0xb3: {  	[sflag:s29] =	ssyncadd.s32 $0xFFFFFFFF  }
0xb4: {  	_ =	strace $0x90000048  }
0xb5: {  	_ =	sfence  }
0xb6: {  	s30 =	sld [smem:$0x0];
	_ =	sdelay $0x2  }
0xb7: {  	s31 =	sshll.u32 s1, $0xD;
	s1 =	sshrl.u32 s1, $0x2  }
0xb8: {  	s3 =	sand.u32 $0x4000, s31;
	s1 =	sadd.s32 s1, s30  }
0xb9: {  	s0 =	sor.u32 s3, s0;
	s1 =	sshll.u32 s1, $0x11  }
0xba: {  	s0 =	sor.u32 s1, s0  }
0xbb: {  	s0 =	sadd.s32 $0x8F2B, s0  }
0xbc: {  	[sflag:s0] =	ssyncadd.remote.s32 $0x1  }
0xbd: {  	_ =	sfence.sel $0xFFFF  }
0xbe: {  	[dreg:$0x0] =	wrdreg $0xFFFFFFFF;
	(pc) =	sbr.abs _section_cstart, $3  }
0xbf: {  	[dreg:$0x1] =	wrdreg $0xFFFFFFFF  }
0xc0: {  	_ =	task.clear_ibuf [dreg:s6], $0x2FFFF;
	_ =	strace $0x9FFFFFFF  }
0xc1: {  	(tm) =	ssettm $0x7FFFFFFF  }
tec
execute0_lowered:
.L_overlay_start_1:
0x0: {  	(tag) =	ssettag $0x1  }
0x1: {  	s0 =	rddreg [dreg:$0x0]  }
0x2: {  	s1 =	simm.s32 $0x0;
	s3 =	srdreg.scid;
	s6 =	stileid.u32  }
0x3: {  	[smem:$0x7FF] =	sst s1;
	s2 =	sadd.s32 $0x1400, s0;
	s5 =	sadd.s32 $0x13400, s0  }
0x4: {  	s3 =	sand.u32 $0x1, s3;
	s4 =	sshll.u32 s6, $0x9;
	s6 =	sshrl.u32 s6, $0x1  }
0x5: {  	s9 =	sadd.s32 $0x25400, s0;
	s0 =	sadd.s32 $0x25800, s0;
	s7 =	sshll.u32 s3, $0x8  }
0x6: {  	s4 =	sand.u32 $0x200, s4;
	s8 =	smul.u32 $0x12000, s6;
	s3 =	ssub.s32 $0x2, s3  }
0x7: {  	_ =	strace $0x80000047;
	s4 =	sor.u32 s7, s4;
	s21 =	sshrl.u32 s3, $0x1  }
0x8: {  	s6 =	sshll.u32 s6, $0xA;
	s10 =	sor.u32 s8, s4;
	s11 =	ssub.s32 s3, s21  }
0x9: {  	s23 =	sor.u32 s6, s4;
	s12 =	sor.u32 $0x80, s4;
	s22 =	sshrl.u32 s10, $0x3  }
0xa: {  	s10 =	sshrl.u32 s23, $0x3;
	s24 =	sor.u32 s8, s12;
	s25 =	sor.u32 s6, s12  }
0xb: {  	s31 =	smax.u32 s11, $0x1;
	s23 =	simm.s32 $0x40000000;
	s3 =	sadd.s32 s2, s22  }
0xc: {  	s4 =	sadd.s32 s5, s22;
	s26 =	sadd.s32 s9, s10;
	s7 =	sshrl.u32 s24, $0x3  }
.Ltmp0:
0xd: {  	s30 =	sadd.s32 s0, s10;
	[dreg:$0x6] =	wrdreg s31;
	(pc) =	sbr.rel .LBB2_1-.Ltmp0, $4  }
0xe: {  	s28 =	sshrl.u32 s25, $0x3;
	s24 =	simm.s32 $0x9100;
	[dreg:$0x4] =	wrdreg s30  }
0xf: {  	s25 =	simm.s32 $0x3;
	s29 =	sadd.s32 s9, s28;
	[dreg:$0x2] =	wrdreg s26  }
0x10: {  	s6 =	sadd.s32 s2, s7;
	s0 =	sadd.s32 s0, s28;
	[dreg:$0x3] =	wrdreg s29  }
0x11: {  	v0 =	vimm.s32 $0x0;
	s7 =	sadd.s32 s5, s7;
	s9 =	simm.s32 $0x0;
	[dreg:$0x5] =	wrdreg s0  }
.LBB2_23:
0x12: {  	s0 =	sadd.f32 s2, s0;
	_ =	sdelay $0x1  }
0x13: {  	s0 =	sadd.f32 s0, s5;
	_ =	sdelay $0x1  }
0x14: {  	s0 =	sadd.f32 s0, s8;
	_ =	sdelay $0x1  }
0x15: {  	s0 =	sadd.f32 s0, s9;
	_ =	sdelay $0x1  }
0x16: {  	s0 =	sadd.f32 s0, s10;
	_ =	sdelay $0x1  }
0x17: {  	s0 =	sadd.f32 s0, s11;
	_ =	sdelay $0x1  }
0x18: {  	s0 =	sadd.f32 s0, s12;
	_ =	sdelay $0x1  }
0x19: {  	s0 =	sadd.f32 s0, s13;
	_ =	sdelay $0x1  }
0x1a: {  	s0 =	sadd.f32 s0, s14;
	_ =	sdelay $0x1  }
0x1b: {  	s0 =	sadd.f32 s0, s15;
	_ =	sdelay $0x1  }
0x1c: {  	s0 =	sadd.f32 s0, s16;
	_ =	sdelay $0x1  }
0x1d: {  	s0 =	sadd.f32 s0, s17;
	_ =	sdelay $0x1  }
0x1e: {  	s0 =	sadd.f32 s0, s18;
	_ =	sdelay $0x1  }
0x1f: {  	s0 =	sadd.f32 s0, s20  }
0x20: {  	s2 =	simm.f32 $0.0e+00;
	s9 =	rddreg [dreg:$0x7]  }
0x21: {  	s5 =	simm.f32 $0.0e+00;
	s8 =	simm.f32 $1.000000000e+00;
	s0 =	sadd.f32 s0, s21  }
.LBB2_31:
0x22: {  	v1 =	vmov s8  }
0x23: {  	v1 =	vmax.f32 v1, $1.000000000e+00  }
0x24: {  	v1 =	vbroadcast v1, $0x0;
	_ =	sdelay $0x1  }
0x25: {  	(erf) = vrcp.f32 v1;
	_ =	sdelay $0x2  }
0x26: {  	v2 =	vmov s2;
	v1 =	vmov s5  }
0x27: {  	v2 =	vadd.f32 $0.0e+00, v2;
	v1 =	vadd.f32 $0.0e+00, v1;
	_ =	sdelay $0x1  }
0x28: {  	v1 =	vmul.f32 v2, v1  }
0x29: {  	v2 =	vmov s0  }
0x2a: {  	v2 =	vadd.f32 $0.0e+00, v2;
	v1 =	vbroadcast v1, $0x0  }
0x2b: {  	v3 =	vpop (erf)  }
0x2c: {  	v2 =	vbroadcast v2, $0x0;
	v1 =	vmul.f32 v3, v1;
	_ =	sdelay $0x1  }
0x2d: {  	v1 =	vadd.f32 v1, v2;
	_ =	sdelay $0x1  }
0x2e: {  	s30 =	rddreg [dreg:$0x5];
	[tilespmem:$0x9100] =	vst v1  }
0x2f: {  	[hbm4b:s30+s1] =	stream.linear.scatter [tilespmem:s24], [sflag:$0x3], $0x80, $0x38;
	[tilespmem:$0x9180] =	vst v63  }
0x30: {  	_ =	swait.ge [sflag:s25], $0x80  }
0x31: {  	s9 =	sadd.s32 $0x1, s9;
	s31 =	rddreg [dreg:$0x6]  }
0x32: {  	p0 =	sne.s32 s9, s31  }
.Ltmp1:
0x33: {  	_ = 	snop;
	(pc) =	sbr.rel @!p0 .LBB2_32-.Ltmp1, $3  }
0x34: {  	_ =	sdelay $0x1  }
0x35: {  	[sflag:s25] =	ssyncset.done $0x0  }
0x36: {  	[sflag:s25] =	ssyncadd.s32 $0xFFFFFF80  }
.LBB2_1:
0x37: {  	[dreg:$0x7] =	wrdreg s9;
	s0 =	simm.s32 $0x80  }
0x38: {  	s8 =	sadd.s32 $0x0, s3;
	s2 =	simm.s32 $0x100;
	s5 =	simm.s32 $0x0  }
.LBB2_2:
0x39: {  	[tilespmem:s5], [sflag:$0x1] =	stream.linear.gather [hbm4b:s8+s1], $0x80, $0x38;
	[tilespmem:$0x9180] =	vst v63  }
0x3a: {  	s8 =	smov.u32 s0;
	s5 =	smov.u32 s2;
	p0 =	sne.s32 s0, $0x2380  }
.Ltmp2:
0x3b: {  	s0 =	sadd.s32 $0x80, s0;
	(pc) =	sbr.rel @p0 .LBB2_2-.Ltmp2, $2  }
0x3c: {  	_ =	sdelay $0x2  }
0x3d: {  	s2 =	sadd.s32 $0x100, s2;
	s8 =	sadd.s32 s8, s3  }
0x3e: {  	[tilespmem:s5], [sflag:$0x1] =	stream.linear.gather [hbm4b:s8+s1], $0x80, $0x38;
	[tilespmem:$0x9180] =	vst v63  }
0x3f: {  	s0 =	simm.s32 $0x4800  }
0x40: {  	s2 =	simm.s32 $0x80;
	s8 =	sadd.s32 $0x0, s4;
	s5 =	simm.s32 $0x4900  }
.LBB2_4:
0x41: {  	[tilespmem:s0], [sflag:$0x1] =	stream.linear.gather [hbm4b:s8+s1], $0x80, $0x38;
	[tilespmem:$0x9180] =	vst v63  }
0x42: {  	s8 =	smov.u32 s2;
	s0 =	smov.u32 s5;
	p0 =	sne.s32 s2, $0x2380  }
.Ltmp3:
0x43: {  	s2 =	sadd.s32 $0x80, s2;
	(pc) =	sbr.rel @p0 .LBB2_4-.Ltmp3, $2  }
0x44: {  	_ =	sdelay $0x2  }
0x45: {  	s5 =	sadd.s32 $0x100, s5;
	s8 =	sadd.s32 s8, s4  }
0x46: {  	[tilespmem:s0], [sflag:$0x1] =	stream.linear.gather [hbm4b:s8+s1], $0x80, $0x38;
	[tilespmem:$0x9180] =	vst v63  }
0x47: {  	s31 =	simm.s32 $0x0;
	s2 =	simm.s32 $0x9000;
	s0 =	simm.s32 $0x80  }
0x48: {  	[tilespmem:s2], [sflag:$0x1] =	stream.linear.gather [hbm4b:s26+s31], $0x80, $0x38;
	[tilespmem:$0x9180] =	vst v63  }
0x49: {  	s8 =	sadd.s32 $0x0, s6;
	s5 =	simm.s32 $0x180;
	s2 =	simm.s32 $0x80  }
.LBB2_6:
0x4a: {  	[tilespmem:s0], [sflag:$0x2] =	stream.linear.gather [hbm4b:s8+s1], $0x80, $0x38;
	[tilespmem:$0x9180] =	vst v63  }
0x4b: {  	s8 =	smov.u32 s2;
	s0 =	smov.u32 s5;
	p0 =	sne.s32 s2, $0x2380  }
.Ltmp4:
0x4c: {  	s2 =	sadd.s32 $0x80, s2;
	(pc) =	sbr.rel @p0 .LBB2_6-.Ltmp4, $2  }
0x4d: {  	_ =	sdelay $0x2  }
0x4e: {  	s5 =	sadd.s32 $0x100, s5;
	s8 =	sadd.s32 s8, s6  }
0x4f: {  	[tilespmem:s0], [sflag:$0x2] =	stream.linear.gather [hbm4b:s8+s1], $0x80, $0x38;
	[tilespmem:$0x9180] =	vst v63  }
0x50: {  	s0 =	simm.s32 $0x4880  }
0x51: {  	s2 =	simm.s32 $0x80;
	s8 =	sadd.s32 $0x0, s7;
	s5 =	simm.s32 $0x4980  }
.LBB2_8:
0x52: {  	[tilespmem:s0], [sflag:$0x2] =	stream.linear.gather [hbm4b:s8+s1], $0x80, $0x38;
	[tilespmem:$0x9180] =	vst v63  }
0x53: {  	s8 =	smov.u32 s2;
	s0 =	smov.u32 s5;
	p0 =	sne.s32 s2, $0x2380  }
.Ltmp5:
0x54: {  	s2 =	sadd.s32 $0x80, s2;
	(pc) =	sbr.rel @p0 .LBB2_8-.Ltmp5, $2  }
0x55: {  	_ =	sdelay $0x2  }
0x56: {  	s5 =	sadd.s32 $0x100, s5;
	s8 =	sadd.s32 s8, s7  }
0x57: {  	[tilespmem:s0], [sflag:$0x2] =	stream.linear.gather [hbm4b:s8+s1], $0x80, $0x38;
	[tilespmem:$0x9180] =	vst v63  }
0x58: {  	s29 =	simm.s32 $0x0  }
0x59: {  	s2 =	rddreg [dreg:$0x3];
	s5 =	simm.s32 $0x9080;
	s30 =	simm.s32 $0x1  }
0x5a: {  	[tilespmem:s5], [sflag:$0x2] =	stream.linear.gather [hbm4b:s2+s29], $0x80, $0x38;
	[tilespmem:$0x9180] =	vst v63  }
0x5b: {  	_ =	swait.ge [sflag:s30], $0x2400  }
0x5c: {  	[sflag:s30] =	ssyncset.done $0x0  }
0x5d: {  	[sflag:s30] =	ssyncadd.s32 $0xFFFFDC00  }
0x5e: {  	_ =	swait.ge [sflag:s30], $0x2400  }
0x5f: {  	[sflag:s30] =	ssyncset.done $0x0  }
0x60: {  	[sflag:s30] =	ssyncadd.s32 $0xFFFFDC00  }
0x61: {  	_ =	swait.ge [sflag:s30], $0x80  }
0x62: {  	[sflag:s30] =	ssyncset.done $0x0  }
0x63: {  	[sflag:s30] =	ssyncadd.s32 $0xFFFFFF80  }
0x64: {  	s31 =	simm.s32 $0x0;
	v1 =	vld [tilespmem:$0x9000]  }
0x65: {  	v2 =	vld [tilespmem:s31+$0x70]  }
0x66: {  	v3 =	vld [tilespmem:s31+$0x60]  }
0x67: {  	v4 =	vld [tilespmem:s31+$0x50]  }
0x68: {  	v5 =	vld [tilespmem:s31+$0x0]  }
0x69: {  	v6 =	vld [tilespmem:s31+$0x4800]  }
0x6a: {  	v7 =	vld [tilespmem:s31+$0x10]  }
0x6b: {  	v8 =	vld [tilespmem:s31+$0x4810]  }
0x6c: {  	v9 =	vld [tilespmem:s31+$0x20]  }
0x6d: {  	vm4 =	vgt.s32 v5, $0xFFFFFFFF;
	v5 =	vld [tilespmem:s31+$0x4820]  }
0x6e: {  	v10 =	vimm.f32 $0.0e+00;
	v11 =	vld [tilespmem:s31+$0x30];
	v6 =	vnsel vm4, $0x0, v6  }
0x6f: {  	vm5 =	vgt.s32 v7, $0xFFFFFFFF;
	v7 =	vld [tilespmem:s31+$0x4830];
	v6 =	vadd.f32 v6, v10  }
0x70: {  	v8 =	vnsel vm5, $0x0, v8;
	v10 =	vld [tilespmem:s31+$0x40]  }
0x71: {  	s20 =	simm.s32 $0x100;
	vm6 =	vgt.s32 v9, $0xFFFFFFFF;
	v6 =	vadd.f32 v8, v6;
	v8 =	vld [tilespmem:s31+$0x4840]  }
0x72: {  	vm0 =	vgt.s32 v2, $0xFFFFFFFF;
	v2 =	vld [tilespmem:s20+$0x70];
	v12 =	vnsel vm6, $0x0, v5  }
0x73: {  	v9 =	vimm.s32 $0x0;
	vm3 =	vgt.s32 v11, $0xFFFFFFFF;
	v12 =	vadd.f32 v12, v6;
	v6 =	vld [tilespmem:s31+$0x4850]  }
0x74: {  	vm2 =	vgt.s32 v4, $0xFFFFFFFF;
	vm1 =	vgt.s32 v3, $0xFFFFFFFF;
	v3 =	vld [tilespmem:s20+$0x60];
	v7 =	vnsel vm3, $0x0, v7  }
0x75: {  	v4 =	vsel vm4, $0x1, v0;
	vm4 =	vgt.s32 v10, $0xFFFFFFFF;
	v11 =	vadd.f32 v7, v12;
	v7 =	vld [tilespmem:s31+$0x4860]  }
0x76: {  	v9 =	vadd.s32 v4, v9;
	v4 =	vld [tilespmem:s20+$0x50];
	v10 =	vsel vm5, $0x1, v0;
	v8 =	vnsel vm4, $0x0, v8  }
0x77: {  	s0 =	simm.s32 $0x800;
	v5 =	vld [tilespmem:s31+$0x4870];
	v9 =	vadd.s32 v10, v9;
	v10 =	vsel vm6, $0x1, v0;
	v8 =	vadd.f32 v8, v11  }
.LBB2_10:
0x78: {  	p0 =	sne.s32 s0, $0x11C00;
	v11 =	vld [tilespmem:s20+$0x0];
	v9 =	vadd.s32 v10, v9;
	v10 =	vsel vm3, $0x1, v0;
	v6 =	vnsel vm2, $0x0, v6  }
0x79: {  	v12 =	vld [tilespmem:s20+$0x4800];
	v9 =	vadd.s32 v10, v9;
	v10 =	vsel vm4, $0x1, v0;
	v6 =	vadd.f32 v6, v8  }
0x7a: {  	v8 =	vld [tilespmem:s20+$0x10];
	v9 =	vadd.s32 v10, v9;
	v10 =	vsel vm2, $0x1, v0;
	v7 =	vnsel vm1, $0x0, v7  }
0x7b: {  	v13 =	vld [tilespmem:s20+$0x4810];
	v9 =	vadd.s32 v10, v9;
	v10 =	vsel vm1, $0x1, v0;
	v6 =	vadd.f32 v7, v6  }
0x7c: {  	v5 =	vnsel vm0, $0x0, v5;
	v7 =	vld [tilespmem:s20+$0x20];
	v9 =	vadd.s32 v10, v9;
	v10 =	vsel vm0, $0x1, v0  }
0x7d: {  	vm4 =	vgt.s32 v11, $0xFFFFFFFF;
	v11 =	vld [tilespmem:s20+$0x4820];
	v9 =	vadd.s32 v10, v9;
	v5 =	vadd.f32 v5, v6  }
0x7e: {  	v6 =	vnsel vm4, $0x0, v12;
	v10 =	vld [tilespmem:s20+$0x30]  }
0x7f: {  	v5 =	vadd.f32 v6, v5;
	vm5 =	vgt.s32 v8, $0xFFFFFFFF;
	v8 =	vld [tilespmem:s20+$0x4830]  }
0x80: {  	v6 =	vnsel vm5, $0x0, v13;
	v12 =	vld [tilespmem:s20+$0x40]  }
0x81: {  	v6 =	vadd.f32 v6, v5;
	vm6 =	vgt.s32 v7, $0xFFFFFFFF;
	v13 =	vld [tilespmem:s20+$0x4840]  }
0x82: {  	v7 =	vnsel vm6, $0x0, v11;
	v5 =	vld [tilespmem:s20+$0x4870]  }
.Ltmp6:
0x83: {  	s2 =	sshra.s32 s0, $0x2;
	vm0 =	vgt.s32 v2, $0xFFFFFFFF;
	v7 =	vadd.f32 v7, v6;
	vm3 =	vgt.s32 v10, $0xFFFFFFFF;
	v6 =	vld [tilespmem:s20+$0x4850];
	(pc) =	sbr.rel @p0 .LBB2_10-.Ltmp6, $4  }
0x84: {  	vm1 =	vgt.s32 v3, $0xFFFFFFFF;
	vm2 =	vgt.s32 v4, $0xFFFFFFFF;
	v2 =	vld [tilespmem:s2+$0x70];
	v8 =	vnsel vm3, $0x0, v8  }
0x85: {  	v4 =	vsel vm4, $0x1, v0;
	v8 =	vadd.f32 v8, v7;
	vm4 =	vgt.s32 v12, $0xFFFFFFFF;
	v7 =	vld [tilespmem:s20+$0x4860];
	s20 =	smov.u32 s2  }
0x86: {  	v9 =	vadd.s32 v4, v9;
	v10 =	vsel vm5, $0x1, v0;
	v3 =	vld [tilespmem:s20+$0x60];
	v11 =	vnsel vm4, $0x0, v13  }
0x87: {  	s0 =	sadd.s32 $0x400, s0;
	v9 =	vadd.s32 v10, v9;
	v10 =	vsel vm6, $0x1, v0;
	v4 =	vld [tilespmem:s20+$0x50];
	v8 =	vadd.f32 v11, v8  }
0x88: {  	v11 =	vld [tilespmem:s20+$0x0];
	v9 =	vadd.s32 v10, v9  }
0x89: {  	v40 =	vsel vm3, $0x1, v0;
	v6 =	vnsel vm2, $0x0, v6;
	v41 =	vsel vm4, $0x1, v0;
	v12 =	vld [tilespmem:s20+$0x10]  }
0x8a: {  	v43 =	vsel vm2, $0x1, v0;
	v44 =	vld [tilespmem:s20+$0x20];
	v45 =	vsel vm1, $0x1, v0;
	v9 =	vadd.s32 v40, v9  }
0x8b: {  	v13 =	vld [tilespmem:s20+$0x30];
	v48 =	vsel vm0, $0x1, v0;
	v6 =	vadd.f32 v6, v8;
	v42 =	vadd.s32 v41, v9  }
0x8c: {  	v47 =	vld [tilespmem:s20+$0x40];
	v5 =	vnsel vm0, $0x0, v5;
	v7 =	vnsel vm1, $0x0, v7;
	v8 =	vadd.s32 v43, v42  }
0x8d: {  	v6 =	vadd.f32 v7, v6;
	v46 =	vadd.s32 v45, v8;
	vm6 =	vgt.s32 v11, $0xFFFFFFFF  }
0x8e: {  	v7 =	vadd.s32 v48, v46;
	vm7 =	vgt.s32 v12, $0xFFFFFFFF;
	v49 =	vsel vm6, $0x1, v0  }
0x8f: {  	vm5 =	vgt.s32 v44, $0xFFFFFFFF;
	v50 =	vsel vm7, $0x1, v0;
	v7 =	vadd.s32 v49, v7  }
0x90: {  	vm11 =	vgt.s32 v13, $0xFFFFFFFF;
	v51 =	vsel vm5, $0x1, v0;
	v7 =	vadd.s32 v50, v7  }
0x91: {  	v52 =	vld [tilespmem:s20+$0x4800];
	vm12 =	vgt.s32 v47, $0xFFFFFFFF;
	v53 =	vsel vm11, $0x1, v0;
	v7 =	vadd.s32 v51, v7  }
0x92: {  	vm13 =	vgt.s32 v4, $0xFFFFFFFF;
	v55 =	vsel vm12, $0x1, v0;
	v54 =	vadd.s32 v53, v7  }
0x93: {  	v56 =	vld [tilespmem:s20+$0x4810];
	vm14 =	vgt.s32 v3, $0xFFFFFFFF;
	v57 =	vsel vm13, $0x1, v0;
	v3 =	vadd.s32 v55, v54  }
0x94: {  	vm15 =	vgt.s32 v2, $0xFFFFFFFF;
	v2 =	vadd.s32 v57, v3;
	v3 =	vsel vm14, $0x1, v0  }
0x95: {  	v58 =	vld [tilespmem:s20+$0x4820];
	v5 =	vadd.f32 v5, v6;
	v2 =	vadd.s32 v3, v2;
	v3 =	vsel vm15, $0x1, v0  }
0x96: {  	(v2sf) =	vpush v1, $0x0;
	v59 =	vnsel vm6, $0x0, v52;
	v2 =	vadd.s32 v3, v2  }
0x97: {  	v1 =	vadd.f32 v59, v5;
	v3 =	vld [tilespmem:s20+$0x4830];
	(v2sf) =	vpush v2, $0x0  }
0x98: {  	v60 =	vnsel vm7, $0x0, v56;
	(v2sf) =	vpush v2, $0x1  }
0x99: {  	v61 =	vld [tilespmem:s20+$0x4840];
	v1 =	vadd.f32 v60, v1;
	(v2sf) =	vpush v2, $0x2  }
0x9a: {  	v4 =	vnsel vm5, $0x0, v58;
	(v2sf) =	vpush v2, $0x3  }
0x9b: {  	v62 =	vld [tilespmem:s20+$0x4850];
	v1 =	vadd.f32 v4, v1;
	(v2sf) =	vpush v2, $0x4  }
0x9c: {  	v3 =	vnsel vm11, $0x0, v3;
	(v2sf) =	vpush v2, $0x5  }
0x9d: {  	v1 =	vadd.f32 v3, v1;
	v3 =	vld [tilespmem:s20+$0x4860];
	(v2sf) =	vpush v2, $0x6  }
0x9e: {  	v5 =	vnsel vm12, $0x0, v61;
	(v2sf) =	vpush v2, $0x7  }
0x9f: {  	v63 =	vld [tilespmem:s20+$0x4870];
	v1 =	vadd.f32 v5, v1;
	(v2sf) =	vpush v2, $0x8  }
0xa0: {  	v4 =	vnsel vm13, $0x0, v62;
	(v2sf) =	vpush v2, $0x9  }
0xa1: {  	v1 =	vadd.f32 v4, v1;
	(v2sf) =	vpush v2, $0xA  }
0xa2: {  	v3 =	vnsel vm14, $0x0, v3;
	(v2sf) =	vpush v2, $0xB  }
0xa3: {  	v1 =	vadd.f32 v3, v1;
	(v2sf) =	vpush v2, $0xC  }
0xa4: {  	v3 =	vnsel vm15, $0x0, v63;
	(v2sf) =	vpush v2, $0xD  }
0xa5: {  	s17 =	spop (v2sf);
	v1 =	vadd.f32 v3, v1;
	(v2sf) =	vpush v2, $0xE  }
0xa6: {  	s0 =	spop (v2sf);
	(v2sf) =	vpush v2, $0xF  }
0xa7: {  	s2 =	spop (v2sf);
	(v2sf) =	vpush v1, $0x0  }
0xa8: {  	s5 =	spop (v2sf);
	(v2sf) =	vpush v1, $0x1  }
0xa9: {  	s8 =	spop (v2sf)  }
0xaa: {  	(v2sf) =	vpush v1, $0x2;
	s9 =	spop (v2sf)  }
0xab: {  	(v2sf) =	vpush v1, $0x3;
	s10 =	spop (v2sf)  }
0xac: {  	(v2sf) =	vpush v1, $0x4;
	s11 =	spop (v2sf)  }
0xad: {  	(v2sf) =	vpush v1, $0x5;
	s12 =	spop (v2sf)  }
0xae: {  	(v2sf) =	vpush v1, $0x6;
	s13 =	spop (v2sf)  }
0xaf: {  	(v2sf) =	vpush v1, $0x7;
	s14 =	spop (v2sf)  }
0xb0: {  	s0 =	sadd.s32 s2, s0;
	(v2sf) =	vpush v1, $0x8;
	s15 =	spop (v2sf)  }
0xb1: {  	s0 =	sadd.s32 s5, s0;
	(v2sf) =	vpush v1, $0x9;
	s16 =	spop (v2sf)  }
0xb2: {  	s0 =	sadd.s32 s8, s0;
	(v2sf) =	vpush v1, $0xA;
	s18 =	spop (v2sf)  }
0xb3: {  	s9 =	sadd.s32 s9, s0;
	(v2sf) =	vpush v1, $0xB;
	s30 =	spop (v2sf)  }
0xb4: {  	s10 =	sadd.s32 s10, s9;
	s21 =	spop (v2sf);
	(v2sf) =	vpush v1, $0xC  }
0xb5: {  	s11 =	sadd.s32 s11, s10;
	s22 =	spop (v2sf);
	(v2sf) =	vpush v1, $0xD  }
0xb6: {  	s12 =	sadd.s32 s12, s11;
	s0 =	spop (v2sf);
	(v2sf) =	vpush v1, $0xE  }
0xb7: {  	s13 =	sadd.s32 s13, s12;
	s2 =	spop (v2sf);
	(v2sf) =	vpush v1, $0xF  }
0xb8: {  	s14 =	sadd.s32 s14, s13  }
0xb9: {  	s15 =	sadd.s32 s15, s14;
	s5 =	spop (v2sf)  }
0xba: {  	s16 =	sadd.s32 s16, s15;
	s8 =	spop (v2sf)  }
0xbb: {  	s19 =	sadd.s32 s18, s16;
	s9 =	spop (v2sf)  }
0xbc: {  	s28 =	sadd.s32 s30, s19;
	s10 =	spop (v2sf)  }
0xbd: {  	s29 =	sadd.s32 s21, s28;
	s11 =	spop (v2sf)  }
0xbe: {  	s31 =	smul.f32 $3.000000000e+00, s17;
	s18 =	sadd.s32 s22, s29;
	s12 =	spop (v2sf)  }
0xbf: {  	s30 =	scvt.s32.f32 s18;
	s13 =	spop (v2sf)  }
0xc0: {  	s14 =	spop (v2sf)  }
0xc1: {  	p0 =	sge.f32 s31, s30;
	s15 =	spop (v2sf)  }
.Ltmp7:
0xc2: {  	s16 =	spop (v2sf);
	(pc) =	sbr.rel @p0 .LBB2_12-.Ltmp7, $4  }
0xc3: {  	s17 =	spop (v2sf)  }
0xc4: {  	s18 =	spop (v2sf)  }
0xc5: {  	s20 =	spop (v2sf)  }
0xc6: {  	s21 =	spop (v2sf)  }
0xc7: {  	s0 =	scvt.f32.s32 s31  }
0xc8: {  	s2 =	simm.s32 $0x0;
	s8 =	simm.s32 $0x0;
	s5 =	simm.s32 $0x0  }
.LBB2_14:
0xc9: {  	s10 =	sand.u32 $0x70, s2;
	s11 =	sand.u32 $0x7F00, s2  }
0xca: {  	s9 =	sshrl.u32 s23, s5;
	s11 =	sor.u32 s10, s11  }
0xcb: {  	s9 =	sor.u32 s9, s8;
	v3 =	vld [tilespmem:s11+$0x0]  }
0xcc: {  	v1 =	vimm.s32 $0x0;
	s10 =	simm.s32 $0x10;
	v2 =	vmov s9;
	s11 =	simm.s32 $0x0  }
.LBB2_15:
0xcd: {  	p0 =	sne.s32 s10, $0x23F0  }
.Ltmp8:
0xce: {  	s12 =	sand.u32 $0x70, s10;
	s11 =	sadd.s32 $0x20, s11;
	(pc) =	sbr.rel @p0 .LBB2_15-.Ltmp8, $4  }
0xcf: {  	s10 =	sadd.s32 $0x10, s10;
	s13 =	sand.u32 $0x7F00, s11  }
0xd0: {  	s12 =	sor.u32 s12, s13;
	vm0 =	vge.s32 v3, v2  }
0xd1: {  	v3 =	vld [tilespmem:s12+$0x0];
	v4 =	vsel vm0, $0x1, v0  }
0xd2: {  	v1 =	vadd.s32 v4, v1  }
0xd3: {  	_ =	sdelay $0x2  }
0xd4: {  	vm0 =	vge.s32 v3, v2  }
0xd5: {  	v2 =	vsel vm0, $0x1, v0  }
0xd6: {  	v1 =	vadd.s32 v2, v1  }
0xd7: {  	(v2sf) =	vpush v1, $0x0  }
0xd8: {  	(v2sf) =	vpush v1, $0x1  }
0xd9: {  	(v2sf) =	vpush v1, $0x2  }
0xda: {  	(v2sf) =	vpush v1, $0x3  }
0xdb: {  	(v2sf) =	vpush v1, $0x4  }
0xdc: {  	(v2sf) =	vpush v1, $0x5  }
0xdd: {  	(v2sf) =	vpush v1, $0x6  }
0xde: {  	(v2sf) =	vpush v1, $0x7  }
0xdf: {  	(v2sf) =	vpush v1, $0x8  }
0xe0: {  	(v2sf) =	vpush v1, $0x9  }
0xe1: {  	(v2sf) =	vpush v1, $0xA  }
0xe2: {  	(v2sf) =	vpush v1, $0xB  }
0xe3: {  	(v2sf) =	vpush v1, $0xC  }
0xe4: {  	(v2sf) =	vpush v1, $0xD  }
0xe5: {  	(v2sf) =	vpush v1, $0xE  }
0xe6: {  	s10 =	spop (v2sf);
	(v2sf) =	vpush v1, $0xF  }
0xe7: {  	s11 =	spop (v2sf)  }
0xe8: {  	s10 =	sadd.s32 s11, s10;
	s15 =	spop (v2sf)  }
0xe9: {  	s10 =	sadd.s32 s15, s10;
	s16 =	spop (v2sf)  }
0xea: {  	s10 =	sadd.s32 s16, s10;
	s17 =	spop (v2sf)  }
0xeb: {  	s10 =	sadd.s32 s17, s10;
	s18 =	spop (v2sf)  }
0xec: {  	s10 =	sadd.s32 s18, s10;
	s19 =	spop (v2sf)  }
0xed: {  	s10 =	sadd.s32 s19, s10;
	s20 =	spop (v2sf)  }
0xee: {  	s10 =	sadd.s32 s20, s10;
	s21 =	spop (v2sf)  }
0xef: {  	s10 =	sadd.s32 s21, s10;
	s22 =	spop (v2sf)  }
0xf0: {  	s10 =	sadd.s32 s22, s10;
	s24 =	spop (v2sf)  }
0xf1: {  	s10 =	sadd.s32 s24, s10;
	s25 =	spop (v2sf)  }
0xf2: {  	s10 =	sadd.s32 s25, s10;
	s26 =	spop (v2sf)  }
0xf3: {  	s10 =	sadd.s32 s26, s10;
	s28 =	spop (v2sf)  }
0xf4: {  	s10 =	sadd.s32 s28, s10;
	s29 =	spop (v2sf)  }
0xf5: {  	s10 =	sadd.s32 s29, s10;
	s30 =	spop (v2sf)  }
0xf6: {  	s10 =	sadd.s32 s30, s10  }
0xf7: {  	s5 =	sadd.s32 $0x1, s5;
	p0 =	slt.s32 s10, s0  }
0xf8: {  	s9 =	smov.u32 @p0 s8;
	p0 =	seq.s32 s5, $0x1F  }
.Ltmp9:
0xf9: {  	_ = 	snop;
	(pc) =	sbr.rel @!p0 .LBB2_14-.Ltmp9, $2  }
0xfa: {  	_ =	sdelay $0x2  }
0xfb: {  	s8 =	smov.u32 s9  }
0xfc: {  	s0 =	simm.s32 $0x0  }
0xfd: {  	s2 =	sand.u32 $0x70, s0;
	s5 =	sand.u32 $0x7F00, s0  }
0xfe: {  	s5 =	sor.u32 s2, s5  }
0xff: {  	v5 =	vld [tilespmem:s5+$0x0]  }
0x100: {  	v3 =	vmov s9;
	v7 =	vimm.s32 $0x0;
	v2 =	vld [tilespmem:s5+$0x4800]  }
0x101: {  	v1 =	vimm.f32 $0.0e+00;
	v6 =	vimm.f32 $0.0e+00;
	v4 =	vimm.s32 $0x0;
	s2 =	simm.s32 $0x10  }
.LBB2_18:
0x102: {  	s5 =	sand.u32 $0x70, s2;
	s0 =	sadd.s32 $0x20, s0;
	p0 =	sne.s32 s2, $0x23F0  }
.Ltmp10:
0x103: {  	s2 =	sadd.s32 $0x10, s2;
	s8 =	sand.u32 $0x7F00, s0;
	(pc) =	sbr.rel @p0 .LBB2_18-.Ltmp10, $4  }
0x104: {  	s5 =	sor.u32 s5, s8;
	vm0 =	vgt.s32 v5, v3;
	vm1 =	veq.s32 v5, v3  }
0x105: {  	v5 =	vld [tilespmem:s5+$0x0];
	v8 =	vsel vm0, $0x1, v0;
	v9 =	vnsel vm0, $0x0, v2;
	v10 =	vnsel vm1, $0x0, v2  }
0x106: {  	v2 =	vld [tilespmem:s5+$0x4800];
	v7 =	vadd.s32 v8, v7;
	v8 =	vsel vm1, $0x1, v0;
	v1 =	vadd.f32 v10, v1  }
0x107: {  	v6 =	vadd.f32 v9, v6;
	v4 =	vadd.s32 v8, v4  }
0x108: {  	_ =	sdelay $0x1  }
0x109: {  	vm0 =	vgt.s32 v5, v3  }
0x10a: {  	v8 =	vsel vm0, $0x1, v0  }
0x10b: {  	v7 =	vadd.s32 v8, v7  }
0x10c: {  	(v2sf) =	vpush v7, $0x0  }
0x10d: {  	(v2sf) =	vpush v7, $0x1  }
0x10e: {  	(v2sf) =	vpush v7, $0x2  }
0x10f: {  	(v2sf) =	vpush v7, $0x3  }
0x110: {  	(v2sf) =	vpush v7, $0x4  }
0x111: {  	(v2sf) =	vpush v7, $0x5  }
0x112: {  	(v2sf) =	vpush v7, $0x6  }
0x113: {  	(v2sf) =	vpush v7, $0x7  }
0x114: {  	(v2sf) =	vpush v7, $0x8  }
0x115: {  	(v2sf) =	vpush v7, $0x9  }
0x116: {  	(v2sf) =	vpush v7, $0xA  }
0x117: {  	(v2sf) =	vpush v7, $0xB  }
0x118: {  	(v2sf) =	vpush v7, $0xC  }
0x119: {  	v63 =	vnsel vm0, $0x0, v2;
	(v2sf) =	vpush v7, $0xD  }
0x11a: {  	v6 =	vadd.f32 v63, v6;
	(v2sf) =	vpush v7, $0xE  }
0x11b: {  	s0 =	spop (v2sf);
	(v2sf) =	vpush v7, $0xF  }
0x11c: {  	s24 =	spop (v2sf);
	(v2sf) =	vpush v6, $0x0  }
0x11d: {  	s25 =	spop (v2sf);
	(v2sf) =	vpush v6, $0x1  }
0x11e: {  	s26 =	spop (v2sf);
	(v2sf) =	vpush v6, $0x2  }
0x11f: {  	s28 =	spop (v2sf);
	(v2sf) =	vpush v6, $0x3  }
0x120: {  	s29 =	spop (v2sf);
	(v2sf) =	vpush v6, $0x4  }
0x121: {  	s30 =	spop (v2sf);
	(v2sf) =	vpush v6, $0x5  }
0x122: {  	s2 =	spop (v2sf);
	(v2sf) =	vpush v6, $0x6  }
0x123: {  	s5 =	spop (v2sf);
	(v2sf) =	vpush v6, $0x7  }
0x124: {  	s8 =	spop (v2sf);
	(v2sf) =	vpush v6, $0x8  }
0x125: {  	s9 =	spop (v2sf);
	(v2sf) =	vpush v6, $0x9  }
0x126: {  	s10 =	spop (v2sf);
	(v2sf) =	vpush v6, $0xA  }
0x127: {  	s11 =	spop (v2sf);
	(v2sf) =	vpush v6, $0xB  }
0x128: {  	s12 =	spop (v2sf);
	(v2sf) =	vpush v6, $0xC  }
0x129: {  	vm15 =	veq.s32 v5, v3;
	[smem:$0x7F3] =	sst s0;
	s13 =	spop (v2sf);
	(v2sf) =	vpush v6, $0xD  }
0x12a: {  	v3 =	vsel vm15, $0x1, v0;
	[smem:$0x7F4] =	sst s24;
	s14 =	spop (v2sf);
	(v2sf) =	vpush v6, $0xE  }
0x12b: {  	v3 =	vadd.s32 v3, v4;
	[dreg:$0x9] =	wrdreg s14;
	s14 =	spop (v2sf);
	(v2sf) =	vpush v6, $0xF  }
0x12c: {  	[smem:$0x7F5] =	sst s25;
	s19 =	spop (v2sf);
	(v2sf) =	vpush v3, $0x0  }
0x12d: {  	[smem:$0x7F6] =	sst s26;
	s23 =	spop (v2sf);
	(v2sf) =	vpush v3, $0x1  }
0x12e: {  	[dreg:$0x1f] =	wrdreg s28;
	s24 =	spop (v2sf);
	(v2sf) =	vpush v3, $0x2  }
0x12f: {  	[dreg:$0x1d] =	wrdreg s29;
	s25 =	spop (v2sf);
	(v2sf) =	vpush v3, $0x3  }
0x130: {  	[dreg:$0xf] =	wrdreg s11;
	s11 =	spop (v2sf);
	(v2sf) =	vpush v3, $0x4  }
0x131: {  	[dreg:$0xd] =	wrdreg s12;
	s12 =	spop (v2sf);
	(v2sf) =	vpush v3, $0x5  }
0x132: {  	[dreg:$0x1b] =	wrdreg s30;
	s29 =	spop (v2sf);
	(v2sf) =	vpush v3, $0x6  }
0x133: {  	[dreg:$0x15] =	wrdreg s8;
	s8 =	spop (v2sf);
	(v2sf) =	vpush v3, $0x7  }
0x134: {  	[dreg:$0x19] =	wrdreg s2;
	(v2sf) =	vpush v3, $0x8;
	s22 =	spop (v2sf)  }
0x135: {  	s19 =	sadd.f32 s19, s14;
	(v2sf) =	vpush v3, $0x9;
	s18 =	spop (v2sf)  }
0x136: {  	[dreg:$0x17] =	wrdreg s5;
	(v2sf) =	vpush v3, $0xA;
	s15 =	spop (v2sf)  }
0x137: {  	s19 =	sadd.f32 s19, s23;
	(v2sf) =	vpush v3, $0xB;
	s16 =	spop (v2sf)  }
0x138: {  	[dreg:$0x13] =	wrdreg s9;
	(v2sf) =	vpush v3, $0xC;
	s17 =	spop (v2sf)  }
0x139: {  	v2 =	vnsel vm15, $0x0, v2;
	s19 =	sadd.f32 s19, s24;
	(v2sf) =	vpush v3, $0xD;
	s20 =	spop (v2sf)  }
0x13a: {  	v1 =	vadd.f32 v2, v1;
	[dreg:$0xb] =	wrdreg s13;
	(v2sf) =	vpush v3, $0xE;
	s21 =	spop (v2sf)  }
0x13b: {  	s19 =	sadd.f32 s19, s25;
	(v2sf) =	vpush v3, $0xF;
	s0 =	spop (v2sf)  }
0x13c: {  	[smem:$0x7F9] =	sst s17;
	(v2sf) =	vpush v1, $0x0;
	s17 =	spop (v2sf)  }
0x13d: {  	[smem:$0x7F7] =	sst s15;
	(v2sf) =	vpush v1, $0x1;
	s15 =	spop (v2sf)  }
0x13e: {  	[smem:$0x7F8] =	sst s16;
	s16 =	spop (v2sf)  }
0x13f: {  	s11 =	sadd.f32 s19, s11;
	(v2sf) =	vpush v1, $0x2;
	s13 =	spop (v2sf)  }
0x140: {  	[smem:$0x7FB] =	sst s21;
	s21 =	spop (v2sf)  }
0x141: {  	s11 =	sadd.f32 s11, s12;
	(v2sf) =	vpush v1, $0x3;
	s30 =	spop (v2sf)  }
0x142: {  	[dreg:$0x11] =	wrdreg s10;
	s28 =	spop (v2sf)  }
0x143: {  	s11 =	sadd.f32 s11, s29;
	s2 =	spop (v2sf)  }
0x144: {  	s25 =	sld [smem:$0x7F3];
	(v2sf) =	vpush v1, $0x4;
	s5 =	spop (v2sf)  }
0x145: {  	s8 =	sadd.f32 s11, s8;
	s9 =	spop (v2sf)  }
0x146: {  	[smem:$0x7FA] =	sst s20;
	(v2sf) =	vpush v1, $0x5;
	s10 =	spop (v2sf)  }
0x147: {  	s8 =	sadd.f32 s8, s22;
	s20 =	spop (v2sf)  }
0x148: {  	s22 =	rddreg [dreg:$0x13];
	s26 =	spop (v2sf)  }
0x149: {  	(v2sf) =	vpush v1, $0x6;
	[smem:$0x7FC] =	sst s26;
	s26 =	spop (v2sf)  }
0x14a: {  	s0 =	sadd.s32 s17, s0;
	s8 =	sadd.f32 s8, s18;
	s14 =	spop (v2sf)  }
0x14b: {  	s0 =	sadd.s32 s15, s0;
	(v2sf) =	vpush v1, $0x7;
	[smem:$0x7FD] =	sst s26;
	s26 =	spop (v2sf)  }
0x14c: {  	s0 =	sadd.s32 s16, s0;
	s16 =	sld [smem:$0x7F9];
	s23 =	spop (v2sf)  }
0x14d: {  	s23 =	sadd.f32 s23, s26  }
0x14e: {  	s18 =	rddreg [dreg:$0xd];
	s0 =	sadd.s32 s13, s0;
	s26 =	spop (v2sf)  }
0x14f: {  	s0 =	sadd.s32 s21, s0;
	s23 =	sadd.f32 s23, s26  }
0x150: {  	s0 =	sadd.s32 s30, s0;
	s30 =	rddreg [dreg:$0xf];
	s26 =	spop (v2sf)  }
0x151: {  	(v2sf) =	vpush v1, $0x8;
	s23 =	sadd.f32 s23, s26  }
0x152: {  	s26 =	sld [smem:$0x7F4]  }
0x153: {  	s0 =	sadd.s32 s28, s0;
	s28 =	sld [smem:$0x7FC];
	s19 =	spop (v2sf)  }
0x154: {  	s19 =	sadd.f32 s23, s19  }
0x155: {  	s24 =	sadd.s32 s26, s25;
	s25 =	sld [smem:$0x7F5];
	s26 =	spop (v2sf)  }
0x156: {  	(v2sf) =	vpush v1, $0x9;
	s12 =	sadd.f32 s19, s26  }
0x157: {  	s26 =	rddreg [dreg:$0x1f]  }
0x158: {  	s29 =	spop (v2sf);
	s23 =	sadd.s32 s25, s24;
	s25 =	sld [smem:$0x7F6]  }
0x159: {  	s12 =	sadd.f32 s12, s29  }
0x15a: {  	s29 =	spop (v2sf);
	s24 =	rddreg [dreg:$0x19]  }
0x15b: {  	(v2sf) =	vpush v1, $0xA;
	s11 =	sadd.f32 s12, s29  }
0x15c: {  	s29 =	rddreg [dreg:$0x15]  }
0x15d: {  	(v2sf) =	vpush v1, $0xB;
	s23 =	sadd.s32 s25, s23;
	s25 =	rddreg [dreg:$0x1d]  }
0x15e: {  	s19 =	sadd.s32 s26, s23;
	s26 =	rddreg [dreg:$0x1b]  }
0x15f: {  	(v2sf) =	vpush v1, $0xC;
	s23 =	sld [smem:$0x7F7];
	s19 =	sadd.s32 s25, s19  }
0x160: {  	s25 =	rddreg [dreg:$0x17];
	s19 =	sadd.s32 s26, s19;
	s26 =	spop (v2sf)  }
0x161: {  	(v2sf) =	vpush v1, $0xD;
	s11 =	sadd.f32 s11, s26  }
0x162: {  	(v2sf) =	vpush v1, $0xE;
	s8 =	sadd.f32 s8, s23  }
0x163: {  	s26 =	sld [smem:$0x7F8]  }
0x164: {  	s19 =	sadd.s32 s24, s19;
	s23 =	sld [smem:$0x7FB]  }
0x165: {  	(v2sf) =	vpush v1, $0xF;
	s12 =	sadd.s32 s25, s19;
	s19 =	spop (v2sf);
	s25 =	rddreg [dreg:$0x11]  }
0x166: {  	s11 =	sadd.f32 s11, s19  }
0x167: {  	s19 =	sld [smem:$0x7FA]  }
0x168: {  	s12 =	sadd.s32 s29, s12;
	s8 =	sadd.f32 s8, s26  }
0x169: {  	s12 =	sadd.s32 s22, s12;
	s22 =	rddreg [dreg:$0xb]  }
0x16a: {  	s0 =	sadd.s32 s2, s0;
	s24 =	spop (v2sf);
	s26 =	rddreg [dreg:$0x9]  }
0x16b: {  	s0 =	sadd.s32 s5, s0;
	s11 =	sadd.f32 s11, s24  }
0x16c: {  	s0 =	sadd.s32 s9, s0;
	s29 =	spop (v2sf);
	s8 =	sadd.f32 s8, s16  }
0x16d: {  	s10 =	sadd.s32 s10, s0;
	s12 =	sadd.s32 s25, s12;
	s11 =	sadd.f32 s11, s29  }
0x16e: {  	s17 =	spop (v2sf);
	s12 =	sadd.s32 s30, s12;
	s29 =	sld [smem:$0x7FD]  }
0x16f: {  	s24 =	sadd.s32 s20, s10;
	s12 =	sadd.s32 s18, s12;
	s5 =	sadd.f32 s8, s19  }
0x170: {  	s21 =	spop (v2sf);
	s9 =	sadd.s32 s22, s12;
	s2 =	sadd.f32 s11, s17  }
0x171: {  	s25 =	spop (v2sf);
	s9 =	sadd.s32 s26, s9;
	s0 =	sadd.f32 s5, s23  }
.Ltmp11:
0x172: {  	s5 =	sadd.s32 s28, s24;
	s2 =	sadd.f32 s2, s21;
	(pc) =	sbr.rel .LBB2_20-.Ltmp11, $4  }
0x173: {  	s26 =	rddreg [dreg:$0x2];
	s9 =	scvt.s32.f32 s9;
	s5 =	sadd.s32 s29, s5  }
0x174: {  	s30 =	spop (v2sf);
	s5 =	sadd.s32 s14, s5;
	s2 =	sadd.f32 s2, s25  }
0x175: {  	s23 =	simm.s32 $0x40000000;
	s8 =	scvt.s32.f32 s5;
	s5 =	ssub.f32 s31, s9  }
0x176: {  	s24 =	simm.s32 $0x9100;
	s25 =	simm.s32 $0x3;
	s2 =	sadd.f32 s2, s30  }
.LBB2_12:
0x177: {  	s0 =	sadd.f32 s2, s0;
	_ =	sdelay $0x1  }
0x178: {  	s0 =	sadd.f32 s0, s5;
	_ =	sdelay $0x1  }
0x179: {  	s0 =	sadd.f32 s0, s8;
	_ =	sdelay $0x1  }
0x17a: {  	s0 =	sadd.f32 s0, s9;
	_ =	sdelay $0x1  }
0x17b: {  	s0 =	sadd.f32 s0, s10;
	_ =	sdelay $0x1  }
0x17c: {  	s0 =	sadd.f32 s0, s11;
	_ =	sdelay $0x1  }
0x17d: {  	s0 =	sadd.f32 s0, s12;
	_ =	sdelay $0x1  }
0x17e: {  	s0 =	sadd.f32 s0, s13;
	_ =	sdelay $0x1  }
0x17f: {  	s0 =	sadd.f32 s0, s14;
	_ =	sdelay $0x1  }
0x180: {  	s0 =	sadd.f32 s0, s15;
	_ =	sdelay $0x1  }
0x181: {  	s0 =	sadd.f32 s0, s16;
	_ =	sdelay $0x1  }
0x182: {  	s0 =	sadd.f32 s0, s17;
	_ =	sdelay $0x1  }
0x183: {  	s0 =	sadd.f32 s0, s18;
	_ =	sdelay $0x1  }
0x184: {  	s0 =	sadd.f32 s0, s20  }
0x185: {  	s2 =	simm.f32 $0.0e+00  }
0x186: {  	s5 =	simm.f32 $0.0e+00;
	s8 =	simm.f32 $1.000000000e+00;
	s0 =	sadd.f32 s0, s21  }
.LBB2_20:
0x187: {  	v1 =	vmov s8  }
0x188: {  	v1 =	vmax.f32 v1, $1.000000000e+00  }
0x189: {  	v1 =	vbroadcast v1, $0x0;
	_ =	sdelay $0x1  }
0x18a: {  	(erf) = vrcp.f32 v1;
	_ =	sdelay $0x2  }
0x18b: {  	v2 =	vmov s2;
	v1 =	vmov s5  }
0x18c: {  	v2 =	vadd.f32 $0.0e+00, v2;
	v1 =	vadd.f32 $0.0e+00, v1;
	_ =	sdelay $0x1  }
0x18d: {  	v1 =	vmul.f32 v2, v1  }
0x18e: {  	v2 =	vmov s0  }
0x18f: {  	v2 =	vadd.f32 $0.0e+00, v2;
	v1 =	vbroadcast v1, $0x0  }
0x190: {  	v3 =	vpop (erf)  }
0x191: {  	v2 =	vbroadcast v2, $0x0;
	v1 =	vmul.f32 v3, v1;
	_ =	sdelay $0x1  }
0x192: {  	v1 =	vadd.f32 v1, v2;
	_ =	sdelay $0x1  }
0x193: {  	s28 =	simm.s32 $0x0;
	s29 =	rddreg [dreg:$0x4];
	[tilespmem:$0x9100] =	vst v1  }
0x194: {  	[hbm4b:s29+s28] =	stream.linear.scatter [tilespmem:s24], [sflag:$0x3], $0x80, $0x38;
	[tilespmem:$0x9180] =	vst v63  }
0x195: {  	_ =	swait.ge [sflag:s25], $0x80  }
0x196: {  	[sflag:s25] =	ssyncset.done $0x0  }
0x197: {  	s30 =	simm.s32 $0x2;
	[sflag:s25] =	ssyncadd.s32 $0xFFFFFF80  }
0x198: {  	_ =	swait.ge [sflag:s30], $0x2400  }
0x199: {  	[sflag:s30] =	ssyncset.done $0x0  }
0x19a: {  	[sflag:s30] =	ssyncadd.s32 $0xFFFFDC00  }
0x19b: {  	_ =	swait.ge [sflag:s30], $0x2400  }
0x19c: {  	[sflag:s30] =	ssyncset.done $0x0  }
0x19d: {  	[sflag:s30] =	ssyncadd.s32 $0xFFFFDC00  }
0x19e: {  	_ =	swait.ge [sflag:s30], $0x80  }
0x19f: {  	[sflag:s30] =	ssyncset.done $0x0  }
0x1a0: {  	[sflag:s30] =	ssyncadd.s32 $0xFFFFFF80  }
0x1a1: {  	s31 =	simm.s32 $0x0;
	v1 =	vld [tilespmem:$0x9080]  }
0x1a2: {  	v2 =	vld [tilespmem:s31+$0xF0]  }
0x1a3: {  	v3 =	vld [tilespmem:s31+$0xE0]  }
0x1a4: {  	v4 =	vld [tilespmem:s31+$0xD0]  }
0x1a5: {  	v5 =	vld [tilespmem:s31+$0x80]  }
0x1a6: {  	v6 =	vld [tilespmem:s31+$0x4880]  }
0x1a7: {  	v7 =	vld [tilespmem:s31+$0x90]  }
0x1a8: {  	v8 =	vld [tilespmem:s31+$0x4890]  }
0x1a9: {  	v9 =	vld [tilespmem:s31+$0xA0]  }
0x1aa: {  	vm4 =	vgt.s32 v5, $0xFFFFFFFF;
	v5 =	vld [tilespmem:s31+$0x48A0]  }
0x1ab: {  	v10 =	vimm.f32 $0.0e+00;
	v11 =	vld [tilespmem:s31+$0xB0];
	v6 =	vnsel vm4, $0x0, v6  }
0x1ac: {  	vm5 =	vgt.s32 v7, $0xFFFFFFFF;
	v7 =	vld [tilespmem:s31+$0x48B0];
	v6 =	vadd.f32 v6, v10  }
0x1ad: {  	v8 =	vnsel vm5, $0x0, v8;
	v10 =	vld [tilespmem:s31+$0xC0]  }
0x1ae: {  	s20 =	simm.s32 $0x100;
	vm6 =	vgt.s32 v9, $0xFFFFFFFF;
	v6 =	vadd.f32 v8, v6;
	v8 =	vld [tilespmem:s31+$0x48C0]  }
0x1af: {  	vm0 =	vgt.s32 v2, $0xFFFFFFFF;
	v2 =	vld [tilespmem:s20+$0xF0];
	v12 =	vnsel vm6, $0x0, v5  }
0x1b0: {  	v9 =	vimm.s32 $0x0;
	vm3 =	vgt.s32 v11, $0xFFFFFFFF;
	v12 =	vadd.f32 v12, v6;
	v6 =	vld [tilespmem:s31+$0x48D0]  }
0x1b1: {  	vm2 =	vgt.s32 v4, $0xFFFFFFFF;
	vm1 =	vgt.s32 v3, $0xFFFFFFFF;
	v3 =	vld [tilespmem:s20+$0xE0];
	v7 =	vnsel vm3, $0x0, v7  }
0x1b2: {  	v4 =	vsel vm4, $0x1, v0;
	vm4 =	vgt.s32 v10, $0xFFFFFFFF;
	v11 =	vadd.f32 v7, v12;
	v7 =	vld [tilespmem:s31+$0x48E0]  }
0x1b3: {  	v9 =	vadd.s32 v4, v9;
	v4 =	vld [tilespmem:s20+$0xD0];
	v10 =	vsel vm5, $0x1, v0;
	v8 =	vnsel vm4, $0x0, v8  }
0x1b4: {  	s0 =	simm.s32 $0x800;
	v5 =	vld [tilespmem:s31+$0x48F0];
	v9 =	vadd.s32 v10, v9;
	v10 =	vsel vm6, $0x1, v0;
	v8 =	vadd.f32 v8, v11  }
.LBB2_21:
0x1b5: {  	p0 =	sne.s32 s0, $0x11C00;
	v11 =	vld [tilespmem:s20+$0x80];
	v9 =	vadd.s32 v10, v9;
	v10 =	vsel vm3, $0x1, v0;
	v6 =	vnsel vm2, $0x0, v6  }
0x1b6: {  	v12 =	vld [tilespmem:s20+$0x4880];
	v9 =	vadd.s32 v10, v9;
	v10 =	vsel vm4, $0x1, v0;
	v6 =	vadd.f32 v6, v8  }
0x1b7: {  	v8 =	vld [tilespmem:s20+$0x90];
	v9 =	vadd.s32 v10, v9;
	v10 =	vsel vm2, $0x1, v0;
	v7 =	vnsel vm1, $0x0, v7  }
0x1b8: {  	v13 =	vld [tilespmem:s20+$0x4890];
	v9 =	vadd.s32 v10, v9;
	v10 =	vsel vm1, $0x1, v0;
	v6 =	vadd.f32 v7, v6  }
0x1b9: {  	v5 =	vnsel vm0, $0x0, v5;
	v7 =	vld [tilespmem:s20+$0xA0];
	v9 =	vadd.s32 v10, v9;
	v10 =	vsel vm0, $0x1, v0  }
0x1ba: {  	vm4 =	vgt.s32 v11, $0xFFFFFFFF;
	v11 =	vld [tilespmem:s20+$0x48A0];
	v9 =	vadd.s32 v10, v9;
	v5 =	vadd.f32 v5, v6  }
0x1bb: {  	v6 =	vnsel vm4, $0x0, v12;
	v10 =	vld [tilespmem:s20+$0xB0]  }
0x1bc: {  	v5 =	vadd.f32 v6, v5;
	vm5 =	vgt.s32 v8, $0xFFFFFFFF;
	v8 =	vld [tilespmem:s20+$0x48B0]  }
0x1bd: {  	v6 =	vnsel vm5, $0x0, v13;
	v12 =	vld [tilespmem:s20+$0xC0]  }
0x1be: {  	v6 =	vadd.f32 v6, v5;
	vm6 =	vgt.s32 v7, $0xFFFFFFFF;
	v13 =	vld [tilespmem:s20+$0x48C0]  }
0x1bf: {  	v7 =	vnsel vm6, $0x0, v11;
	v5 =	vld [tilespmem:s20+$0x48F0]  }
.Ltmp12:
0x1c0: {  	s2 =	sshra.s32 s0, $0x2;
	vm0 =	vgt.s32 v2, $0xFFFFFFFF;
	v7 =	vadd.f32 v7, v6;
	vm3 =	vgt.s32 v10, $0xFFFFFFFF;
	v6 =	vld [tilespmem:s20+$0x48D0];
	(pc) =	sbr.rel @p0 .LBB2_21-.Ltmp12, $4  }
0x1c1: {  	vm1 =	vgt.s32 v3, $0xFFFFFFFF;
	vm2 =	vgt.s32 v4, $0xFFFFFFFF;
	v2 =	vld [tilespmem:s2+$0xF0];
	v8 =	vnsel vm3, $0x0, v8  }
0x1c2: {  	v4 =	vsel vm4, $0x1, v0;
	v8 =	vadd.f32 v8, v7;
	vm4 =	vgt.s32 v12, $0xFFFFFFFF;
	v7 =	vld [tilespmem:s20+$0x48E0];
	s20 =	smov.u32 s2  }
0x1c3: {  	v9 =	vadd.s32 v4, v9;
	v10 =	vsel vm5, $0x1, v0;
	v3 =	vld [tilespmem:s20+$0xE0];
	v11 =	vnsel vm4, $0x0, v13  }
0x1c4: {  	s0 =	sadd.s32 $0x400, s0;
	v9 =	vadd.s32 v10, v9;
	v10 =	vsel vm6, $0x1, v0;
	v4 =	vld [tilespmem:s20+$0xD0];
	v8 =	vadd.f32 v11, v8  }
0x1c5: {  	v11 =	vld [tilespmem:s20+$0x80];
	v9 =	vadd.s32 v10, v9  }
0x1c6: {  	v40 =	vsel vm3, $0x1, v0;
	v6 =	vnsel vm2, $0x0, v6;
	v41 =	vsel vm4, $0x1, v0;
	v12 =	vld [tilespmem:s20+$0x90]  }
0x1c7: {  	v43 =	vsel vm2, $0x1, v0;
	v44 =	vld [tilespmem:s20+$0xA0];
	v45 =	vsel vm1, $0x1, v0;
	v9 =	vadd.s32 v40, v9  }
0x1c8: {  	v13 =	vld [tilespmem:s20+$0xB0];
	v48 =	vsel vm0, $0x1, v0;
	v6 =	vadd.f32 v6, v8;
	v42 =	vadd.s32 v41, v9  }
0x1c9: {  	v47 =	vld [tilespmem:s20+$0xC0];
	v5 =	vnsel vm0, $0x0, v5;
	v7 =	vnsel vm1, $0x0, v7;
	v8 =	vadd.s32 v43, v42  }
0x1ca: {  	v6 =	vadd.f32 v7, v6;
	v46 =	vadd.s32 v45, v8;
	vm6 =	vgt.s32 v11, $0xFFFFFFFF  }
0x1cb: {  	v7 =	vadd.s32 v48, v46;
	vm7 =	vgt.s32 v12, $0xFFFFFFFF;
	v49 =	vsel vm6, $0x1, v0  }
0x1cc: {  	vm5 =	vgt.s32 v44, $0xFFFFFFFF;
	v50 =	vsel vm7, $0x1, v0;
	v7 =	vadd.s32 v49, v7  }
0x1cd: {  	vm11 =	vgt.s32 v13, $0xFFFFFFFF;
	v51 =	vsel vm5, $0x1, v0;
	v7 =	vadd.s32 v50, v7  }
0x1ce: {  	v52 =	vld [tilespmem:s20+$0x4880];
	vm12 =	vgt.s32 v47, $0xFFFFFFFF;
	v53 =	vsel vm11, $0x1, v0;
	v7 =	vadd.s32 v51, v7  }
0x1cf: {  	vm13 =	vgt.s32 v4, $0xFFFFFFFF;
	v55 =	vsel vm12, $0x1, v0;
	v54 =	vadd.s32 v53, v7  }
0x1d0: {  	v56 =	vld [tilespmem:s20+$0x4890];
	vm14 =	vgt.s32 v3, $0xFFFFFFFF;
	v57 =	vsel vm13, $0x1, v0;
	v3 =	vadd.s32 v55, v54  }
0x1d1: {  	vm15 =	vgt.s32 v2, $0xFFFFFFFF;
	v2 =	vadd.s32 v57, v3;
	v3 =	vsel vm14, $0x1, v0  }
0x1d2: {  	v58 =	vld [tilespmem:s20+$0x48A0];
	v5 =	vadd.f32 v5, v6;
	v2 =	vadd.s32 v3, v2;
	v3 =	vsel vm15, $0x1, v0  }
0x1d3: {  	(v2sf) =	vpush v1, $0x0;
	v59 =	vnsel vm6, $0x0, v52;
	v2 =	vadd.s32 v3, v2  }
0x1d4: {  	v1 =	vadd.f32 v59, v5;
	v3 =	vld [tilespmem:s20+$0x48B0];
	(v2sf) =	vpush v2, $0x0  }
0x1d5: {  	v60 =	vnsel vm7, $0x0, v56;
	(v2sf) =	vpush v2, $0x1  }
0x1d6: {  	v61 =	vld [tilespmem:s20+$0x48C0];
	v1 =	vadd.f32 v60, v1;
	(v2sf) =	vpush v2, $0x2  }
0x1d7: {  	v4 =	vnsel vm5, $0x0, v58;
	(v2sf) =	vpush v2, $0x3  }
0x1d8: {  	v62 =	vld [tilespmem:s20+$0x48D0];
	v1 =	vadd.f32 v4, v1;
	(v2sf) =	vpush v2, $0x4  }
0x1d9: {  	v3 =	vnsel vm11, $0x0, v3;
	(v2sf) =	vpush v2, $0x5  }
0x1da: {  	v1 =	vadd.f32 v3, v1;
	v3 =	vld [tilespmem:s20+$0x48E0];
	(v2sf) =	vpush v2, $0x6  }
0x1db: {  	v5 =	vnsel vm12, $0x0, v61;
	(v2sf) =	vpush v2, $0x7  }
0x1dc: {  	v63 =	vld [tilespmem:s20+$0x48F0];
	v1 =	vadd.f32 v5, v1;
	(v2sf) =	vpush v2, $0x8  }
0x1dd: {  	v4 =	vnsel vm13, $0x0, v62;
	(v2sf) =	vpush v2, $0x9  }
0x1de: {  	v1 =	vadd.f32 v4, v1;
	(v2sf) =	vpush v2, $0xA  }
0x1df: {  	v3 =	vnsel vm14, $0x0, v3;
	(v2sf) =	vpush v2, $0xB  }
0x1e0: {  	v1 =	vadd.f32 v3, v1;
	(v2sf) =	vpush v2, $0xC  }
0x1e1: {  	v3 =	vnsel vm15, $0x0, v63;
	(v2sf) =	vpush v2, $0xD  }
0x1e2: {  	s17 =	spop (v2sf);
	v1 =	vadd.f32 v3, v1;
	(v2sf) =	vpush v2, $0xE  }
0x1e3: {  	s0 =	spop (v2sf);
	(v2sf) =	vpush v2, $0xF  }
0x1e4: {  	s2 =	spop (v2sf);
	(v2sf) =	vpush v1, $0x0  }
0x1e5: {  	s5 =	spop (v2sf);
	(v2sf) =	vpush v1, $0x1  }
0x1e6: {  	s8 =	spop (v2sf)  }
0x1e7: {  	(v2sf) =	vpush v1, $0x2;
	s9 =	spop (v2sf)  }
0x1e8: {  	(v2sf) =	vpush v1, $0x3;
	s10 =	spop (v2sf)  }
0x1e9: {  	(v2sf) =	vpush v1, $0x4;
	s11 =	spop (v2sf)  }
0x1ea: {  	(v2sf) =	vpush v1, $0x5;
	s12 =	spop (v2sf)  }
0x1eb: {  	(v2sf) =	vpush v1, $0x6;
	s13 =	spop (v2sf)  }
0x1ec: {  	(v2sf) =	vpush v1, $0x7;
	s14 =	spop (v2sf)  }
0x1ed: {  	s0 =	sadd.s32 s2, s0;
	(v2sf) =	vpush v1, $0x8;
	s15 =	spop (v2sf)  }
0x1ee: {  	s0 =	sadd.s32 s5, s0;
	(v2sf) =	vpush v1, $0x9;
	s16 =	spop (v2sf)  }
0x1ef: {  	s0 =	sadd.s32 s8, s0;
	(v2sf) =	vpush v1, $0xA;
	s18 =	spop (v2sf)  }
0x1f0: {  	s9 =	sadd.s32 s9, s0;
	(v2sf) =	vpush v1, $0xB;
	s19 =	spop (v2sf)  }
0x1f1: {  	s10 =	sadd.s32 s10, s9;
	s31 =	spop (v2sf);
	(v2sf) =	vpush v1, $0xC  }
0x1f2: {  	s11 =	sadd.s32 s11, s10;
	s21 =	spop (v2sf);
	(v2sf) =	vpush v1, $0xD  }
0x1f3: {  	s12 =	sadd.s32 s12, s11;
	s0 =	spop (v2sf);
	(v2sf) =	vpush v1, $0xE  }
0x1f4: {  	s13 =	sadd.s32 s13, s12;
	s2 =	spop (v2sf);
	(v2sf) =	vpush v1, $0xF  }
0x1f5: {  	s14 =	sadd.s32 s14, s13  }
0x1f6: {  	s15 =	sadd.s32 s15, s14;
	s5 =	spop (v2sf)  }
0x1f7: {  	s22 =	sadd.s32 s16, s15;
	s8 =	spop (v2sf)  }
0x1f8: {  	s28 =	sadd.s32 s18, s22;
	s9 =	spop (v2sf)  }
0x1f9: {  	s29 =	sadd.s32 s19, s28;
	s10 =	spop (v2sf)  }
0x1fa: {  	s30 =	sadd.s32 s31, s29;
	s11 =	spop (v2sf)  }
0x1fb: {  	s22 =	smul.f32 $3.000000000e+00, s17;
	s18 =	sadd.s32 s21, s30;
	s12 =	spop (v2sf)  }
0x1fc: {  	s31 =	scvt.s32.f32 s18;
	s13 =	spop (v2sf)  }
0x1fd: {  	s14 =	spop (v2sf)  }
0x1fe: {  	p0 =	sge.f32 s22, s31;
	s15 =	spop (v2sf)  }
.Ltmp13:
0x1ff: {  	s16 =	spop (v2sf);
	(pc) =	sbr.rel @p0 .LBB2_23-.Ltmp13, $4  }
0x200: {  	s17 =	spop (v2sf)  }
0x201: {  	s18 =	spop (v2sf)  }
0x202: {  	s20 =	spop (v2sf)  }
0x203: {  	s21 =	spop (v2sf)  }
0x204: {  	s0 =	scvt.f32.s32 s22  }
0x205: {  	s2 =	simm.s32 $0x0;
	s8 =	simm.s32 $0x0;
	s5 =	simm.s32 $0x0  }
.LBB2_25:
0x206: {  	s10 =	sand.u32 $0x70, s2;
	s11 =	sand.u32 $0x7F00, s2  }
0x207: {  	s9 =	sshrl.u32 s23, s5;
	s11 =	sor.u32 s10, s11  }
0x208: {  	s9 =	sor.u32 s9, s8;
	v3 =	vld [tilespmem:s11+$0x80]  }
0x209: {  	v1 =	vimm.s32 $0x0;
	s10 =	simm.s32 $0x10;
	v2 =	vmov s9;
	s11 =	simm.s32 $0x0  }
.LBB2_26:
0x20a: {  	p0 =	sne.s32 s10, $0x23F0  }
.Ltmp14:
0x20b: {  	s12 =	sand.u32 $0x70, s10;
	s11 =	sadd.s32 $0x20, s11;
	(pc) =	sbr.rel @p0 .LBB2_26-.Ltmp14, $4  }
0x20c: {  	s10 =	sadd.s32 $0x10, s10;
	s13 =	sand.u32 $0x7F00, s11  }
0x20d: {  	s12 =	sor.u32 s12, s13;
	vm0 =	vge.s32 v3, v2  }
0x20e: {  	v3 =	vld [tilespmem:s12+$0x80];
	v4 =	vsel vm0, $0x1, v0  }
0x20f: {  	v1 =	vadd.s32 v4, v1  }
0x210: {  	_ =	sdelay $0x2  }
0x211: {  	vm0 =	vge.s32 v3, v2  }
0x212: {  	v2 =	vsel vm0, $0x1, v0  }
0x213: {  	v1 =	vadd.s32 v2, v1  }
0x214: {  	(v2sf) =	vpush v1, $0x0  }
0x215: {  	(v2sf) =	vpush v1, $0x1  }
0x216: {  	(v2sf) =	vpush v1, $0x2  }
0x217: {  	(v2sf) =	vpush v1, $0x3  }
0x218: {  	(v2sf) =	vpush v1, $0x4  }
0x219: {  	(v2sf) =	vpush v1, $0x5  }
0x21a: {  	(v2sf) =	vpush v1, $0x6  }
0x21b: {  	(v2sf) =	vpush v1, $0x7  }
0x21c: {  	(v2sf) =	vpush v1, $0x8  }
0x21d: {  	(v2sf) =	vpush v1, $0x9  }
0x21e: {  	(v2sf) =	vpush v1, $0xA  }
0x21f: {  	(v2sf) =	vpush v1, $0xB  }
0x220: {  	(v2sf) =	vpush v1, $0xC  }
0x221: {  	(v2sf) =	vpush v1, $0xD  }
0x222: {  	(v2sf) =	vpush v1, $0xE  }
0x223: {  	s10 =	spop (v2sf);
	(v2sf) =	vpush v1, $0xF  }
0x224: {  	s11 =	spop (v2sf)  }
0x225: {  	s10 =	sadd.s32 s11, s10;
	s15 =	spop (v2sf)  }
0x226: {  	s10 =	sadd.s32 s15, s10;
	s16 =	spop (v2sf)  }
0x227: {  	s10 =	sadd.s32 s16, s10;
	s17 =	spop (v2sf)  }
0x228: {  	s10 =	sadd.s32 s17, s10;
	s18 =	spop (v2sf)  }
0x229: {  	s10 =	sadd.s32 s18, s10;
	s19 =	spop (v2sf)  }
0x22a: {  	s10 =	sadd.s32 s19, s10;
	s20 =	spop (v2sf)  }
0x22b: {  	s10 =	sadd.s32 s20, s10;
	s21 =	spop (v2sf)  }
0x22c: {  	s10 =	sadd.s32 s21, s10;
	s24 =	spop (v2sf)  }
0x22d: {  	s10 =	sadd.s32 s24, s10;
	s25 =	spop (v2sf)  }
0x22e: {  	s10 =	sadd.s32 s25, s10;
	s26 =	spop (v2sf)  }
0x22f: {  	s10 =	sadd.s32 s26, s10;
	s28 =	spop (v2sf)  }
0x230: {  	s10 =	sadd.s32 s28, s10;
	s29 =	spop (v2sf)  }
0x231: {  	s10 =	sadd.s32 s29, s10;
	s30 =	spop (v2sf)  }
0x232: {  	s10 =	sadd.s32 s30, s10;
	s31 =	spop (v2sf)  }
0x233: {  	s10 =	sadd.s32 s31, s10  }
0x234: {  	s5 =	sadd.s32 $0x1, s5;
	p0 =	slt.s32 s10, s0  }
0x235: {  	s9 =	smov.u32 @p0 s8;
	p0 =	seq.s32 s5, $0x1F  }
.Ltmp15:
0x236: {  	_ = 	snop;
	(pc) =	sbr.rel @!p0 .LBB2_25-.Ltmp15, $2  }
0x237: {  	_ =	sdelay $0x2  }
0x238: {  	s8 =	smov.u32 s9  }
0x239: {  	s0 =	simm.s32 $0x0  }
0x23a: {  	s2 =	sand.u32 $0x70, s0;
	s5 =	sand.u32 $0x7F00, s0  }
0x23b: {  	s5 =	sor.u32 s2, s5  }
0x23c: {  	v5 =	vld [tilespmem:s5+$0x80]  }
0x23d: {  	v3 =	vmov s9;
	v7 =	vimm.s32 $0x0;
	v2 =	vld [tilespmem:s5+$0x4880]  }
0x23e: {  	v1 =	vimm.f32 $0.0e+00;
	[dreg:$0x8] =	wrdreg s22;
	v6 =	vimm.f32 $0.0e+00;
	v4 =	vimm.s32 $0x0;
	s2 =	simm.s32 $0x10  }
.LBB2_29:
0x23f: {  	s5 =	sand.u32 $0x70, s2;
	s0 =	sadd.s32 $0x20, s0;
	p0 =	sne.s32 s2, $0x23F0  }
.Ltmp16:
0x240: {  	s2 =	sadd.s32 $0x10, s2;
	s8 =	sand.u32 $0x7F00, s0;
	(pc) =	sbr.rel @p0 .LBB2_29-.Ltmp16, $4  }
0x241: {  	s5 =	sor.u32 s5, s8;
	vm0 =	vgt.s32 v5, v3;
	vm1 =	veq.s32 v5, v3  }
0x242: {  	v5 =	vld [tilespmem:s5+$0x80];
	v8 =	vsel vm0, $0x1, v0;
	v9 =	vnsel vm0, $0x0, v2;
	v10 =	vnsel vm1, $0x0, v2  }
0x243: {  	v2 =	vld [tilespmem:s5+$0x4880];
	v7 =	vadd.s32 v8, v7;
	v8 =	vsel vm1, $0x1, v0;
	v1 =	vadd.f32 v10, v1  }
0x244: {  	v6 =	vadd.f32 v9, v6;
	v4 =	vadd.s32 v8, v4  }
0x245: {  	_ =	sdelay $0x1  }
0x246: {  	vm0 =	vgt.s32 v5, v3  }
0x247: {  	v8 =	vsel vm0, $0x1, v0  }
0x248: {  	v7 =	vadd.s32 v8, v7  }
0x249: {  	(v2sf) =	vpush v7, $0x0  }
0x24a: {  	(v2sf) =	vpush v7, $0x1  }
0x24b: {  	(v2sf) =	vpush v7, $0x2  }
0x24c: {  	(v2sf) =	vpush v7, $0x3  }
0x24d: {  	(v2sf) =	vpush v7, $0x4  }
0x24e: {  	(v2sf) =	vpush v7, $0x5  }
0x24f: {  	(v2sf) =	vpush v7, $0x6  }
0x250: {  	(v2sf) =	vpush v7, $0x7  }
0x251: {  	(v2sf) =	vpush v7, $0x8  }
0x252: {  	(v2sf) =	vpush v7, $0x9  }
0x253: {  	(v2sf) =	vpush v7, $0xA  }
0x254: {  	(v2sf) =	vpush v7, $0xB  }
0x255: {  	(v2sf) =	vpush v7, $0xC  }
0x256: {  	v63 =	vnsel vm0, $0x0, v2;
	(v2sf) =	vpush v7, $0xD  }
0x257: {  	v6 =	vadd.f32 v63, v6;
	(v2sf) =	vpush v7, $0xE  }
0x258: {  	s0 =	spop (v2sf);
	(v2sf) =	vpush v7, $0xF  }
0x259: {  	s31 =	spop (v2sf);
	(v2sf) =	vpush v6, $0x0  }
0x25a: {  	s2 =	spop (v2sf);
	(v2sf) =	vpush v6, $0x1  }
0x25b: {  	s5 =	spop (v2sf);
	(v2sf) =	vpush v6, $0x2  }
0x25c: {  	s8 =	spop (v2sf);
	(v2sf) =	vpush v6, $0x3  }
0x25d: {  	s9 =	spop (v2sf);
	(v2sf) =	vpush v6, $0x4  }
0x25e: {  	s10 =	spop (v2sf);
	(v2sf) =	vpush v6, $0x5  }
0x25f: {  	s11 =	spop (v2sf);
	(v2sf) =	vpush v6, $0x6  }
0x260: {  	s12 =	spop (v2sf);
	(v2sf) =	vpush v6, $0x7  }
0x261: {  	s13 =	spop (v2sf);
	(v2sf) =	vpush v6, $0x8  }
0x262: {  	s14 =	spop (v2sf);
	(v2sf) =	vpush v6, $0x9  }
0x263: {  	s15 =	spop (v2sf);
	(v2sf) =	vpush v6, $0xA  }
0x264: {  	s16 =	spop (v2sf);
	(v2sf) =	vpush v6, $0xB  }
0x265: {  	[smem:$0x7E8] =	sst s0;
	s17 =	spop (v2sf);
	(v2sf) =	vpush v6, $0xC  }
0x266: {  	vm15 =	veq.s32 v5, v3;
	[smem:$0x7E9] =	sst s31;
	s18 =	spop (v2sf);
	(v2sf) =	vpush v6, $0xD  }
0x267: {  	v3 =	vsel vm15, $0x1, v0;
	[smem:$0x7EA] =	sst s2;
	s19 =	spop (v2sf);
	(v2sf) =	vpush v6, $0xE  }
0x268: {  	v3 =	vadd.s32 v3, v4;
	[smem:$0x7EC] =	sst s8;
	s8 =	spop (v2sf);
	(v2sf) =	vpush v6, $0xF  }
0x269: {  	[smem:$0x7EB] =	sst s5;
	s28 =	spop (v2sf);
	(v2sf) =	vpush v3, $0x0  }
0x26a: {  	[dreg:$0x1e] =	wrdreg s9;
	s29 =	spop (v2sf);
	(v2sf) =	vpush v3, $0x1  }
0x26b: {  	[dreg:$0x1c] =	wrdreg s10;
	s30 =	spop (v2sf);
	(v2sf) =	vpush v3, $0x2  }
0x26c: {  	[dreg:$0x1a] =	wrdreg s11;
	s31 =	spop (v2sf);
	(v2sf) =	vpush v3, $0x3  }
0x26d: {  	[dreg:$0x14] =	wrdreg s14;
	s14 =	spop (v2sf);
	(v2sf) =	vpush v3, $0x4  }
0x26e: {  	[dreg:$0x18] =	wrdreg s12;
	s12 =	spop (v2sf);
	(v2sf) =	vpush v3, $0x5  }
0x26f: {  	[dreg:$0x16] =	wrdreg s13;
	s9 =	spop (v2sf);
	(v2sf) =	vpush v3, $0x6  }
0x270: {  	[dreg:$0x12] =	wrdreg s15;
	s24 =	spop (v2sf);
	(v2sf) =	vpush v3, $0x7  }
0x271: {  	[dreg:$0xe] =	wrdreg s17;
	(v2sf) =	vpush v3, $0x8;
	s22 =	spop (v2sf)  }
0x272: {  	s28 =	sadd.f32 s28, s8;
	(v2sf) =	vpush v3, $0x9;
	s17 =	spop (v2sf)  }
0x273: {  	[dreg:$0x10] =	wrdreg s16;
	(v2sf) =	vpush v3, $0xA;
	s20 =	spop (v2sf)  }
0x274: {  	s28 =	sadd.f32 s28, s29;
	(v2sf) =	vpush v3, $0xB;
	s21 =	spop (v2sf)  }
0x275: {  	[dreg:$0xc] =	wrdreg s18;
	(v2sf) =	vpush v3, $0xC;
	s23 =	spop (v2sf)  }
0x276: {  	v2 =	vnsel vm15, $0x0, v2;
	s28 =	sadd.f32 s28, s30;
	(v2sf) =	vpush v3, $0xD;
	s25 =	spop (v2sf)  }
0x277: {  	v1 =	vadd.f32 v2, v1;
	[dreg:$0xa] =	wrdreg s19;
	(v2sf) =	vpush v3, $0xE;
	s26 =	spop (v2sf)  }
0x278: {  	s28 =	sadd.f32 s28, s31;
	(v2sf) =	vpush v3, $0xF;
	s2 =	spop (v2sf)  }
0x279: {  	s31 =	sld [smem:$0x7E9];
	(v2sf) =	vpush v1, $0x0;
	s18 =	spop (v2sf)  }
0x27a: {  	s14 =	sadd.f32 s28, s14;
	(v2sf) =	vpush v1, $0x1;
	s10 =	spop (v2sf)  }
0x27b: {  	[smem:$0x7ED] =	sst s20;
	s16 =	spop (v2sf)  }
0x27c: {  	s12 =	sadd.f32 s14, s12;
	s13 =	spop (v2sf)  }
0x27d: {  	[smem:$0x7EE] =	sst s21;
	(v2sf) =	vpush v1, $0x2;
	s21 =	spop (v2sf)  }
0x27e: {  	[smem:$0x7EF] =	sst s23;
	s5 =	spop (v2sf)  }
0x27f: {  	s9 =	sadd.f32 s12, s9;
	(v2sf) =	vpush v1, $0x3;
	s11 =	spop (v2sf)  }
0x280: {  	[smem:$0x7F1] =	sst s26;
	s26 =	spop (v2sf)  }
0x281: {  	[smem:$0x7F0] =	sst s25;
	(v2sf) =	vpush v1, $0x4;
	s25 =	spop (v2sf)  }
0x282: {  	s9 =	sadd.f32 s9, s24;
	s23 =	spop (v2sf)  }
0x283: {  	s24 =	rddreg [dreg:$0x14];
	(v2sf) =	vpush v1, $0x5;
	s19 =	spop (v2sf)  }
0x284: {  	s9 =	sadd.f32 s9, s22;
	s20 =	spop (v2sf)  }
0x285: {  	s2 =	sadd.s32 s18, s2;
	s18 =	rddreg [dreg:$0xe];
	s15 =	spop (v2sf)  }
0x286: {  	s2 =	sadd.s32 s10, s2;
	s9 =	sadd.f32 s9, s17;
	(v2sf) =	vpush v1, $0x6;
	s0 =	spop (v2sf)  }
0x287: {  	s2 =	sadd.s32 s16, s2;
	s16 =	sld [smem:$0x7EF];
	s8 =	spop (v2sf)  }
0x288: {  	s2 =	sadd.s32 s13, s2;
	[smem:$0x7F2] =	sst s0;
	s0 =	spop (v2sf)  }
0x289: {  	s2 =	sadd.s32 s21, s2;
	s21 =	sld [smem:$0x7F0];
	(v2sf) =	vpush v1, $0x7;
	s29 =	spop (v2sf)  }
0x28a: {  	s2 =	sadd.s32 s5, s2;
	s0 =	sadd.f32 s29, s0  }
0x28b: {  	s2 =	sadd.s32 s11, s2;
	s29 =	sld [smem:$0x7E8]  }
0x28c: {  	s2 =	sadd.s32 s26, s2;
	s26 =	rddreg [dreg:$0xa];
	s30 =	spop (v2sf)  }
0x28d: {  	(v2sf) =	vpush v1, $0x8;
	s0 =	sadd.f32 s0, s30  }
0x28e: {  	s30 =	spop (v2sf);
	s29 =	sadd.s32 s31, s29;
	s31 =	sld [smem:$0x7EA]  }
0x28f: {  	s2 =	sadd.s32 s25, s2;
	s0 =	sadd.f32 s0, s30  }
0x290: {  	s2 =	sadd.s32 s23, s2;
	s23 =	rddreg [dreg:$0xc];
	(v2sf) =	vpush v1, $0x9;
	s28 =	spop (v2sf)  }
0x291: {  	s0 =	sadd.f32 s0, s28  }
0x292: {  	s30 =	spop (v2sf);
	s28 =	sadd.s32 s31, s29;
	s31 =	sld [smem:$0x7EB]  }
0x293: {  	s0 =	sadd.f32 s0, s30  }
0x294: {  	(v2sf) =	vpush v1, $0xA;
	s30 =	sld [smem:$0x7EC]  }
0x295: {  	s29 =	rddreg [dreg:$0x1e];
	s28 =	sadd.s32 s31, s28;
	s31 =	spop (v2sf)  }
0x296: {  	s0 =	sadd.f32 s0, s31  }
0x297: {  	s14 =	sadd.s32 s30, s28;
	s30 =	rddreg [dreg:$0x1c]  }
0x298: {  	(v2sf) =	vpush v1, $0xB;
	s31 =	spop (v2sf);
	s28 =	rddreg [dreg:$0x1a]  }
0x299: {  	s0 =	sadd.f32 s0, s31  }
0x29a: {  	(v2sf) =	vpush v1, $0xC;
	s14 =	sadd.s32 s29, s14;
	s29 =	rddreg [dreg:$0x18]  }
0x29b: {  	s31 =	rddreg [dreg:$0x16]  }
0x29c: {  	s12 =	sadd.s32 s30, s14;
	s30 =	spop (v2sf);
	s14 =	rddreg [dreg:$0x10]  }
0x29d: {  	(v2sf) =	vpush v1, $0xD;
	s0 =	sadd.f32 s0, s30  }
0x29e: {  	(v2sf) =	vpush v1, $0xE;
	s12 =	sadd.s32 s28, s12;
	s28 =	sld [smem:$0x7ED]  }
0x29f: {  	s22 =	spop (v2sf);
	s30 =	rddreg [dreg:$0x12]  }
0x2a0: {  	(v2sf) =	vpush v1, $0xF;
	s12 =	sadd.s32 s29, s12;
	s0 =	sadd.f32 s0, s22  }
0x2a1: {  	s12 =	sadd.s32 s31, s12;
	s31 =	sld [smem:$0x7EE]  }
0x2a2: {  	s9 =	sadd.f32 s9, s28  }
0x2a3: {  	s29 =	spop (v2sf);
	s12 =	sadd.s32 s24, s12;
	s24 =	sld [smem:$0x7F1]  }
0x2a4: {  	s0 =	sadd.f32 s0, s29  }
0x2a5: {  	s29 =	sld [smem:$0x7F2]  }
0x2a6: {  	s9 =	sadd.f32 s9, s31  }
0x2a7: {  	s13 =	spop (v2sf);
	s12 =	sadd.s32 s30, s12;
	s31 =	rddreg [dreg:$0x8]  }
0x2a8: {  	s10 =	sadd.s32 s14, s12;
	s0 =	sadd.f32 s0, s13  }
0x2a9: {  	s17 =	spop (v2sf);
	s10 =	sadd.s32 s18, s10;
	s5 =	sadd.f32 s9, s16  }
0x2aa: {  	s10 =	sadd.s32 s23, s10;
	s0 =	sadd.f32 s0, s17  }
0x2ab: {  	s10 =	sadd.s32 s26, s10;
	s26 =	rddreg [dreg:$0x2]  }
0x2ac: {  	s2 =	sadd.s32 s19, s2;
	s22 =	spop (v2sf);
	s5 =	sadd.f32 s5, s21  }
0x2ad: {  	s2 =	sadd.s32 s20, s2;
	s25 =	spop (v2sf);
	s9 =	sadd.f32 s0, s22  }
.Ltmp17:
0x2ae: {  	s2 =	sadd.s32 s15, s2;
	s0 =	sadd.f32 s5, s24;
	(pc) =	sbr.rel .LBB2_31-.Ltmp17, $4  }
0x2af: {  	s30 =	spop (v2sf);
	s2 =	sadd.s32 s29, s2;
	s5 =	sadd.f32 s9, s25  }
0x2b0: {  	s8 =	sadd.s32 s8, s2;
	s28 =	scvt.s32.f32 s10;
	s9 =	rddreg [dreg:$0x7]  }
0x2b1: {  	s23 =	simm.s32 $0x40000000;
	s8 =	scvt.s32.f32 s8;
	s2 =	sadd.f32 s5, s30  }
0x2b2: {  	s24 =	simm.s32 $0x9100;
	s25 =	simm.s32 $0x3;
	s5 =	ssub.f32 s31, s28  }
.LBB2_32:
0x2b3: {  	_ =	sfence.sel $0x180000  }
0x2b4: {  	[bflag:$0x0] =	sbarrier.arrive $0xFFFF  }
0x2b5: {  	_ =	strace $0x90000047  }
0x2b6: {  	s0 =	stileid.u32;
	[bflag:$0x2] =	sbarrier.arrive $0xFFFF  }
0x2b7: {  	p0 =	sne.s32 s0, $0x0;
	s0 =	rddreg [dreg:$0x1]  }
0x2b8: {  	s0 =	sadd.s32 @!p0 $0x100000, s0  }
0x2b9: {  	[sflag:s0] =	ssyncadd.tile.s32 @!p0 $0x1;
	_ =	shalt  }
.Lfunc_end2:
_tile_overlayer_lowered:
.L_overlay_start_2:
0x2ba: {  	(tag) =	ssettag $0x2  }
0x2bb: {  	s0 =	rddreg [dreg:$0x0];
	s2 =	stileid.u32  }
0x2bc: {  	s1 =	rddreg [dreg:$0x1];
	p0 =	sne.s32 s2, $0x0  }
0x2bd: {  	s3 =	rddreg [dreg:$0x2];
	[bflag:$0x3] =	sbarrier.arrive $0xFFFF;
	s2 =	simm.s32 @!p0 $0x1C03  }
0x2be: {  	[timem:s3], [sflag:s2] =	dma.local @!p0 [hbm:s0], s1  }
0x2bf: {  	s0 =	simm.s32 @!p0 $0x3  }
0x2c0: {  	_ =	swait.ge @!p0 [sflag:s0], s1  }
0x2c1: {  	s1 =	ssub.s32 @!p0 $0x0, s1;
	[sflag:s0] =	ssyncset.done @!p0 $0x0  }
0x2c2: {  	[sflag:s0] =	ssyncadd.s32 @!p0 s1  }
0x2c3: {  	[bflag:$0x3] =	sbarrier.arrive $0xFFFF  }
0x2c4: {  	_ =	shalt  }

</sc_bundles>
